<compile_context>
chip_gen: v7x
topology: tpu7x:2x2x1
jax: 0.10.2.dev20260603
libtpu: 0.0.44.dev20260713+nightly
codegen_flags: <defaults>
</compile_context>

<pallas_src>
import functools

import jax
import jax.numpy as jnp
from jax import lax
from jax.experimental import pallas as pl
from jax.experimental.pallas import tpu as pltpu
from jax.experimental.pallas import tpu_sc as plsc

D = 64
NB = 16384
NS = 50
NW = 32
B_PER_W = NB // NW
NBBLK = NB // 128
BBLK_PER_W = NBBLK // NW
UBLK = 128
UB_PER_W = B_PER_W // UBLK
N_UNITS = UB_PER_W * NS
DEPTH = 4


def _sc_embedding_gather(idx_flat, weight):
    mesh = plsc.VectorSubcoreMesh(core_axis_name="c", subcore_axis_name="s")

    @functools.partial(
        pl.kernel,
        mesh=mesh,
        out_type=jax.ShapeDtypeStruct((NS, D // 8, NBBLK, 8, 128),
                                      jnp.float32),
        scratch_types=(
            [pltpu.VMEM((UBLK,), jnp.int32)] * DEPTH
            + [pltpu.VMEM((UBLK, D), jnp.float32)] * DEPTH
            + [pltpu.VMEM((D // 8, UBLK // 128, 8, 128), jnp.float32)]
            * DEPTH
            + [pltpu.SemaphoreType.DMA] * (3 * DEPTH)
        ),
        compiler_params=pltpu.CompilerParams(
            use_tc_tiling_on_sc=False, needs_layout_passes=False),
    )
    def k(table_hbm, idx_hbm, out_hbm, *bufs):
        gidx_l = bufs[0:DEPTH]
        rows_l = bufs[DEPTH:2 * DEPTH]
        rt_l = bufs[2 * DEPTH:3 * DEPTH]
        sem_i = bufs[3 * DEPTH:4 * DEPTH]
        sem_g = bufs[4 * DEPTH:5 * DEPTH]
        sem_s = bufs[5 * DEPTH:6 * DEPTH]
        wid = lax.axis_index("s") * 2 + lax.axis_index("c")

        iota = lax.iota(jnp.int32, 16)

        def unit_sb(u):
            return u % NS, u // NS

        def load_gidx(u, gidx, sem):
            s, bb = unit_sb(u)
            pltpu.async_copy(
                idx_hbm.at[pl.ds(s * NB + wid * B_PER_W + bb * UBLK, UBLK)],
                gidx, sem)

        def wait_gidx(u, gidx, sem):
            s, bb = unit_sb(u)
            pltpu.make_async_copy(
                idx_hbm.at[pl.ds(s * NB + wid * B_PER_W + bb * UBLK, UBLK)],
                gidx, sem).wait()

        def gather(gidx, rows, sem):
            pltpu.async_copy(table_hbm.at[gidx], rows, sem)

        def wait_gather(gidx, rows, sem):
            pltpu.make_async_copy(table_hbm.at[gidx], rows, sem).wait()

        bases = [iota + bg * 16 for bg in range(UBLK // 16)]

        def transpose(rows, rt):
            @plsc.parallel_loop(0, D, unroll=4)
            def _(d):
                col = jnp.full((16,), d, jnp.int32)
                dhi = d // 8
                dlo = d % 8
                for bg in range(UBLK // 16):
                    v = plsc.load_gather(rows, [bases[bg], col])
                    rt[dhi, bg // 8, dlo, pl.ds((bg % 8) * 16, 16)] = v

        def out_slice(u):
            s, bb = unit_sb(u)
            nblk = UBLK // 128
            return out_hbm.at[s, :, pl.ds(wid * BBLK_PER_W + bb * nblk,
                                          nblk)]

        def store(u, rt, sem):
            pltpu.async_copy(rt, out_slice(u), sem)

        def wait_store(u, rt, sem):
            pltpu.make_async_copy(rt, out_slice(u), sem).wait()

        for j in range(DEPTH):
            load_gidx(j, gidx_l[j], sem_i[j])
        for j in range(DEPTH):
            wait_gidx(j, gidx_l[j], sem_i[j])
            gather(gidx_l[j], rows_l[j], sem_g[j])

        def body(i, carry):
            for j in range(DEPTH):
                u = DEPTH * i + j
                wait_gather(gidx_l[j], rows_l[j], sem_g[j])

                @pl.when(u + DEPTH < N_UNITS)
                def _():
                    load_gidx(u + DEPTH, gidx_l[j], sem_i[j])

                @pl.when(i > 0)
                def _():
                    wait_store(u - DEPTH, rt_l[j], sem_s[j])

                transpose(rows_l[j], rt_l[j])
                store(u, rt_l[j], sem_s[j])

                @pl.when(u + DEPTH < N_UNITS)
                def _():
                    wait_gidx(u + DEPTH, gidx_l[j], sem_i[j])
                    gather(gidx_l[j], rows_l[j], sem_g[j])

            return carry

        lax.fori_loop(0, N_UNITS // DEPTH, body, 0)
        for j in range(DEPTH):
            wait_store(N_UNITS - DEPTH + j, rt_l[j], sem_s[j])

    return k(weight, idx_flat)


NV = 1000000
TBLK = 2048


def _tc_relayout_table(wt):
    grid = (NV + TBLK - 1) // TBLK

    def body(wt_ref, out_ref):
        x = wt_ref[...]
        y = jnp.transpose(x)
        out_ref[:, 0:D] = y
        out_ref[:, D:128] = jnp.zeros((TBLK, 128 - D), jnp.float32)

    return pl.pallas_call(
        body,
        grid=(grid,),
        in_specs=[pl.BlockSpec((D, TBLK), lambda i: (0, i))],
        out_specs=pl.BlockSpec((TBLK, 128), lambda i: (i, 0)),
        out_shape=jax.ShapeDtypeStruct((NV, 128), jnp.float32),
    )(wt)


def kernel(input, weight):
    idx_flat = input.T.reshape(-1).astype(jnp.int32) * 2
    w_pad = _tc_relayout_table(weight.T)
    w2m = jnp.reshape(w_pad, (2 * NV, D))
    out5 = _sc_embedding_gather(idx_flat, w2m)
    return jnp.transpose(out5, (2, 4, 0, 1, 3)).reshape(NB, NS, D)

# --- scband reference (transcript-rebuilt; emitter-appended) ---
"""Pipeline reference for scband-affect-embedding-70506183131536 (READ-ONLY COPY).

The authoritative reference and input builder live on the scoring server;
editing this copy changes nothing except your own understanding.
"""

import jax, jax.numpy as jnp
import numpy as np

NUM_VOCAB = 1000000
EMBED_DIM = 64
PAD_ID = 0

def setup_inputs(seed: int = 0) -> dict:
    key = jax.random.key(seed)
    k_idx, k_w = jax.random.split(key)
    input = jax.random.randint(k_idx, (16384, 50), 0, NUM_VOCAB, dtype=jnp.int64 if jax.config.jax_enable_x64 else jnp.int32)
    weight = jax.random.normal(k_w, (NUM_VOCAB, EMBED_DIM), dtype=jnp.float32)
    # padding_idx row is zeroed, mimicking nn.Embedding(padding_idx=pad_id)
    weight = weight.at[PAD_ID].set(0.0)
    return {"input": input, "weight": weight}

def reference(input, weight):
    # embedding lookup: gather rows of the table
    embeded = jnp.take(weight, input, axis=0)
    return embeded

if __name__ == "__main__":
    import jax
    _d = setup_inputs()
    print(jax.jit(kernel)(*tuple(_d.values())))

</pallas_src>

<mosaic_0001>
#map = affine_map<(d0, d1) -> (0, 0)>
#map1 = affine_map<(d0, d1) -> (0)>
#map2 = affine_map<(d0, d1) -> (0, 0, 0, 0, 0)>
module attributes {stable_mosaic.version = 14 : i64} {
  func.func @k(%arg0: i32, %arg1: i32, %arg2: memref<2000000x64xf32, #tpu.memory_space<hbm>>, %arg3: memref<819200xi32, #tpu.memory_space<hbm>>, %arg4: memref<50x8x128x8x128xf32, #tpu.memory_space<hbm>>, %arg5: memref<128xi32, #tpu.memory_space<vmem>>, %arg6: memref<128xi32, #tpu.memory_space<vmem>>, %arg7: memref<128xi32, #tpu.memory_space<vmem>>, %arg8: memref<128xi32, #tpu.memory_space<vmem>>, %arg9: memref<128x64xf32, #tpu.memory_space<vmem>>, %arg10: memref<128x64xf32, #tpu.memory_space<vmem>>, %arg11: memref<128x64xf32, #tpu.memory_space<vmem>>, %arg12: memref<128x64xf32, #tpu.memory_space<vmem>>, %arg13: memref<8x1x8x128xf32, #tpu.memory_space<vmem>>, %arg14: memref<8x1x8x128xf32, #tpu.memory_space<vmem>>, %arg15: memref<8x1x8x128xf32, #tpu.memory_space<vmem>>, %arg16: memref<8x1x8x128xf32, #tpu.memory_space<vmem>>, %arg17: memref<!tpu.dma_semaphore, #tpu.memory_space<semaphore_mem>>, %arg18: memref<!tpu.dma_semaphore, #tpu.memory_space<semaphore_mem>>, %arg19: memref<!tpu.dma_semaphore, #tpu.memory_space<semaphore_mem>>, %arg20: memref<!tpu.dma_semaphore, #tpu.memory_space<semaphore_mem>>, %arg21: memref<!tpu.dma_semaphore, #tpu.memory_space<semaphore_mem>>, %arg22: memref<!tpu.dma_semaphore, #tpu.memory_space<semaphore_mem>>, %arg23: memref<!tpu.dma_semaphore, #tpu.memory_space<semaphore_mem>>, %arg24: memref<!tpu.dma_semaphore, #tpu.memory_space<semaphore_mem>>, %arg25: memref<!tpu.dma_semaphore, #tpu.memory_space<semaphore_mem>>, %arg26: memref<!tpu.dma_semaphore, #tpu.memory_space<semaphore_mem>>, %arg27: memref<!tpu.dma_semaphore, #tpu.memory_space<semaphore_mem>>, %arg28: memref<!tpu.dma_semaphore, #tpu.memory_space<semaphore_mem>>) attributes {dimension_semantics = [#tpu.dimension_semantics<core_parallel>, #tpu.dimension_semantics<subcore_parallel>], iteration_bounds = array<i64: 2, 16>, scalar_prefetch = 0 : i64, scratch_operands = 24 : i64, tpu.core_type = #tpu.core_type<sc_vector_subcore>, window_params = [{transform_indices = #map}, {transform_indices = #map1}, {transform_indices = #map2}]} {
    %mul3A = arith.constant 2 : i32
    %mul3A_0 = arith.muli %arg1, %mul3A : i32
    %add3A = arith.addi %mul3A_0, %arg0 : i32
    %iota3A = tpu.iota {dimensions = array<i32: 0>} : vector<16xi32>
    %add3A_1 = arith.constant 0 : i32
    %add3A_2 = vector.broadcast %add3A_1 : i32 to vector<16xi32>
    %add3A_3 = arith.addi %iota3A, %add3A_2 : vector<16xi32>
    %add3A_4 = arith.constant 16 : i32
    %add3A_5 = vector.broadcast %add3A_4 : i32 to vector<16xi32>
    %add3A_6 = arith.addi %iota3A, %add3A_5 : vector<16xi32>
    %add3A_7 = arith.constant 32 : i32
    %add3A_8 = vector.broadcast %add3A_7 : i32 to vector<16xi32>
    %add3A_9 = arith.addi %iota3A, %add3A_8 : vector<16xi32>
    %add3A_10 = arith.constant 48 : i32
    %add3A_11 = vector.broadcast %add3A_10 : i32 to vector<16xi32>
    %add3A_12 = arith.addi %iota3A, %add3A_11 : vector<16xi32>
    %add3A_13 = arith.constant 64 : i32
    %add3A_14 = vector.broadcast %add3A_13 : i32 to vector<16xi32>
    %add3A_15 = arith.addi %iota3A, %add3A_14 : vector<16xi32>
    %add3A_16 = arith.constant 80 : i32
    %add3A_17 = vector.broadcast %add3A_16 : i32 to vector<16xi32>
    %add3A_18 = arith.addi %iota3A, %add3A_17 : vector<16xi32>
    %add3A_19 = arith.constant 96 : i32
    %add3A_20 = vector.broadcast %add3A_19 : i32 to vector<16xi32>
    %add3A_21 = arith.addi %iota3A, %add3A_20 : vector<16xi32>
    %add3A_22 = arith.constant 112 : i32
    %add3A_23 = vector.broadcast %add3A_22 : i32 to vector<16xi32>
    %add3A_24 = arith.addi %iota3A, %add3A_23 : vector<16xi32>
    %mul3A_25 = arith.constant 512 : i32
    %mul3A_26 = arith.muli %add3A, %mul3A_25 : i32
    %add3A_27 = arith.constant 0 : i32
    %add3A_28 = arith.addi %add3A_27, %mul3A_26 : i32
    %add3A_29 = arith.constant 0 : i32
    %add3A_30 = arith.addi %add3A_28, %add3A_29 : i32
    %dma_start3A = tpu.memref_slice %arg3[%add3A_30] : memref<819200xi32, #tpu.memory_space<hbm>> -> memref<128xi32, #tpu.memory_space<hbm>>
    %dma_start3A_31 = tpu.memref_slice %arg3[%add3A_30] : memref<819200xi32, #tpu.memory_space<hbm>> -> memref<128xi32, #tpu.memory_space<hbm>>
    tpu.enqueue_dma source(%dma_start3A_31 : memref<128xi32, #tpu.memory_space<hbm>>) target(%arg5 : memref<128xi32, #tpu.memory_space<vmem>>) target_semaphore(%arg17 : memref<!tpu.dma_semaphore, #tpu.memory_space<semaphore_mem>>)
    %mul3A_32 = arith.constant 512 : i32
    %mul3A_33 = arith.muli %add3A, %mul3A_32 : i32
    %add3A_34 = arith.constant 16384 : i32
    %add3A_35 = arith.addi %add3A_34, %mul3A_33 : i32
    %add3A_36 = arith.constant 0 : i32
    %add3A_37 = arith.addi %add3A_35, %add3A_36 : i32
    %dma_start3A_38 = tpu.memref_slice %arg3[%add3A_37] : memref<819200xi32, #tpu.memory_space<hbm>> -> memref<128xi32, #tpu.memory_space<hbm>>
    %dma_start3A_39 = tpu.memref_slice %arg3[%add3A_37] : memref<819200xi32, #tpu.memory_space<hbm>> -> memref<128xi32, #tpu.memory_space<hbm>>
    tpu.enqueue_dma source(%dma_start3A_39 : memref<128xi32, #tpu.memory_space<hbm>>) target(%arg6 : memref<128xi32, #tpu.memory_space<vmem>>) target_semaphore(%arg18 : memref<!tpu.dma_semaphore, #tpu.memory_space<semaphore_mem>>)
    %mul3A_40 = arith.constant 512 : i32
    %mul3A_41 = arith.muli %add3A, %mul3A_40 : i32
    %add3A_42 = arith.constant 32768 : i32
    %add3A_43 = arith.addi %add3A_42, %mul3A_41 : i32
    %add3A_44 = arith.constant 0 : i32
    %add3A_45 = arith.addi %add3A_43, %add3A_44 : i32
    %dma_start3A_46 = tpu.memref_slice %arg3[%add3A_45] : memref<819200xi32, #tpu.memory_space<hbm>> -> memref<128xi32, #tpu.memory_space<hbm>>
    %dma_start3A_47 = tpu.memref_slice %arg3[%add3A_45] : memref<819200xi32, #tpu.memory_space<hbm>> -> memref<128xi32, #tpu.memory_space<hbm>>
    tpu.enqueue_dma source(%dma_start3A_47 : memref<128xi32, #tpu.memory_space<hbm>>) target(%arg7 : memref<128xi32, #tpu.memory_space<vmem>>) target_semaphore(%arg19 : memref<!tpu.dma_semaphore, #tpu.memory_space<semaphore_mem>>)
    %mul3A_48 = arith.constant 512 : i32
    %mul3A_49 = arith.muli %add3A, %mul3A_48 : i32
    %add3A_50 = arith.constant 49152 : i32
    %add3A_51 = arith.addi %add3A_50, %mul3A_49 : i32
    %add3A_52 = arith.constant 0 : i32
    %add3A_53 = arith.addi %add3A_51, %add3A_52 : i32
    %dma_start3A_54 = tpu.memref_slice %arg3[%add3A_53] : memref<819200xi32, #tpu.memory_space<hbm>> -> memref<128xi32, #tpu.memory_space<hbm>>
    %dma_start3A_55 = tpu.memref_slice %arg3[%add3A_53] : memref<819200xi32, #tpu.memory_space<hbm>> -> memref<128xi32, #tpu.memory_space<hbm>>
    tpu.enqueue_dma source(%dma_start3A_55 : memref<128xi32, #tpu.memory_space<hbm>>) target(%arg8 : memref<128xi32, #tpu.memory_space<vmem>>) target_semaphore(%arg20 : memref<!tpu.dma_semaphore, #tpu.memory_space<semaphore_mem>>)
    %mul3A_56 = arith.constant 512 : i32
    %mul3A_57 = arith.muli %add3A, %mul3A_56 : i32
    %add3A_58 = arith.constant 0 : i32
    %add3A_59 = arith.addi %add3A_58, %mul3A_57 : i32
    %add3A_60 = arith.constant 0 : i32
    %add3A_61 = arith.addi %add3A_59, %add3A_60 : i32
    %dma_wait3A = tpu.memref_slice %arg3[%add3A_61] : memref<819200xi32, #tpu.memory_space<hbm>> -> memref<128xi32, #tpu.memory_space<hbm>>
    %dma_wait3A_62 = tpu.memref_slice %arg3[%add3A_61] : memref<819200xi32, #tpu.memory_space<hbm>> -> memref<128xi32, #tpu.memory_space<hbm>>
    tpu.wait_dma2 semaphore(%arg17 : memref<!tpu.dma_semaphore, #tpu.memory_space<semaphore_mem>>) src(%dma_wait3A_62 : memref<128xi32, #tpu.memory_space<hbm>>) dst(%arg5 : memref<128xi32, #tpu.memory_space<vmem>>)
    %dma_start3A_63 = arith.constant 0 : i32
    %dma_start3A_64 = arith.constant 0 : i32
    %dma_start3A_65 = tpu.memref_slice %arg2[%dma_start3A_63, %dma_start3A_64] : memref<2000000x64xf32, #tpu.memory_space<hbm>> -> memref<2000000x64xf32, #tpu.memory_space<hbm>>
    tpu.enqueue_indirect_dma source(%dma_start3A_65 : memref<2000000x64xf32, #tpu.memory_space<hbm>>) target(%arg9 : memref<128x64xf32, #tpu.memory_space<vmem>>) offsets(%arg5 : memref<128xi32, #tpu.memory_space<vmem>>) semaphore(%arg21 : memref<!tpu.dma_semaphore, #tpu.memory_space<semaphore_mem>>)
    %mul3A_66 = arith.constant 512 : i32
    %mul3A_67 = arith.muli %add3A, %mul3A_66 : i32
    %add3A_68 = arith.constant 16384 : i32
    %add3A_69 = arith.addi %add3A_68, %mul3A_67 : i32
    %add3A_70 = arith.constant 0 : i32
    %add3A_71 = arith.addi %add3A_69, %add3A_70 : i32
    %dma_wait3A_72 = tpu.memref_slice %arg3[%add3A_71] : memref<819200xi32, #tpu.memory_space<hbm>> -> memref<128xi32, #tpu.memory_space<hbm>>
    %dma_wait3A_73 = tpu.memref_slice %arg3[%add3A_71] : memref<819200xi32, #tpu.memory_space<hbm>> -> memref<128xi32, #tpu.memory_space<hbm>>
    tpu.wait_dma2 semaphore(%arg18 : memref<!tpu.dma_semaphore, #tpu.memory_space<semaphore_mem>>) src(%dma_wait3A_73 : memref<128xi32, #tpu.memory_space<hbm>>) dst(%arg6 : memref<128xi32, #tpu.memory_space<vmem>>)
    %dma_start3A_74 = arith.constant 0 : i32
    %dma_start3A_75 = arith.constant 0 : i32
    %dma_start3A_76 = tpu.memref_slice %arg2[%dma_start3A_74, %dma_start3A_75] : memref<2000000x64xf32, #tpu.memory_space<hbm>> -> memref<2000000x64xf32, #tpu.memory_space<hbm>>
    tpu.enqueue_indirect_dma source(%dma_start3A_76 : memref<2000000x64xf32, #tpu.memory_space<hbm>>) target(%arg10 : memref<128x64xf32, #tpu.memory_space<vmem>>) offsets(%arg6 : memref<128xi32, #tpu.memory_space<vmem>>) semaphore(%arg22 : memref<!tpu.dma_semaphore, #tpu.memory_space<semaphore_mem>>)
    %mul3A_77 = arith.constant 512 : i32
    %mul3A_78 = arith.muli %add3A, %mul3A_77 : i32
    %add3A_79 = arith.constant 32768 : i32
    %add3A_80 = arith.addi %add3A_79, %mul3A_78 : i32
    %add3A_81 = arith.constant 0 : i32
    %add3A_82 = arith.addi %add3A_80, %add3A_81 : i32
    %dma_wait3A_83 = tpu.memref_slice %arg3[%add3A_82] : memref<819200xi32, #tpu.memory_space<hbm>> -> memref<128xi32, #tpu.memory_space<hbm>>
    %dma_wait3A_84 = tpu.memref_slice %arg3[%add3A_82] : memref<819200xi32, #tpu.memory_space<hbm>> -> memref<128xi32, #tpu.memory_space<hbm>>
    tpu.wait_dma2 semaphore(%arg19 : memref<!tpu.dma_semaphore, #tpu.memory_space<semaphore_mem>>) src(%dma_wait3A_84 : memref<128xi32, #tpu.memory_space<hbm>>) dst(%arg7 : memref<128xi32, #tpu.memory_space<vmem>>)
    %dma_start3A_85 = arith.constant 0 : i32
    %dma_start3A_86 = arith.constant 0 : i32
    %dma_start3A_87 = tpu.memref_slice %arg2[%dma_start3A_85, %dma_start3A_86] : memref<2000000x64xf32, #tpu.memory_space<hbm>> -> memref<2000000x64xf32, #tpu.memory_space<hbm>>
    tpu.enqueue_indirect_dma source(%dma_start3A_87 : memref<2000000x64xf32, #tpu.memory_space<hbm>>) target(%arg11 : memref<128x64xf32, #tpu.memory_space<vmem>>) offsets(%arg7 : memref<128xi32, #tpu.memory_space<vmem>>) semaphore(%arg23 : memref<!tpu.dma_semaphore, #tpu.memory_space<semaphore_mem>>)
    %mul3A_88 = arith.constant 512 : i32
    %mul3A_89 = arith.muli %add3A, %mul3A_88 : i32
    %add3A_90 = arith.constant 49152 : i32
    %add3A_91 = arith.addi %add3A_90, %mul3A_89 : i32
    %add3A_92 = arith.constant 0 : i32
    %add3A_93 = arith.addi %add3A_91, %add3A_92 : i32
    %dma_wait3A_94 = tpu.memref_slice %arg3[%add3A_93] : memref<819200xi32, #tpu.memory_space<hbm>> -> memref<128xi32, #tpu.memory_space<hbm>>
    %dma_wait3A_95 = tpu.memref_slice %arg3[%add3A_93] : memref<819200xi32, #tpu.memory_space<hbm>> -> memref<128xi32, #tpu.memory_space<hbm>>
    tpu.wait_dma2 semaphore(%arg20 : memref<!tpu.dma_semaphore, #tpu.memory_space<semaphore_mem>>) src(%dma_wait3A_95 : memref<128xi32, #tpu.memory_space<hbm>>) dst(%arg8 : memref<128xi32, #tpu.memory_space<vmem>>)
    %dma_start3A_96 = arith.constant 0 : i32
    %dma_start3A_97 = arith.constant 0 : i32
    %dma_start3A_98 = tpu.memref_slice %arg2[%dma_start3A_96, %dma_start3A_97] : memref<2000000x64xf32, #tpu.memory_space<hbm>> -> memref<2000000x64xf32, #tpu.memory_space<hbm>>
    tpu.enqueue_indirect_dma source(%dma_start3A_98 : memref<2000000x64xf32, #tpu.memory_space<hbm>>) target(%arg12 : memref<128x64xf32, #tpu.memory_space<vmem>>) offsets(%arg8 : memref<128xi32, #tpu.memory_space<vmem>>) semaphore(%arg24 : memref<!tpu.dma_semaphore, #tpu.memory_space<semaphore_mem>>)
    %scan3A = arith.constant 0 : i32
    %scan3A_99 = arith.constant 0 : i32
    %scan3A_100 = arith.constant 50 : i32
    %scan3A_101 = arith.addi %scan3A_99, %scan3A_100 : i32
    %scan3A_102 = arith.constant 1 : i32
    scf.for %scan3A_164 = %scan3A_99 to %scan3A_101 step %scan3A_102  : i32 {
      %mul3A_165 = arith.constant 4 : i32
      %mul3A_166 = arith.muli %mul3A_165, %scan3A_164 : i32
      %add3A_167 = arith.constant 0 : i32
      %add3A_168 = arith.addi %mul3A_166, %add3A_167 : i32
      %dma_wait3A_169 = arith.constant 0 : i32
      %dma_wait3A_170 = arith.constant 0 : i32
      %dma_wait3A_171 = tpu.memref_slice %arg2[%dma_wait3A_169, %dma_wait3A_170] : memref<2000000x64xf32, #tpu.memory_space<hbm>> -> memref<2000000x64xf32, #tpu.memory_space<hbm>>
      tpu.wait_indirect_dma semaphore(%arg21 : memref<!tpu.dma_semaphore, #tpu.memory_space<semaphore_mem>>) src(%dma_wait3A_171 : memref<2000000x64xf32, #tpu.memory_space<hbm>>) dst(%arg9 : memref<128x64xf32, #tpu.memory_space<vmem>>)
      %add3A_172 = arith.constant 4 : i32
      %add3A_173 = arith.addi %add3A_168, %add3A_172 : i32
      %lt3A = arith.constant 200 : i32
      %lt3A_174 = arith.cmpi slt, %add3A_173, %lt3A : i32
      %convert_element_type3A = arith.extui %lt3A_174 : i1 to i32
      %cond3A = arith.constant 0 : i32
      %cond3A_175 = arith.cmpi ne, %convert_element_type3A, %cond3A : i32
      scf.if %cond3A_175 {
        %add3A_487 = arith.constant 4 : i32
        %add3A_488 = arith.addi %add3A_168, %add3A_487 : i32
        %jit3A_489 = arith.constant 50 : i32
        %eq3A_490 = arith.constant 0 : i32
        %eq3A_491 = arith.cmpi eq, %jit3A_489, %eq3A_490 : i32
        %jit3A_492 = arith.constant 1 : i32
        %select_n3A_493 = arith.select %eq3A_491, %jit3A_492, %jit3A_489 : i32
        %rem3A_494 = arith.remsi %add3A_488, %select_n3A_493 : i32
        %ne3A_495 = arith.constant 0 : i32
        %ne3A_496 = arith.cmpi ne, %rem3A_494, %ne3A_495 : i32
        %lt3A_497 = arith.constant 0 : i32
        %lt3A_498 = arith.cmpi slt, %rem3A_494, %lt3A_497 : i32
        %lt3A_499 = arith.constant 0 : i32
        %lt3A_500 = arith.cmpi slt, %select_n3A_493, %lt3A_499 : i32
        %ne3A_501 = arith.xori %lt3A_498, %lt3A_500 : i1
        %and3A_502 = arith.andi %ne3A_501, %ne3A_496 : i1
        %add3A_503 = arith.addi %rem3A_494, %select_n3A_493 : i32
        %select_n3A_504 = arith.select %and3A_502, %add3A_503, %rem3A_494 : i32
        %jit3A_505 = arith.constant 50 : i32
        %div3A_506 = arith.divsi %add3A_488, %jit3A_505 : i32
        %sign3A_507 = arith.constant 0 : i32
        %sign3A_508 = arith.cmpi sgt, %add3A_488, %sign3A_507 : i32
        %sign3A_509 = arith.extui %sign3A_508 : i1 to i32
        %sign3A_510 = arith.constant 0 : i32
        %sign3A_511 = arith.cmpi slt, %add3A_488, %sign3A_510 : i32
        %sign3A_512 = arith.extui %sign3A_511 : i1 to i32
        %sign3A_513 = arith.subi %sign3A_509, %sign3A_512 : i32
        %sign3A_514 = arith.constant 0 : i32
        %sign3A_515 = arith.cmpi sgt, %jit3A_505, %sign3A_514 : i32
        %sign3A_516 = arith.extui %sign3A_515 : i1 to i32
        %sign3A_517 = arith.constant 0 : i32
        %sign3A_518 = arith.cmpi slt, %jit3A_505, %sign3A_517 : i32
        %sign3A_519 = arith.extui %sign3A_518 : i1 to i32
        %sign3A_520 = arith.subi %sign3A_516, %sign3A_519 : i32
        %ne3A_521 = arith.cmpi ne, %sign3A_513, %sign3A_520 : i32
        %rem3A_522 = arith.remsi %add3A_488, %jit3A_505 : i32
        %ne3A_523 = arith.constant 0 : i32
        %ne3A_524 = arith.cmpi ne, %rem3A_522, %ne3A_523 : i32
        %and3A_525 = arith.andi %ne3A_521, %ne3A_524 : i1
        %sub3A_526 = arith.constant 1 : i32
        %sub3A_527 = arith.subi %div3A_506, %sub3A_526 : i32
        %select_n3A_528 = arith.select %and3A_525, %sub3A_527, %div3A_506 : i32
        %mul3A_529 = arith.constant 16384 : i32
        %mul3A_530 = arith.muli %select_n3A_504, %mul3A_529 : i32
        %mul3A_531 = arith.constant 512 : i32
        %mul3A_532 = arith.muli %add3A, %mul3A_531 : i32
        %add3A_533 = arith.addi %mul3A_530, %mul3A_532 : i32
        %mul3A_534 = arith.constant 128 : i32
        %mul3A_535 = arith.muli %select_n3A_528, %mul3A_534 : i32
        %add3A_536 = arith.addi %add3A_533, %mul3A_535 : i32
        %dma_start3A_537 = tpu.memref_slice %arg3[%add3A_536] : memref<819200xi32, #tpu.memory_space<hbm>> -> memref<128xi32, #tpu.memory_space<hbm>>
        %dma_start3A_538 = tpu.memref_slice %arg3[%add3A_536] : memref<819200xi32, #tpu.memory_space<hbm>> -> memref<128xi32, #tpu.memory_space<hbm>>
        tpu.enqueue_dma source(%dma_start3A_538 : memref<128xi32, #tpu.memory_space<hbm>>) target(%arg5 : memref<128xi32, #tpu.memory_space<vmem>>) target_semaphore(%arg17 : memref<!tpu.dma_semaphore, #tpu.memory_space<semaphore_mem>>)
      } else {
      }
      %gt3A = arith.constant 0 : i32
      %gt3A_176 = arith.cmpi sgt, %scan3A_164, %gt3A : i32
      %convert_element_type3A_177 = arith.extui %gt3A_176 : i1 to i32
      %cond3A_178 = arith.constant 0 : i32
      %cond3A_179 = arith.cmpi ne, %convert_element_type3A_177, %cond3A_178 : i32
      scf.if %cond3A_179 {
        %sub3A_487 = arith.constant 4 : i32
        %sub3A_488 = arith.subi %add3A_168, %sub3A_487 : i32
        %jit3A_489 = arith.constant 50 : i32
        %eq3A_490 = arith.constant 0 : i32
        %eq3A_491 = arith.cmpi eq, %jit3A_489, %eq3A_490 : i32
        %jit3A_492 = arith.constant 1 : i32
        %select_n3A_493 = arith.select %eq3A_491, %jit3A_492, %jit3A_489 : i32
        %rem3A_494 = arith.remsi %sub3A_488, %select_n3A_493 : i32
        %ne3A_495 = arith.constant 0 : i32
        %ne3A_496 = arith.cmpi ne, %rem3A_494, %ne3A_495 : i32
        %lt3A_497 = arith.constant 0 : i32
        %lt3A_498 = arith.cmpi slt, %rem3A_494, %lt3A_497 : i32
        %lt3A_499 = arith.constant 0 : i32
        %lt3A_500 = arith.cmpi slt, %select_n3A_493, %lt3A_499 : i32
        %ne3A_501 = arith.xori %lt3A_498, %lt3A_500 : i1
        %and3A_502 = arith.andi %ne3A_501, %ne3A_496 : i1
        %add3A_503 = arith.addi %rem3A_494, %select_n3A_493 : i32
        %select_n3A_504 = arith.select %and3A_502, %add3A_503, %rem3A_494 : i32
        %jit3A_505 = arith.constant 50 : i32
        %div3A_506 = arith.divsi %sub3A_488, %jit3A_505 : i32
        %sign3A_507 = arith.constant 0 : i32
        %sign3A_508 = arith.cmpi sgt, %sub3A_488, %sign3A_507 : i32
        %sign3A_509 = arith.extui %sign3A_508 : i1 to i32
        %sign3A_510 = arith.constant 0 : i32
        %sign3A_511 = arith.cmpi slt, %sub3A_488, %sign3A_510 : i32
        %sign3A_512 = arith.extui %sign3A_511 : i1 to i32
        %sign3A_513 = arith.subi %sign3A_509, %sign3A_512 : i32
        %sign3A_514 = arith.constant 0 : i32
        %sign3A_515 = arith.cmpi sgt, %jit3A_505, %sign3A_514 : i32
        %sign3A_516 = arith.extui %sign3A_515 : i1 to i32
        %sign3A_517 = arith.constant 0 : i32
        %sign3A_518 = arith.cmpi slt, %jit3A_505, %sign3A_517 : i32
        %sign3A_519 = arith.extui %sign3A_518 : i1 to i32
        %sign3A_520 = arith.subi %sign3A_516, %sign3A_519 : i32
        %ne3A_521 = arith.cmpi ne, %sign3A_513, %sign3A_520 : i32
        %rem3A_522 = arith.remsi %sub3A_488, %jit3A_505 : i32
        %ne3A_523 = arith.constant 0 : i32
        %ne3A_524 = arith.cmpi ne, %rem3A_522, %ne3A_523 : i32
        %and3A_525 = arith.andi %ne3A_521, %ne3A_524 : i1
        %sub3A_526 = arith.constant 1 : i32
        %sub3A_527 = arith.subi %div3A_506, %sub3A_526 : i32
        %select_n3A_528 = arith.select %and3A_525, %sub3A_527, %div3A_506 : i32
        %mul3A_529 = arith.constant 4 : i32
        %mul3A_530 = arith.muli %add3A, %mul3A_529 : i32
        %mul3A_531 = arith.constant 1 : i32
        %mul3A_532 = arith.muli %select_n3A_528, %mul3A_531 : i32
        %add3A_533 = arith.addi %mul3A_530, %mul3A_532 : i32
        %dma_wait3A_534 = arith.constant 0 : i32
        %dma_wait3A_535 = arith.constant 0 : i32
        %dma_wait3A_536 = arith.constant 0 : i32
        %dma_wait3A_537 = tpu.memref_slice %arg4[%select_n3A_504, %dma_wait3A_534, %add3A_533, %dma_wait3A_535, %dma_wait3A_536] : memref<50x8x128x8x128xf32, #tpu.memory_space<hbm>> -> memref<1x8x1x8x128xf32, #tpu.memory_space<hbm>>
        %dma_wait3A_538 = tpu.memref_squeeze %dma_wait3A_537 : memref<1x8x1x8x128xf32, #tpu.memory_space<hbm>> -> memref<8x1x8x128xf32, #tpu.memory_space<hbm>>
        %dma_wait3A_539 = arith.constant 0 : i32
        %dma_wait3A_540 = arith.constant 0 : i32
        %dma_wait3A_541 = arith.constant 0 : i32
        %dma_wait3A_542 = tpu.memref_slice %arg4[%select_n3A_504, %dma_wait3A_539, %add3A_533, %dma_wait3A_540, %dma_wait3A_541] : memref<50x8x128x8x128xf32, #tpu.memory_space<hbm>> -> memref<1x8x1x8x128xf32, #tpu.memory_space<hbm>>
        %dma_wait3A_543 = tpu.memref_squeeze %dma_wait3A_542 : memref<1x8x1x8x128xf32, #tpu.memory_space<hbm>> -> memref<8x1x8x128xf32, #tpu.memory_space<hbm>>
        tpu.wait_dma2 semaphore(%arg25 : memref<!tpu.dma_semaphore, #tpu.memory_space<semaphore_mem>>) src(%arg13 : memref<8x1x8x128xf32, #tpu.memory_space<vmem>>) dst(%dma_wait3A_543 : memref<8x1x8x128xf32, #tpu.memory_space<hbm>>)
      } else {
      }
      %parallel_loop3A = arith.constant 0 : i32
      %parallel_loop3A_180 = arith.constant 64 : i32
      %parallel_loop3A_181 = arith.constant 1 : i32
      scf.for %parallel_loop3A_487 = %parallel_loop3A to %parallel_loop3A_180 step %parallel_loop3A_181  : i32 {
        %parallel_loop3A_488 = vector.broadcast %parallel_loop3A_487 : i32 to vector<16xi32>
        %parallel_loop3A_489 = arith.constant 8 : i32
        %parallel_loop3A_490 = arith.divsi %parallel_loop3A_487, %parallel_loop3A_489 : i32
        %parallel_loop3A_491 = arith.constant 0 : i32
        %parallel_loop3A_492 = arith.cmpi sgt, %parallel_loop3A_487, %parallel_loop3A_491 : i32
        %parallel_loop3A_493 = arith.extui %parallel_loop3A_492 : i1 to i32
        %parallel_loop3A_494 = arith.constant 0 : i32
        %parallel_loop3A_495 = arith.cmpi slt, %parallel_loop3A_487, %parallel_loop3A_494 : i32
        %parallel_loop3A_496 = arith.extui %parallel_loop3A_495 : i1 to i32
        %parallel_loop3A_497 = arith.subi %parallel_loop3A_493, %parallel_loop3A_496 : i32
        %parallel_loop3A_498 = arith.constant 0 : i32
        %parallel_loop3A_499 = arith.cmpi sgt, %parallel_loop3A_489, %parallel_loop3A_498 : i32
        %parallel_loop3A_500 = arith.extui %parallel_loop3A_499 : i1 to i32
        %parallel_loop3A_501 = arith.constant 0 : i32
        %parallel_loop3A_502 = arith.cmpi slt, %parallel_loop3A_489, %parallel_loop3A_501 : i32
        %parallel_loop3A_503 = arith.extui %parallel_loop3A_502 : i1 to i32
        %parallel_loop3A_504 = arith.subi %parallel_loop3A_500, %parallel_loop3A_503 : i32
        %parallel_loop3A_505 = arith.cmpi ne, %parallel_loop3A_497, %parallel_loop3A_504 : i32
        %parallel_loop3A_506 = arith.remsi %parallel_loop3A_487, %parallel_loop3A_489 : i32
        %parallel_loop3A_507 = arith.constant 0 : i32
        %parallel_loop3A_508 = arith.cmpi ne, %parallel_loop3A_506, %parallel_loop3A_507 : i32
        %parallel_loop3A_509 = arith.andi %parallel_loop3A_505, %parallel_loop3A_508 : i1
        %parallel_loop3A_510 = arith.constant 1 : i32
        %parallel_loop3A_511 = arith.subi %parallel_loop3A_490, %parallel_loop3A_510 : i32
        %parallel_loop3A_512 = arith.select %parallel_loop3A_509, %parallel_loop3A_511, %parallel_loop3A_490 : i32
        %parallel_loop3A_513 = arith.constant 8 : i32
        %parallel_loop3A_514 = arith.constant 0 : i32
        %parallel_loop3A_515 = arith.cmpi eq, %parallel_loop3A_513, %parallel_loop3A_514 : i32
        %parallel_loop3A_516 = arith.constant 1 : i32
        %parallel_loop3A_517 = arith.select %parallel_loop3A_515, %parallel_loop3A_516, %parallel_loop3A_513 : i32
        %parallel_loop3A_518 = arith.remsi %parallel_loop3A_487, %parallel_loop3A_517 : i32
        %parallel_loop3A_519 = arith.constant 0 : i32
        %parallel_loop3A_520 = arith.cmpi ne, %parallel_loop3A_518, %parallel_loop3A_519 : i32
        %parallel_loop3A_521 = arith.constant 0 : i32
        %parallel_loop3A_522 = arith.cmpi slt, %parallel_loop3A_518, %parallel_loop3A_521 : i32
        %parallel_loop3A_523 = arith.constant 0 : i32
        %parallel_loop3A_524 = arith.cmpi slt, %parallel_loop3A_517, %parallel_loop3A_523 : i32
        %parallel_loop3A_525 = arith.xori %parallel_loop3A_522, %parallel_loop3A_524 : i1
        %parallel_loop3A_526 = arith.andi %parallel_loop3A_525, %parallel_loop3A_520 : i1
        %parallel_loop3A_527 = arith.addi %parallel_loop3A_518, %parallel_loop3A_517 : i32
        %parallel_loop3A_528 = arith.select %parallel_loop3A_526, %parallel_loop3A_527, %parallel_loop3A_518 : i32
        %parallel_loop3A_529 = tpu.vector_load_idx %arg9[%add3A_3, %parallel_loop3A_488] : memref<128x64xf32, #tpu.memory_space<vmem>>[vector<16xi32>, vector<16xi32>], vector<16xf32>,
        %parallel_loop3A_530 = arith.constant 0 : i32
        %parallel_loop3A_531 = arith.index_cast %parallel_loop3A_512 : i32 to index
        %parallel_loop3A_532 = arith.index_cast %parallel_loop3A_530 : i32 to index
        %parallel_loop3A_533 = arith.index_cast %parallel_loop3A_528 : i32 to index
        %parallel_loop3A_534 = arith.constant 0 : index
        %parallel_loop3A_535 = tpu.vector_load %arg13[%parallel_loop3A_531, %parallel_loop3A_532, %parallel_loop3A_533, %parallel_loop3A_534] {strides = array<i32>} : memref<8x1x8x128xf32, #tpu.memory_space<vmem>>, vector<16xf32>,
        tpu.vector_store %arg13[%parallel_loop3A_531, %parallel_loop3A_532, %parallel_loop3A_533, %parallel_loop3A_534], %parallel_loop3A_529 {strides = array<i32>} : memref<8x1x8x128xf32, #tpu.memory_space<vmem>>, vector<16xf32>,
        %parallel_loop3A_536 = tpu.vector_load_idx %arg9[%add3A_6, %parallel_loop3A_488] : memref<128x64xf32, #tpu.memory_space<vmem>>[vector<16xi32>, vector<16xi32>], vector<16xf32>,
        %parallel_loop3A_537 = arith.constant 0 : i32
        %parallel_loop3A_538 = arith.index_cast %parallel_loop3A_512 : i32 to index
        %parallel_loop3A_539 = arith.index_cast %parallel_loop3A_537 : i32 to index
        %parallel_loop3A_540 = arith.index_cast %parallel_loop3A_528 : i32 to index
        %parallel_loop3A_541 = arith.constant 16 : index
        %parallel_loop3A_542 = tpu.vector_load %arg13[%parallel_loop3A_538, %parallel_loop3A_539, %parallel_loop3A_540, %parallel_loop3A_541] {strides = array<i32>} : memref<8x1x8x128xf32, #tpu.memory_space<vmem>>, vector<16xf32>,
        tpu.vector_store %arg13[%parallel_loop3A_538, %parallel_loop3A_539, %parallel_loop3A_540, %parallel_loop3A_541], %parallel_loop3A_536 {strides = array<i32>} : memref<8x1x8x128xf32, #tpu.memory_space<vmem>>, vector<16xf32>,
        %parallel_loop3A_543 = tpu.vector_load_idx %arg9[%add3A_9, %parallel_loop3A_488] : memref<128x64xf32, #tpu.memory_space<vmem>>[vector<16xi32>, vector<16xi32>], vector<16xf32>,
        %parallel_loop3A_544 = arith.constant 0 : i32
        %parallel_loop3A_545 = arith.index_cast %parallel_loop3A_512 : i32 to index
        %parallel_loop3A_546 = arith.index_cast %parallel_loop3A_544 : i32 to index
        %parallel_loop3A_547 = arith.index_cast %parallel_loop3A_528 : i32 to index
        %parallel_loop3A_548 = arith.constant 32 : index
        %parallel_loop3A_549 = tpu.vector_load %arg13[%parallel_loop3A_545, %parallel_loop3A_546, %parallel_loop3A_547, %parallel_loop3A_548] {strides = array<i32>} : memref<8x1x8x128xf32, #tpu.memory_space<vmem>>, vector<16xf32>,
        tpu.vector_store %arg13[%parallel_loop3A_545, %parallel_loop3A_546, %parallel_loop3A_547, %parallel_loop3A_548], %parallel_loop3A_543 {strides = array<i32>} : memref<8x1x8x128xf32, #tpu.memory_space<vmem>>, vector<16xf32>,
        %parallel_loop3A_550 = tpu.vector_load_idx %arg9[%add3A_12, %parallel_loop3A_488] : memref<128x64xf32, #tpu.memory_space<vmem>>[vector<16xi32>, vector<16xi32>], vector<16xf32>,
        %parallel_loop3A_551 = arith.constant 0 : i32
        %parallel_loop3A_552 = arith.index_cast %parallel_loop3A_512 : i32 to index
        %parallel_loop3A_553 = arith.index_cast %parallel_loop3A_551 : i32 to index
        %parallel_loop3A_554 = arith.index_cast %parallel_loop3A_528 : i32 to index
        %parallel_loop3A_555 = arith.constant 48 : index
        %parallel_loop3A_556 = tpu.vector_load %arg13[%parallel_loop3A_552, %parallel_loop3A_553, %parallel_loop3A_554, %parallel_loop3A_555] {strides = array<i32>} : memref<8x1x8x128xf32, #tpu.memory_space<vmem>>, vector<16xf32>,
        tpu.vector_store %arg13[%parallel_loop3A_552, %parallel_loop3A_553, %parallel_loop3A_554, %parallel_loop3A_555], %parallel_loop3A_550 {strides = array<i32>} : memref<8x1x8x128xf32, #tpu.memory_space<vmem>>, vector<16xf32>,
        %parallel_loop3A_557 = tpu.vector_load_idx %arg9[%add3A_15, %parallel_loop3A_488] : memref<128x64xf32, #tpu.memory_space<vmem>>[vector<16xi32>, vector<16xi32>], vector<16xf32>,
        %parallel_loop3A_558 = arith.constant 0 : i32
        %parallel_loop3A_559 = arith.index_cast %parallel_loop3A_512 : i32 to index
        %parallel_loop3A_560 = arith.index_cast %parallel_loop3A_558 : i32 to index
        %parallel_loop3A_561 = arith.index_cast %parallel_loop3A_528 : i32 to index
        %parallel_loop3A_562 = arith.constant 64 : index
        %parallel_loop3A_563 = tpu.vector_load %arg13[%parallel_loop3A_559, %parallel_loop3A_560, %parallel_loop3A_561, %parallel_loop3A_562] {strides = array<i32>} : memref<8x1x8x128xf32, #tpu.memory_space<vmem>>, vector<16xf32>,
        tpu.vector_store %arg13[%parallel_loop3A_559, %parallel_loop3A_560, %parallel_loop3A_561, %parallel_loop3A_562], %parallel_loop3A_557 {strides = array<i32>} : memref<8x1x8x128xf32, #tpu.memory_space<vmem>>, vector<16xf32>,
        %parallel_loop3A_564 = tpu.vector_load_idx %arg9[%add3A_18, %parallel_loop3A_488] : memref<128x64xf32, #tpu.memory_space<vmem>>[vector<16xi32>, vector<16xi32>], vector<16xf32>,
        %parallel_loop3A_565 = arith.constant 0 : i32
        %parallel_loop3A_566 = arith.index_cast %parallel_loop3A_512 : i32 to index
        %parallel_loop3A_567 = arith.index_cast %parallel_loop3A_565 : i32 to index
        %parallel_loop3A_568 = arith.index_cast %parallel_loop3A_528 : i32 to index
        %parallel_loop3A_569 = arith.constant 80 : index
        %parallel_loop3A_570 = tpu.vector_load %arg13[%parallel_loop3A_566, %parallel_loop3A_567, %parallel_loop3A_568, %parallel_loop3A_569] {strides = array<i32>} : memref<8x1x8x128xf32, #tpu.memory_space<vmem>>, vector<16xf32>,
        tpu.vector_store %arg13[%parallel_loop3A_566, %parallel_loop3A_567, %parallel_loop3A_568, %parallel_loop3A_569], %parallel_loop3A_564 {strides = array<i32>} : memref<8x1x8x128xf32, #tpu.memory_space<vmem>>, vector<16xf32>,
        %parallel_loop3A_571 = tpu.vector_load_idx %arg9[%add3A_21, %parallel_loop3A_488] : memref<128x64xf32, #tpu.memory_space<vmem>>[vector<16xi32>, vector<16xi32>], vector<16xf32>,
        %parallel_loop3A_572 = arith.constant 0 : i32
        %parallel_loop3A_573 = arith.index_cast %parallel_loop3A_512 : i32 to index
        %parallel_loop3A_574 = arith.index_cast %parallel_loop3A_572 : i32 to index
        %parallel_loop3A_575 = arith.index_cast %parallel_loop3A_528 : i32 to index
        %parallel_loop3A_576 = arith.constant 96 : index
        %parallel_loop3A_577 = tpu.vector_load %arg13[%parallel_loop3A_573, %parallel_loop3A_574, %parallel_loop3A_575, %parallel_loop3A_576] {strides = array<i32>} : memref<8x1x8x128xf32, #tpu.memory_space<vmem>>, vector<16xf32>,
        tpu.vector_store %arg13[%parallel_loop3A_573, %parallel_loop3A_574, %parallel_loop3A_575, %parallel_loop3A_576], %parallel_loop3A_571 {strides = array<i32>} : memref<8x1x8x128xf32, #tpu.memory_space<vmem>>, vector<16xf32>,
        %parallel_loop3A_578 = tpu.vector_load_idx %arg9[%add3A_24, %parallel_loop3A_488] : memref<128x64xf32, #tpu.memory_space<vmem>>[vector<16xi32>, vector<16xi32>], vector<16xf32>,
        %parallel_loop3A_579 = arith.constant 0 : i32
        %parallel_loop3A_580 = arith.index_cast %parallel_loop3A_512 : i32 to index
        %parallel_loop3A_581 = arith.index_cast %parallel_loop3A_579 : i32 to index
        %parallel_loop3A_582 = arith.index_cast %parallel_loop3A_528 : i32 to index
        %parallel_loop3A_583 = arith.constant 112 : index
        %parallel_loop3A_584 = tpu.vector_load %arg13[%parallel_loop3A_580, %parallel_loop3A_581, %parallel_loop3A_582, %parallel_loop3A_583] {strides = array<i32>} : memref<8x1x8x128xf32, #tpu.memory_space<vmem>>, vector<16xf32>,
        tpu.vector_store %arg13[%parallel_loop3A_580, %parallel_loop3A_581, %parallel_loop3A_582, %parallel_loop3A_583], %parallel_loop3A_578 {strides = array<i32>} : memref<8x1x8x128xf32, #tpu.memory_space<vmem>>, vector<16xf32>,
      } {sc.loop_unroll_factor = 4 : i64, sc.parallel_access}
      %jit3A = arith.constant 50 : i32
      %eq3A = arith.constant 0 : i32
      %eq3A_182 = arith.cmpi eq, %jit3A, %eq3A : i32
      %jit3A_183 = arith.constant 1 : i32
      %select_n3A = arith.select %eq3A_182, %jit3A_183, %jit3A : i32
      %rem3A = arith.remsi %add3A_168, %select_n3A : i32
      %ne3A = arith.constant 0 : i32
      %ne3A_184 = arith.cmpi ne, %rem3A, %ne3A : i32
      %lt3A_185 = arith.constant 0 : i32
      %lt3A_186 = arith.cmpi slt, %rem3A, %lt3A_185 : i32
      %lt3A_187 = arith.constant 0 : i32
      %lt3A_188 = arith.cmpi slt, %select_n3A, %lt3A_187 : i32
      %ne3A_189 = arith.xori %lt3A_186, %lt3A_188 : i1
      %and3A = arith.andi %ne3A_189, %ne3A_184 : i1
      %add3A_190 = arith.addi %rem3A, %select_n3A : i32
      %select_n3A_191 = arith.select %and3A, %add3A_190, %rem3A : i32
      %jit3A_192 = arith.constant 50 : i32
      %div3A = arith.divsi %add3A_168, %jit3A_192 : i32
      %sign3A = arith.constant 0 : i32
      %sign3A_193 = arith.cmpi sgt, %add3A_168, %sign3A : i32
      %sign3A_194 = arith.extui %sign3A_193 : i1 to i32
      %sign3A_195 = arith.constant 0 : i32
      %sign3A_196 = arith.cmpi slt, %add3A_168, %sign3A_195 : i32
      %sign3A_197 = arith.extui %sign3A_196 : i1 to i32
      %sign3A_198 = arith.subi %sign3A_194, %sign3A_197 : i32
      %sign3A_199 = arith.constant 0 : i32
      %sign3A_200 = arith.cmpi sgt, %jit3A_192, %sign3A_199 : i32
      %sign3A_201 = arith.extui %sign3A_200 : i1 to i32
      %sign3A_202 = arith.constant 0 : i32
      %sign3A_203 = arith.cmpi slt, %jit3A_192, %sign3A_202 : i32
      %sign3A_204 = arith.extui %sign3A_203 : i1 to i32
      %sign3A_205 = arith.subi %sign3A_201, %sign3A_204 : i32
      %ne3A_206 = arith.cmpi ne, %sign3A_198, %sign3A_205 : i32
      %rem3A_207 = arith.remsi %add3A_168, %jit3A_192 : i32
      %ne3A_208 = arith.constant 0 : i32
      %ne3A_209 = arith.cmpi ne, %rem3A_207, %ne3A_208 : i32
      %and3A_210 = arith.andi %ne3A_206, %ne3A_209 : i1
      %sub3A = arith.constant 1 : i32
      %sub3A_211 = arith.subi %div3A, %sub3A : i32
      %select_n3A_212 = arith.select %and3A_210, %sub3A_211, %div3A : i32
      %mul3A_213 = arith.constant 4 : i32
      %mul3A_214 = arith.muli %add3A, %mul3A_213 : i32
      %mul3A_215 = arith.constant 1 : i32
      %mul3A_216 = arith.muli %select_n3A_212, %mul3A_215 : i32
      %add3A_217 = arith.addi %mul3A_214, %mul3A_216 : i32
      %dma_start3A_218 = arith.constant 0 : i32
      %dma_start3A_219 = arith.constant 0 : i32
      %dma_start3A_220 = arith.constant 0 : i32
      %dma_start3A_221 = tpu.memref_slice %arg4[%select_n3A_191, %dma_start3A_218, %add3A_217, %dma_start3A_219, %dma_start3A_220] : memref<50x8x128x8x128xf32, #tpu.memory_space<hbm>> -> memref<1x8x1x8x128xf32, #tpu.memory_space<hbm>>
      %dma_start3A_222 = tpu.memref_squeeze %dma_start3A_221 : memref<1x8x1x8x128xf32, #tpu.memory_space<hbm>> -> memref<8x1x8x128xf32, #tpu.memory_space<hbm>>
      %dma_start3A_223 = arith.constant 0 : i32
      %dma_start3A_224 = arith.constant 0 : i32
      %dma_start3A_225 = arith.constant 0 : i32
      %dma_start3A_226 = tpu.memref_slice %arg4[%select_n3A_191, %dma_start3A_223, %add3A_217, %dma_start3A_224, %dma_start3A_225] : memref<50x8x128x8x128xf32, #tpu.memory_space<hbm>> -> memref<1x8x1x8x128xf32, #tpu.memory_space<hbm>>
      %dma_start3A_227 = tpu.memref_squeeze %dma_start3A_226 : memref<1x8x1x8x128xf32, #tpu.memory_space<hbm>> -> memref<8x1x8x128xf32, #tpu.memory_space<hbm>>
      tpu.enqueue_dma source(%arg13 : memref<8x1x8x128xf32, #tpu.memory_space<vmem>>) target(%dma_start3A_227 : memref<8x1x8x128xf32, #tpu.memory_space<hbm>>) target_semaphore(%arg25 : memref<!tpu.dma_semaphore, #tpu.memory_space<semaphore_mem>>)
      %add3A_228 = arith.constant 4 : i32
      %add3A_229 = arith.addi %add3A_168, %add3A_228 : i32
      %lt3A_230 = arith.constant 200 : i32
      %lt3A_231 = arith.cmpi slt, %add3A_229, %lt3A_230 : i32
      %convert_element_type3A_232 = arith.extui %lt3A_231 : i1 to i32
      %cond3A_233 = arith.constant 0 : i32
      %cond3A_234 = arith.cmpi ne, %convert_element_type3A_232, %cond3A_233 : i32
      scf.if %cond3A_234 {
        %add3A_487 = arith.constant 4 : i32
        %add3A_488 = arith.addi %add3A_168, %add3A_487 : i32
        %jit3A_489 = arith.constant 50 : i32
        %eq3A_490 = arith.constant 0 : i32
        %eq3A_491 = arith.cmpi eq, %jit3A_489, %eq3A_490 : i32
        %jit3A_492 = arith.constant 1 : i32
        %select_n3A_493 = arith.select %eq3A_491, %jit3A_492, %jit3A_489 : i32
        %rem3A_494 = arith.remsi %add3A_488, %select_n3A_493 : i32
        %ne3A_495 = arith.constant 0 : i32
        %ne3A_496 = arith.cmpi ne, %rem3A_494, %ne3A_495 : i32
        %lt3A_497 = arith.constant 0 : i32
        %lt3A_498 = arith.cmpi slt, %rem3A_494, %lt3A_497 : i32
        %lt3A_499 = arith.constant 0 : i32
        %lt3A_500 = arith.cmpi slt, %select_n3A_493, %lt3A_499 : i32
        %ne3A_501 = arith.xori %lt3A_498, %lt3A_500 : i1
        %and3A_502 = arith.andi %ne3A_501, %ne3A_496 : i1
        %add3A_503 = arith.addi %rem3A_494, %select_n3A_493 : i32
        %select_n3A_504 = arith.select %and3A_502, %add3A_503, %rem3A_494 : i32
        %jit3A_505 = arith.constant 50 : i32
        %div3A_506 = arith.divsi %add3A_488, %jit3A_505 : i32
        %sign3A_507 = arith.constant 0 : i32
        %sign3A_508 = arith.cmpi sgt, %add3A_488, %sign3A_507 : i32
        %sign3A_509 = arith.extui %sign3A_508 : i1 to i32
        %sign3A_510 = arith.constant 0 : i32
        %sign3A_511 = arith.cmpi slt, %add3A_488, %sign3A_510 : i32
        %sign3A_512 = arith.extui %sign3A_511 : i1 to i32
        %sign3A_513 = arith.subi %sign3A_509, %sign3A_512 : i32
        %sign3A_514 = arith.constant 0 : i32
        %sign3A_515 = arith.cmpi sgt, %jit3A_505, %sign3A_514 : i32
        %sign3A_516 = arith.extui %sign3A_515 : i1 to i32
        %sign3A_517 = arith.constant 0 : i32
        %sign3A_518 = arith.cmpi slt, %jit3A_505, %sign3A_517 : i32
        %sign3A_519 = arith.extui %sign3A_518 : i1 to i32
        %sign3A_520 = arith.subi %sign3A_516, %sign3A_519 : i32
        %ne3A_521 = arith.cmpi ne, %sign3A_513, %sign3A_520 : i32
        %rem3A_522 = arith.remsi %add3A_488, %jit3A_505 : i32
        %ne3A_523 = arith.constant 0 : i32
        %ne3A_524 = arith.cmpi ne, %rem3A_522, %ne3A_523 : i32
        %and3A_525 = arith.andi %ne3A_521, %ne3A_524 : i1
        %sub3A_526 = arith.constant 1 : i32
        %sub3A_527 = arith.subi %div3A_506, %sub3A_526 : i32
        %select_n3A_528 = arith.select %and3A_525, %sub3A_527, %div3A_506 : i32
        %mul3A_529 = arith.constant 16384 : i32
        %mul3A_530 = arith.muli %select_n3A_504, %mul3A_529 : i32
        %mul3A_531 = arith.constant 512 : i32
        %mul3A_532 = arith.muli %add3A, %mul3A_531 : i32
        %add3A_533 = arith.addi %mul3A_530, %mul3A_532 : i32
        %mul3A_534 = arith.constant 128 : i32
        %mul3A_535 = arith.muli %select_n3A_528, %mul3A_534 : i32
        %add3A_536 = arith.addi %add3A_533, %mul3A_535 : i32
        %dma_wait3A_537 = tpu.memref_slice %arg3[%add3A_536] : memref<819200xi32, #tpu.memory_space<hbm>> -> memref<128xi32, #tpu.memory_space<hbm>>
        %dma_wait3A_538 = tpu.memref_slice %arg3[%add3A_536] : memref<819200xi32, #tpu.memory_space<hbm>> -> memref<128xi32, #tpu.memory_space<hbm>>
        tpu.wait_dma2 semaphore(%arg17 : memref<!tpu.dma_semaphore, #tpu.memory_space<semaphore_mem>>) src(%dma_wait3A_538 : memref<128xi32, #tpu.memory_space<hbm>>) dst(%arg5 : memref<128xi32, #tpu.memory_space<vmem>>)
        %dma_start3A_539 = arith.constant 0 : i32
        %dma_start3A_540 = arith.constant 0 : i32
        %dma_start3A_541 = tpu.memref_slice %arg2[%dma_start3A_539, %dma_start3A_540] : memref<2000000x64xf32, #tpu.memory_space<hbm>> -> memref<2000000x64xf32, #tpu.memory_space<hbm>>
        tpu.enqueue_indirect_dma source(%dma_start3A_541 : memref<2000000x64xf32, #tpu.memory_space<hbm>>) target(%arg9 : memref<128x64xf32, #tpu.memory_space<vmem>>) offsets(%arg5 : memref<128xi32, #tpu.memory_space<vmem>>) semaphore(%arg21 : memref<!tpu.dma_semaphore, #tpu.memory_space<semaphore_mem>>)
      } else {
      }
      %mul3A_235 = arith.constant 4 : i32
      %mul3A_236 = arith.muli %mul3A_235, %scan3A_164 : i32
      %add3A_237 = arith.constant 1 : i32
      %add3A_238 = arith.addi %mul3A_236, %add3A_237 : i32
      %dma_wait3A_239 = arith.constant 0 : i32
      %dma_wait3A_240 = arith.constant 0 : i32
      %dma_wait3A_241 = tpu.memref_slice %arg2[%dma_wait3A_239, %dma_wait3A_240] : memref<2000000x64xf32, #tpu.memory_space<hbm>> -> memref<2000000x64xf32, #tpu.memory_space<hbm>>
      tpu.wait_indirect_dma semaphore(%arg22 : memref<!tpu.dma_semaphore, #tpu.memory_space<semaphore_mem>>) src(%dma_wait3A_241 : memref<2000000x64xf32, #tpu.memory_space<hbm>>) dst(%arg10 : memref<128x64xf32, #tpu.memory_space<vmem>>)
      %add3A_242 = arith.constant 4 : i32
      %add3A_243 = arith.addi %add3A_238, %add3A_242 : i32
      %lt3A_244 = arith.constant 200 : i32
      %lt3A_245 = arith.cmpi slt, %add3A_243, %lt3A_244 : i32
      %convert_element_type3A_246 = arith.extui %lt3A_245 : i1 to i32
      %cond3A_247 = arith.constant 0 : i32
      %cond3A_248 = arith.cmpi ne, %convert_element_type3A_246, %cond3A_247 : i32
      scf.if %cond3A_248 {
        %add3A_487 = arith.constant 4 : i32
        %add3A_488 = arith.addi %add3A_238, %add3A_487 : i32
        %jit3A_489 = arith.constant 50 : i32
        %eq3A_490 = arith.constant 0 : i32
        %eq3A_491 = arith.cmpi eq, %jit3A_489, %eq3A_490 : i32
        %jit3A_492 = arith.constant 1 : i32
        %select_n3A_493 = arith.select %eq3A_491, %jit3A_492, %jit3A_489 : i32
        %rem3A_494 = arith.remsi %add3A_488, %select_n3A_493 : i32
        %ne3A_495 = arith.constant 0 : i32
        %ne3A_496 = arith.cmpi ne, %rem3A_494, %ne3A_495 : i32
        %lt3A_497 = arith.constant 0 : i32
        %lt3A_498 = arith.cmpi slt, %rem3A_494, %lt3A_497 : i32
        %lt3A_499 = arith.constant 0 : i32
        %lt3A_500 = arith.cmpi slt, %select_n3A_493, %lt3A_499 : i32
        %ne3A_501 = arith.xori %lt3A_498, %lt3A_500 : i1
        %and3A_502 = arith.andi %ne3A_501, %ne3A_496 : i1
        %add3A_503 = arith.addi %rem3A_494, %select_n3A_493 : i32
        %select_n3A_504 = arith.select %and3A_502, %add3A_503, %rem3A_494 : i32
        %jit3A_505 = arith.constant 50 : i32
        %div3A_506 = arith.divsi %add3A_488, %jit3A_505 : i32
        %sign3A_507 = arith.constant 0 : i32
        %sign3A_508 = arith.cmpi sgt, %add3A_488, %sign3A_507 : i32
        %sign3A_509 = arith.extui %sign3A_508 : i1 to i32
        %sign3A_510 = arith.constant 0 : i32
        %sign3A_511 = arith.cmpi slt, %add3A_488, %sign3A_510 : i32
        %sign3A_512 = arith.extui %sign3A_511 : i1 to i32
        %sign3A_513 = arith.subi %sign3A_509, %sign3A_512 : i32
        %sign3A_514 = arith.constant 0 : i32
        %sign3A_515 = arith.cmpi sgt, %jit3A_505, %sign3A_514 : i32
        %sign3A_516 = arith.extui %sign3A_515 : i1 to i32
        %sign3A_517 = arith.constant 0 : i32
        %sign3A_518 = arith.cmpi slt, %jit3A_505, %sign3A_517 : i32
        %sign3A_519 = arith.extui %sign3A_518 : i1 to i32
        %sign3A_520 = arith.subi %sign3A_516, %sign3A_519 : i32
        %ne3A_521 = arith.cmpi ne, %sign3A_513, %sign3A_520 : i32
        %rem3A_522 = arith.remsi %add3A_488, %jit3A_505 : i32
        %ne3A_523 = arith.constant 0 : i32
        %ne3A_524 = arith.cmpi ne, %rem3A_522, %ne3A_523 : i32
        %and3A_525 = arith.andi %ne3A_521, %ne3A_524 : i1
        %sub3A_526 = arith.constant 1 : i32
        %sub3A_527 = arith.subi %div3A_506, %sub3A_526 : i32
        %select_n3A_528 = arith.select %and3A_525, %sub3A_527, %div3A_506 : i32
        %mul3A_529 = arith.constant 16384 : i32
        %mul3A_530 = arith.muli %select_n3A_504, %mul3A_529 : i32
        %mul3A_531 = arith.constant 512 : i32
        %mul3A_532 = arith.muli %add3A, %mul3A_531 : i32
        %add3A_533 = arith.addi %mul3A_530, %mul3A_532 : i32
        %mul3A_534 = arith.constant 128 : i32
        %mul3A_535 = arith.muli %select_n3A_528, %mul3A_534 : i32
        %add3A_536 = arith.addi %add3A_533, %mul3A_535 : i32
        %dma_start3A_537 = tpu.memref_slice %arg3[%add3A_536] : memref<819200xi32, #tpu.memory_space<hbm>> -> memref<128xi32, #tpu.memory_space<hbm>>
        %dma_start3A_538 = tpu.memref_slice %arg3[%add3A_536] : memref<819200xi32, #tpu.memory_space<hbm>> -> memref<128xi32, #tpu.memory_space<hbm>>
        tpu.enqueue_dma source(%dma_start3A_538 : memref<128xi32, #tpu.memory_space<hbm>>) target(%arg6 : memref<128xi32, #tpu.memory_space<vmem>>) target_semaphore(%arg18 : memref<!tpu.dma_semaphore, #tpu.memory_space<semaphore_mem>>)
      } else {
      }
      %gt3A_249 = arith.constant 0 : i32
      %gt3A_250 = arith.cmpi sgt, %scan3A_164, %gt3A_249 : i32
      %convert_element_type3A_251 = arith.extui %gt3A_250 : i1 to i32
      %cond3A_252 = arith.constant 0 : i32
      %cond3A_253 = arith.cmpi ne, %convert_element_type3A_251, %cond3A_252 : i32
      scf.if %cond3A_253 {
        %sub3A_487 = arith.constant 4 : i32
        %sub3A_488 = arith.subi %add3A_238, %sub3A_487 : i32
        %jit3A_489 = arith.constant 50 : i32
        %eq3A_490 = arith.constant 0 : i32
        %eq3A_491 = arith.cmpi eq, %jit3A_489, %eq3A_490 : i32
        %jit3A_492 = arith.constant 1 : i32
        %select_n3A_493 = arith.select %eq3A_491, %jit3A_492, %jit3A_489 : i32
        %rem3A_494 = arith.remsi %sub3A_488, %select_n3A_493 : i32
        %ne3A_495 = arith.constant 0 : i32
        %ne3A_496 = arith.cmpi ne, %rem3A_494, %ne3A_495 : i32
        %lt3A_497 = arith.constant 0 : i32
        %lt3A_498 = arith.cmpi slt, %rem3A_494, %lt3A_497 : i32
        %lt3A_499 = arith.constant 0 : i32
        %lt3A_500 = arith.cmpi slt, %select_n3A_493, %lt3A_499 : i32
        %ne3A_501 = arith.xori %lt3A_498, %lt3A_500 : i1
        %and3A_502 = arith.andi %ne3A_501, %ne3A_496 : i1
        %add3A_503 = arith.addi %rem3A_494, %select_n3A_493 : i32
        %select_n3A_504 = arith.select %and3A_502, %add3A_503, %rem3A_494 : i32
        %jit3A_505 = arith.constant 50 : i32
        %div3A_506 = arith.divsi %sub3A_488, %jit3A_505 : i32
        %sign3A_507 = arith.constant 0 : i32
        %sign3A_508 = arith.cmpi sgt, %sub3A_488, %sign3A_507 : i32
        %sign3A_509 = arith.extui %sign3A_508 : i1 to i32
        %sign3A_510 = arith.constant 0 : i32
        %sign3A_511 = arith.cmpi slt, %sub3A_488, %sign3A_510 : i32
        %sign3A_512 = arith.extui %sign3A_511 : i1 to i32
        %sign3A_513 = arith.subi %sign3A_509, %sign3A_512 : i32
        %sign3A_514 = arith.constant 0 : i32
        %sign3A_515 = arith.cmpi sgt, %jit3A_505, %sign3A_514 : i32
        %sign3A_516 = arith.extui %sign3A_515 : i1 to i32
        %sign3A_517 = arith.constant 0 : i32
        %sign3A_518 = arith.cmpi slt, %jit3A_505, %sign3A_517 : i32
        %sign3A_519 = arith.extui %sign3A_518 : i1 to i32
        %sign3A_520 = arith.subi %sign3A_516, %sign3A_519 : i32
        %ne3A_521 = arith.cmpi ne, %sign3A_513, %sign3A_520 : i32
        %rem3A_522 = arith.remsi %sub3A_488, %jit3A_505 : i32
        %ne3A_523 = arith.constant 0 : i32
        %ne3A_524 = arith.cmpi ne, %rem3A_522, %ne3A_523 : i32
        %and3A_525 = arith.andi %ne3A_521, %ne3A_524 : i1
        %sub3A_526 = arith.constant 1 : i32
        %sub3A_527 = arith.subi %div3A_506, %sub3A_526 : i32
        %select_n3A_528 = arith.select %and3A_525, %sub3A_527, %div3A_506 : i32
        %mul3A_529 = arith.constant 4 : i32
        %mul3A_530 = arith.muli %add3A, %mul3A_529 : i32
        %mul3A_531 = arith.constant 1 : i32
        %mul3A_532 = arith.muli %select_n3A_528, %mul3A_531 : i32
        %add3A_533 = arith.addi %mul3A_530, %mul3A_532 : i32
        %dma_wait3A_534 = arith.constant 0 : i32
        %dma_wait3A_535 = arith.constant 0 : i32
        %dma_wait3A_536 = arith.constant 0 : i32
        %dma_wait3A_537 = tpu.memref_slice %arg4[%select_n3A_504, %dma_wait3A_534, %add3A_533, %dma_wait3A_535, %dma_wait3A_536] : memref<50x8x128x8x128xf32, #tpu.memory_space<hbm>> -> memref<1x8x1x8x128xf32, #tpu.memory_space<hbm>>
        %dma_wait3A_538 = tpu.memref_squeeze %dma_wait3A_537 : memref<1x8x1x8x128xf32, #tpu.memory_space<hbm>> -> memref<8x1x8x128xf32, #tpu.memory_space<hbm>>
        %dma_wait3A_539 = arith.constant 0 : i32
        %dma_wait3A_540 = arith.constant 0 : i32
        %dma_wait3A_541 = arith.constant 0 : i32
        %dma_wait3A_542 = tpu.memref_slice %arg4[%select_n3A_504, %dma_wait3A_539, %add3A_533, %dma_wait3A_540, %dma_wait3A_541] : memref<50x8x128x8x128xf32, #tpu.memory_space<hbm>> -> memref<1x8x1x8x128xf32, #tpu.memory_space<hbm>>
        %dma_wait3A_543 = tpu.memref_squeeze %dma_wait3A_542 : memref<1x8x1x8x128xf32, #tpu.memory_space<hbm>> -> memref<8x1x8x128xf32, #tpu.memory_space<hbm>>
        tpu.wait_dma2 semaphore(%arg26 : memref<!tpu.dma_semaphore, #tpu.memory_space<semaphore_mem>>) src(%arg14 : memref<8x1x8x128xf32, #tpu.memory_space<vmem>>) dst(%dma_wait3A_543 : memref<8x1x8x128xf32, #tpu.memory_space<hbm>>)
      } else {
      }
      %parallel_loop3A_254 = arith.constant 0 : i32
      %parallel_loop3A_255 = arith.constant 64 : i32
      %parallel_loop3A_256 = arith.constant 1 : i32
      scf.for %parallel_loop3A_487 = %parallel_loop3A_254 to %parallel_loop3A_255 step %parallel_loop3A_256  : i32 {
        %parallel_loop3A_488 = vector.broadcast %parallel_loop3A_487 : i32 to vector<16xi32>
        %parallel_loop3A_489 = arith.constant 8 : i32
        %parallel_loop3A_490 = arith.divsi %parallel_loop3A_487, %parallel_loop3A_489 : i32
        %parallel_loop3A_491 = arith.constant 0 : i32
        %parallel_loop3A_492 = arith.cmpi sgt, %parallel_loop3A_487, %parallel_loop3A_491 : i32
        %parallel_loop3A_493 = arith.extui %parallel_loop3A_492 : i1 to i32
        %parallel_loop3A_494 = arith.constant 0 : i32
        %parallel_loop3A_495 = arith.cmpi slt, %parallel_loop3A_487, %parallel_loop3A_494 : i32
        %parallel_loop3A_496 = arith.extui %parallel_loop3A_495 : i1 to i32
        %parallel_loop3A_497 = arith.subi %parallel_loop3A_493, %parallel_loop3A_496 : i32
        %parallel_loop3A_498 = arith.constant 0 : i32
        %parallel_loop3A_499 = arith.cmpi sgt, %parallel_loop3A_489, %parallel_loop3A_498 : i32
        %parallel_loop3A_500 = arith.extui %parallel_loop3A_499 : i1 to i32
        %parallel_loop3A_501 = arith.constant 0 : i32
        %parallel_loop3A_502 = arith.cmpi slt, %parallel_loop3A_489, %parallel_loop3A_501 : i32
        %parallel_loop3A_503 = arith.extui %parallel_loop3A_502 : i1 to i32
        %parallel_loop3A_504 = arith.subi %parallel_loop3A_500, %parallel_loop3A_503 : i32
        %parallel_loop3A_505 = arith.cmpi ne, %parallel_loop3A_497, %parallel_loop3A_504 : i32
        %parallel_loop3A_506 = arith.remsi %parallel_loop3A_487, %parallel_loop3A_489 : i32
        %parallel_loop3A_507 = arith.constant 0 : i32
        %parallel_loop3A_508 = arith.cmpi ne, %parallel_loop3A_506, %parallel_loop3A_507 : i32
        %parallel_loop3A_509 = arith.andi %parallel_loop3A_505, %parallel_loop3A_508 : i1
        %parallel_loop3A_510 = arith.constant 1 : i32
        %parallel_loop3A_511 = arith.subi %parallel_loop3A_490, %parallel_loop3A_510 : i32
        %parallel_loop3A_512 = arith.select %parallel_loop3A_509, %parallel_loop3A_511, %parallel_loop3A_490 : i32
        %parallel_loop3A_513 = arith.constant 8 : i32
        %parallel_loop3A_514 = arith.constant 0 : i32
        %parallel_loop3A_515 = arith.cmpi eq, %parallel_loop3A_513, %parallel_loop3A_514 : i32
        %parallel_loop3A_516 = arith.constant 1 : i32
        %parallel_loop3A_517 = arith.select %parallel_loop3A_515, %parallel_loop3A_516, %parallel_loop3A_513 : i32
        %parallel_loop3A_518 = arith.remsi %parallel_loop3A_487, %parallel_loop3A_517 : i32
        %parallel_loop3A_519 = arith.constant 0 : i32
        %parallel_loop3A_520 = arith.cmpi ne, %parallel_loop3A_518, %parallel_loop3A_519 : i32
        %parallel_loop3A_521 = arith.constant 0 : i32
        %parallel_loop3A_522 = arith.cmpi slt, %parallel_loop3A_518, %parallel_loop3A_521 : i32
        %parallel_loop3A_523 = arith.constant 0 : i32
        %parallel_loop3A_524 = arith.cmpi slt, %parallel_loop3A_517, %parallel_loop3A_523 : i32
        %parallel_loop3A_525 = arith.xori %parallel_loop3A_522, %parallel_loop3A_524 : i1
        %parallel_loop3A_526 = arith.andi %parallel_loop3A_525, %parallel_loop3A_520 : i1
        %parallel_loop3A_527 = arith.addi %parallel_loop3A_518, %parallel_loop3A_517 : i32
        %parallel_loop3A_528 = arith.select %parallel_loop3A_526, %parallel_loop3A_527, %parallel_loop3A_518 : i32
        %parallel_loop3A_529 = tpu.vector_load_idx %arg10[%add3A_3, %parallel_loop3A_488] : memref<128x64xf32, #tpu.memory_space<vmem>>[vector<16xi32>, vector<16xi32>], vector<16xf32>,
        %parallel_loop3A_530 = arith.constant 0 : i32
        %parallel_loop3A_531 = arith.index_cast %parallel_loop3A_512 : i32 to index
        %parallel_loop3A_532 = arith.index_cast %parallel_loop3A_530 : i32 to index
        %parallel_loop3A_533 = arith.index_cast %parallel_loop3A_528 : i32 to index
        %parallel_loop3A_534 = arith.constant 0 : index
        %parallel_loop3A_535 = tpu.vector_load %arg14[%parallel_loop3A_531, %parallel_loop3A_532, %parallel_loop3A_533, %parallel_loop3A_534] {strides = array<i32>} : memref<8x1x8x128xf32, #tpu.memory_space<vmem>>, vector<16xf32>,
        tpu.vector_store %arg14[%parallel_loop3A_531, %parallel_loop3A_532, %parallel_loop3A_533, %parallel_loop3A_534], %parallel_loop3A_529 {strides = array<i32>} : memref<8x1x8x128xf32, #tpu.memory_space<vmem>>, vector<16xf32>,
        %parallel_loop3A_536 = tpu.vector_load_idx %arg10[%add3A_6, %parallel_loop3A_488] : memref<128x64xf32, #tpu.memory_space<vmem>>[vector<16xi32>, vector<16xi32>], vector<16xf32>,
        %parallel_loop3A_537 = arith.constant 0 : i32
        %parallel_loop3A_538 = arith.index_cast %parallel_loop3A_512 : i32 to index
        %parallel_loop3A_539 = arith.index_cast %parallel_loop3A_537 : i32 to index
        %parallel_loop3A_540 = arith.index_cast %parallel_loop3A_528 : i32 to index
        %parallel_loop3A_541 = arith.constant 16 : index
        %parallel_loop3A_542 = tpu.vector_load %arg14[%parallel_loop3A_538, %parallel_loop3A_539, %parallel_loop3A_540, %parallel_loop3A_541] {strides = array<i32>} : memref<8x1x8x128xf32, #tpu.memory_space<vmem>>, vector<16xf32>,
        tpu.vector_store %arg14[%parallel_loop3A_538, %parallel_loop3A_539, %parallel_loop3A_540, %parallel_loop3A_541], %parallel_loop3A_536 {strides = array<i32>} : memref<8x1x8x128xf32, #tpu.memory_space<vmem>>, vector<16xf32>,
        %parallel_loop3A_543 = tpu.vector_load_idx %arg10[%add3A_9, %parallel_loop3A_488] : memref<128x64xf32, #tpu.memory_space<vmem>>[vector<16xi32>, vector<16xi32>], vector<16xf32>,
        %parallel_loop3A_544 = arith.constant 0 : i32
        %parallel_loop3A_545 = arith.index_cast %parallel_loop3A_512 : i32 to index
        %parallel_loop3A_546 = arith.index_cast %parallel_loop3A_544 : i32 to index
        %parallel_loop3A_547 = arith.index_cast %parallel_loop3A_528 : i32 to index
        %parallel_loop3A_548 = arith.constant 32 : index
        %parallel_loop3A_549 = tpu.vector_load %arg14[%parallel_loop3A_545, %parallel_loop3A_546, %parallel_loop3A_547, %parallel_loop3A_548] {strides = array<i32>} : memref<8x1x8x128xf32, #tpu.memory_space<vmem>>, vector<16xf32>,
        tpu.vector_store %arg14[%parallel_loop3A_545, %parallel_loop3A_546, %parallel_loop3A_547, %parallel_loop3A_548], %parallel_loop3A_543 {strides = array<i32>} : memref<8x1x8x128xf32, #tpu.memory_space<vmem>>, vector<16xf32>,
        %parallel_loop3A_550 = tpu.vector_load_idx %arg10[%add3A_12, %parallel_loop3A_488] : memref<128x64xf32, #tpu.memory_space<vmem>>[vector<16xi32>, vector<16xi32>], vector<16xf32>,
        %parallel_loop3A_551 = arith.constant 0 : i32
        %parallel_loop3A_552 = arith.index_cast %parallel_loop3A_512 : i32 to index
        %parallel_loop3A_553 = arith.index_cast %parallel_loop3A_551 : i32 to index
        %parallel_loop3A_554 = arith.index_cast %parallel_loop3A_528 : i32 to index
        %parallel_loop3A_555 = arith.constant 48 : index
        %parallel_loop3A_556 = tpu.vector_load %arg14[%parallel_loop3A_552, %parallel_loop3A_553, %parallel_loop3A_554, %parallel_loop3A_555] {strides = array<i32>} : memref<8x1x8x128xf32, #tpu.memory_space<vmem>>, vector<16xf32>,
        tpu.vector_store %arg14[%parallel_loop3A_552, %parallel_loop3A_553, %parallel_loop3A_554, %parallel_loop3A_555], %parallel_loop3A_550 {strides = array<i32>} : memref<8x1x8x128xf32, #tpu.memory_space<vmem>>, vector<16xf32>,
        %parallel_loop3A_557 = tpu.vector_load_idx %arg10[%add3A_15, %parallel_loop3A_488] : memref<128x64xf32, #tpu.memory_space<vmem>>[vector<16xi32>, vector<16xi32>], vector<16xf32>,
        %parallel_loop3A_558 = arith.constant 0 : i32
        %parallel_loop3A_559 = arith.index_cast %parallel_loop3A_512 : i32 to index
        %parallel_loop3A_560 = arith.index_cast %parallel_loop3A_558 : i32 to index
        %parallel_loop3A_561 = arith.index_cast %parallel_loop3A_528 : i32 to index
        %parallel_loop3A_562 = arith.constant 64 : index
        %parallel_loop3A_563 = tpu.vector_load %arg14[%parallel_loop3A_559, %parallel_loop3A_560, %parallel_loop3A_561, %parallel_loop3A_562] {strides = array<i32>} : memref<8x1x8x128xf32, #tpu.memory_space<vmem>>, vector<16xf32>,
        tpu.vector_store %arg14[%parallel_loop3A_559, %parallel_loop3A_560, %parallel_loop3A_561, %parallel_loop3A_562], %parallel_loop3A_557 {strides = array<i32>} : memref<8x1x8x128xf32, #tpu.memory_space<vmem>>, vector<16xf32>,
        %parallel_loop3A_564 = tpu.vector_load_idx %arg10[%add3A_18, %parallel_loop3A_488] : memref<128x64xf32, #tpu.memory_space<vmem>>[vector<16xi32>, vector<16xi32>], vector<16xf32>,
        %parallel_loop3A_565 = arith.constant 0 : i32
        %parallel_loop3A_566 = arith.index_cast %parallel_loop3A_512 : i32 to index
        %parallel_loop3A_567 = arith.index_cast %parallel_loop3A_565 : i32 to index
        %parallel_loop3A_568 = arith.index_cast %parallel_loop3A_528 : i32 to index
        %parallel_loop3A_569 = arith.constant 80 : index
        %parallel_loop3A_570 = tpu.vector_load %arg14[%parallel_loop3A_566, %parallel_loop3A_567, %parallel_loop3A_568, %parallel_loop3A_569] {strides = array<i32>} : memref<8x1x8x128xf32, #tpu.memory_space<vmem>>, vector<16xf32>,
        tpu.vector_store %arg14[%parallel_loop3A_566, %parallel_loop3A_567, %parallel_loop3A_568, %parallel_loop3A_569], %parallel_loop3A_564 {strides = array<i32>} : memref<8x1x8x128xf32, #tpu.memory_space<vmem>>, vector<16xf32>,
        %parallel_loop3A_571 = tpu.vector_load_idx %arg10[%add3A_21, %parallel_loop3A_488] : memref<128x64xf32, #tpu.memory_space<vmem>>[vector<16xi32>, vector<16xi32>], vector<16xf32>,
        %parallel_loop3A_572 = arith.constant 0 : i32
        %parallel_loop3A_573 = arith.index_cast %parallel_loop3A_512 : i32 to index
        %parallel_loop3A_574 = arith.index_cast %parallel_loop3A_572 : i32 to index
        %parallel_loop3A_575 = arith.index_cast %parallel_loop3A_528 : i32 to index
        %parallel_loop3A_576 = arith.constant 96 : index
        %parallel_loop3A_577 = tpu.vector_load %arg14[%parallel_loop3A_573, %parallel_loop3A_574, %parallel_loop3A_575, %parallel_loop3A_576] {strides = array<i32>} : memref<8x1x8x128xf32, #tpu.memory_space<vmem>>, vector<16xf32>,
        tpu.vector_store %arg14[%parallel_loop3A_573, %parallel_loop3A_574, %parallel_loop3A_575, %parallel_loop3A_576], %parallel_loop3A_571 {strides = array<i32>} : memref<8x1x8x128xf32, #tpu.memory_space<vmem>>, vector<16xf32>,
        %parallel_loop3A_578 = tpu.vector_load_idx %arg10[%add3A_24, %parallel_loop3A_488] : memref<128x64xf32, #tpu.memory_space<vmem>>[vector<16xi32>, vector<16xi32>], vector<16xf32>,
        %parallel_loop3A_579 = arith.constant 0 : i32
        %parallel_loop3A_580 = arith.index_cast %parallel_loop3A_512 : i32 to index
        %parallel_loop3A_581 = arith.index_cast %parallel_loop3A_579 : i32 to index
        %parallel_loop3A_582 = arith.index_cast %parallel_loop3A_528 : i32 to index
        %parallel_loop3A_583 = arith.constant 112 : index
        %parallel_loop3A_584 = tpu.vector_load %arg14[%parallel_loop3A_580, %parallel_loop3A_581, %parallel_loop3A_582, %parallel_loop3A_583] {strides = array<i32>} : memref<8x1x8x128xf32, #tpu.memory_space<vmem>>, vector<16xf32>,
        tpu.vector_store %arg14[%parallel_loop3A_580, %parallel_loop3A_581, %parallel_loop3A_582, %parallel_loop3A_583], %parallel_loop3A_578 {strides = array<i32>} : memref<8x1x8x128xf32, #tpu.memory_space<vmem>>, vector<16xf32>,
      } {sc.loop_unroll_factor = 4 : i64, sc.parallel_access}
      %jit3A_257 = arith.constant 50 : i32
      %eq3A_258 = arith.constant 0 : i32
      %eq3A_259 = arith.cmpi eq, %jit3A_257, %eq3A_258 : i32
      %jit3A_260 = arith.constant 1 : i32
      %select_n3A_261 = arith.select %eq3A_259, %jit3A_260, %jit3A_257 : i32
      %rem3A_262 = arith.remsi %add3A_238, %select_n3A_261 : i32
      %ne3A_263 = arith.constant 0 : i32
      %ne3A_264 = arith.cmpi ne, %rem3A_262, %ne3A_263 : i32
      %lt3A_265 = arith.constant 0 : i32
      %lt3A_266 = arith.cmpi slt, %rem3A_262, %lt3A_265 : i32
      %lt3A_267 = arith.constant 0 : i32
      %lt3A_268 = arith.cmpi slt, %select_n3A_261, %lt3A_267 : i32
      %ne3A_269 = arith.xori %lt3A_266, %lt3A_268 : i1
      %and3A_270 = arith.andi %ne3A_269, %ne3A_264 : i1
      %add3A_271 = arith.addi %rem3A_262, %select_n3A_261 : i32
      %select_n3A_272 = arith.select %and3A_270, %add3A_271, %rem3A_262 : i32
      %jit3A_273 = arith.constant 50 : i32
      %div3A_274 = arith.divsi %add3A_238, %jit3A_273 : i32
      %sign3A_275 = arith.constant 0 : i32
      %sign3A_276 = arith.cmpi sgt, %add3A_238, %sign3A_275 : i32
      %sign3A_277 = arith.extui %sign3A_276 : i1 to i32
      %sign3A_278 = arith.constant 0 : i32
      %sign3A_279 = arith.cmpi slt, %add3A_238, %sign3A_278 : i32
      %sign3A_280 = arith.extui %sign3A_279 : i1 to i32
      %sign3A_281 = arith.subi %sign3A_277, %sign3A_280 : i32
      %sign3A_282 = arith.constant 0 : i32
      %sign3A_283 = arith.cmpi sgt, %jit3A_273, %sign3A_282 : i32
      %sign3A_284 = arith.extui %sign3A_283 : i1 to i32
      %sign3A_285 = arith.constant 0 : i32
      %sign3A_286 = arith.cmpi slt, %jit3A_273, %sign3A_285 : i32
      %sign3A_287 = arith.extui %sign3A_286 : i1 to i32
      %sign3A_288 = arith.subi %sign3A_284, %sign3A_287 : i32
      %ne3A_289 = arith.cmpi ne, %sign3A_281, %sign3A_288 : i32
      %rem3A_290 = arith.remsi %add3A_238, %jit3A_273 : i32
      %ne3A_291 = arith.constant 0 : i32
      %ne3A_292 = arith.cmpi ne, %rem3A_290, %ne3A_291 : i32
      %and3A_293 = arith.andi %ne3A_289, %ne3A_292 : i1
      %sub3A_294 = arith.constant 1 : i32
      %sub3A_295 = arith.subi %div3A_274, %sub3A_294 : i32
      %select_n3A_296 = arith.select %and3A_293, %sub3A_295, %div3A_274 : i32
      %mul3A_297 = arith.constant 4 : i32
      %mul3A_298 = arith.muli %add3A, %mul3A_297 : i32
      %mul3A_299 = arith.constant 1 : i32
      %mul3A_300 = arith.muli %select_n3A_296, %mul3A_299 : i32
      %add3A_301 = arith.addi %mul3A_298, %mul3A_300 : i32
      %dma_start3A_302 = arith.constant 0 : i32
      %dma_start3A_303 = arith.constant 0 : i32
      %dma_start3A_304 = arith.constant 0 : i32
      %dma_start3A_305 = tpu.memref_slice %arg4[%select_n3A_272, %dma_start3A_302, %add3A_301, %dma_start3A_303, %dma_start3A_304] : memref<50x8x128x8x128xf32, #tpu.memory_space<hbm>> -> memref<1x8x1x8x128xf32, #tpu.memory_space<hbm>>
      %dma_start3A_306 = tpu.memref_squeeze %dma_start3A_305 : memref<1x8x1x8x128xf32, #tpu.memory_space<hbm>> -> memref<8x1x8x128xf32, #tpu.memory_space<hbm>>
      %dma_start3A_307 = arith.constant 0 : i32
      %dma_start3A_308 = arith.constant 0 : i32
      %dma_start3A_309 = arith.constant 0 : i32
      %dma_start3A_310 = tpu.memref_slice %arg4[%select_n3A_272, %dma_start3A_307, %add3A_301, %dma_start3A_308, %dma_start3A_309] : memref<50x8x128x8x128xf32, #tpu.memory_space<hbm>> -> memref<1x8x1x8x128xf32, #tpu.memory_space<hbm>>
      %dma_start3A_311 = tpu.memref_squeeze %dma_start3A_310 : memref<1x8x1x8x128xf32, #tpu.memory_space<hbm>> -> memref<8x1x8x128xf32, #tpu.memory_space<hbm>>
      tpu.enqueue_dma source(%arg14 : memref<8x1x8x128xf32, #tpu.memory_space<vmem>>) target(%dma_start3A_311 : memref<8x1x8x128xf32, #tpu.memory_space<hbm>>) target_semaphore(%arg26 : memref<!tpu.dma_semaphore, #tpu.memory_space<semaphore_mem>>)
      %add3A_312 = arith.constant 4 : i32
      %add3A_313 = arith.addi %add3A_238, %add3A_312 : i32
      %lt3A_314 = arith.constant 200 : i32
      %lt3A_315 = arith.cmpi slt, %add3A_313, %lt3A_314 : i32
      %convert_element_type3A_316 = arith.extui %lt3A_315 : i1 to i32
      %cond3A_317 = arith.constant 0 : i32
      %cond3A_318 = arith.cmpi ne, %convert_element_type3A_316, %cond3A_317 : i32
      scf.if %cond3A_318 {
        %add3A_487 = arith.constant 4 : i32
        %add3A_488 = arith.addi %add3A_238, %add3A_487 : i32
        %jit3A_489 = arith.constant 50 : i32
        %eq3A_490 = arith.constant 0 : i32
        %eq3A_491 = arith.cmpi eq, %jit3A_489, %eq3A_490 : i32
        %jit3A_492 = arith.constant 1 : i32
        %select_n3A_493 = arith.select %eq3A_491, %jit3A_492, %jit3A_489 : i32
        %rem3A_494 = arith.remsi %add3A_488, %select_n3A_493 : i32
        %ne3A_495 = arith.constant 0 : i32
        %ne3A_496 = arith.cmpi ne, %rem3A_494, %ne3A_495 : i32
        %lt3A_497 = arith.constant 0 : i32
        %lt3A_498 = arith.cmpi slt, %rem3A_494, %lt3A_497 : i32
        %lt3A_499 = arith.constant 0 : i32
        %lt3A_500 = arith.cmpi slt, %select_n3A_493, %lt3A_499 : i32
        %ne3A_501 = arith.xori %lt3A_498, %lt3A_500 : i1
        %and3A_502 = arith.andi %ne3A_501, %ne3A_496 : i1
        %add3A_503 = arith.addi %rem3A_494, %select_n3A_493 : i32
        %select_n3A_504 = arith.select %and3A_502, %add3A_503, %rem3A_494 : i32
        %jit3A_505 = arith.constant 50 : i32
        %div3A_506 = arith.divsi %add3A_488, %jit3A_505 : i32
        %sign3A_507 = arith.constant 0 : i32
        %sign3A_508 = arith.cmpi sgt, %add3A_488, %sign3A_507 : i32
        %sign3A_509 = arith.extui %sign3A_508 : i1 to i32
        %sign3A_510 = arith.constant 0 : i32
        %sign3A_511 = arith.cmpi slt, %add3A_488, %sign3A_510 : i32
        %sign3A_512 = arith.extui %sign3A_511 : i1 to i32
        %sign3A_513 = arith.subi %sign3A_509, %sign3A_512 : i32
        %sign3A_514 = arith.constant 0 : i32
        %sign3A_515 = arith.cmpi sgt, %jit3A_505, %sign3A_514 : i32
        %sign3A_516 = arith.extui %sign3A_515 : i1 to i32
        %sign3A_517 = arith.constant 0 : i32
        %sign3A_518 = arith.cmpi slt, %jit3A_505, %sign3A_517 : i32
        %sign3A_519 = arith.extui %sign3A_518 : i1 to i32
        %sign3A_520 = arith.subi %sign3A_516, %sign3A_519 : i32
        %ne3A_521 = arith.cmpi ne, %sign3A_513, %sign3A_520 : i32
        %rem3A_522 = arith.remsi %add3A_488, %jit3A_505 : i32
        %ne3A_523 = arith.constant 0 : i32
        %ne3A_524 = arith.cmpi ne, %rem3A_522, %ne3A_523 : i32
        %and3A_525 = arith.andi %ne3A_521, %ne3A_524 : i1
        %sub3A_526 = arith.constant 1 : i32
        %sub3A_527 = arith.subi %div3A_506, %sub3A_526 : i32
        %select_n3A_528 = arith.select %and3A_525, %sub3A_527, %div3A_506 : i32
        %mul3A_529 = arith.constant 16384 : i32
        %mul3A_530 = arith.muli %select_n3A_504, %mul3A_529 : i32
        %mul3A_531 = arith.constant 512 : i32
        %mul3A_532 = arith.muli %add3A, %mul3A_531 : i32
        %add3A_533 = arith.addi %mul3A_530, %mul3A_532 : i32
        %mul3A_534 = arith.constant 128 : i32
        %mul3A_535 = arith.muli %select_n3A_528, %mul3A_534 : i32
        %add3A_536 = arith.addi %add3A_533, %mul3A_535 : i32
        %dma_wait3A_537 = tpu.memref_slice %arg3[%add3A_536] : memref<819200xi32, #tpu.memory_space<hbm>> -> memref<128xi32, #tpu.memory_space<hbm>>
        %dma_wait3A_538 = tpu.memref_slice %arg3[%add3A_536] : memref<819200xi32, #tpu.memory_space<hbm>> -> memref<128xi32, #tpu.memory_space<hbm>>
        tpu.wait_dma2 semaphore(%arg18 : memref<!tpu.dma_semaphore, #tpu.memory_space<semaphore_mem>>) src(%dma_wait3A_538 : memref<128xi32, #tpu.memory_space<hbm>>) dst(%arg6 : memref<128xi32, #tpu.memory_space<vmem>>)
        %dma_start3A_539 = arith.constant 0 : i32
        %dma_start3A_540 = arith.constant 0 : i32
        %dma_start3A_541 = tpu.memref_slice %arg2[%dma_start3A_539, %dma_start3A_540] : memref<2000000x64xf32, #tpu.memory_space<hbm>> -> memref<2000000x64xf32, #tpu.memory_space<hbm>>
        tpu.enqueue_indirect_dma source(%dma_start3A_541 : memref<2000000x64xf32, #tpu.memory_space<hbm>>) target(%arg10 : memref<128x64xf32, #tpu.memory_space<vmem>>) offsets(%arg6 : memref<128xi32, #tpu.memory_space<vmem>>) semaphore(%arg22 : memref<!tpu.dma_semaphore, #tpu.memory_space<semaphore_mem>>)
      } else {
      }
      %mul3A_319 = arith.constant 4 : i32
      %mul3A_320 = arith.muli %mul3A_319, %scan3A_164 : i32
      %add3A_321 = arith.constant 2 : i32
      %add3A_322 = arith.addi %mul3A_320, %add3A_321 : i32
      %dma_wait3A_323 = arith.constant 0 : i32
      %dma_wait3A_324 = arith.constant 0 : i32
      %dma_wait3A_325 = tpu.memref_slice %arg2[%dma_wait3A_323, %dma_wait3A_324] : memref<2000000x64xf32, #tpu.memory_space<hbm>> -> memref<2000000x64xf32, #tpu.memory_space<hbm>>
      tpu.wait_indirect_dma semaphore(%arg23 : memref<!tpu.dma_semaphore, #tpu.memory_space<semaphore_mem>>) src(%dma_wait3A_325 : memref<2000000x64xf32, #tpu.memory_space<hbm>>) dst(%arg11 : memref<128x64xf32, #tpu.memory_space<vmem>>)
      %add3A_326 = arith.constant 4 : i32
      %add3A_327 = arith.addi %add3A_322, %add3A_326 : i32
      %lt3A_328 = arith.constant 200 : i32
      %lt3A_329 = arith.cmpi slt, %add3A_327, %lt3A_328 : i32
      %convert_element_type3A_330 = arith.extui %lt3A_329 : i1 to i32
      %cond3A_331 = arith.constant 0 : i32
      %cond3A_332 = arith.cmpi ne, %convert_element_type3A_330, %cond3A_331 : i32
      scf.if %cond3A_332 {
        %add3A_487 = arith.constant 4 : i32
        %add3A_488 = arith.addi %add3A_322, %add3A_487 : i32
        %jit3A_489 = arith.constant 50 : i32
        %eq3A_490 = arith.constant 0 : i32
        %eq3A_491 = arith.cmpi eq, %jit3A_489, %eq3A_490 : i32
        %jit3A_492 = arith.constant 1 : i32
        %select_n3A_493 = arith.select %eq3A_491, %jit3A_492, %jit3A_489 : i32
        %rem3A_494 = arith.remsi %add3A_488, %select_n3A_493 : i32
        %ne3A_495 = arith.constant 0 : i32
        %ne3A_496 = arith.cmpi ne, %rem3A_494, %ne3A_495 : i32
        %lt3A_497 = arith.constant 0 : i32
        %lt3A_498 = arith.cmpi slt, %rem3A_494, %lt3A_497 : i32
        %lt3A_499 = arith.constant 0 : i32
        %lt3A_500 = arith.cmpi slt, %select_n3A_493, %lt3A_499 : i32
        %ne3A_501 = arith.xori %lt3A_498, %lt3A_500 : i1
        %and3A_502 = arith.andi %ne3A_501, %ne3A_496 : i1
        %add3A_503 = arith.addi %rem3A_494, %select_n3A_493 : i32
        %select_n3A_504 = arith.select %and3A_502, %add3A_503, %rem3A_494 : i32
        %jit3A_505 = arith.constant 50 : i32
        %div3A_506 = arith.divsi %add3A_488, %jit3A_505 : i32
        %sign3A_507 = arith.constant 0 : i32
        %sign3A_508 = arith.cmpi sgt, %add3A_488, %sign3A_507 : i32
        %sign3A_509 = arith.extui %sign3A_508 : i1 to i32
        %sign3A_510 = arith.constant 0 : i32
        %sign3A_511 = arith.cmpi slt, %add3A_488, %sign3A_510 : i32
        %sign3A_512 = arith.extui %sign3A_511 : i1 to i32
        %sign3A_513 = arith.subi %sign3A_509, %sign3A_512 : i32
        %sign3A_514 = arith.constant 0 : i32
        %sign3A_515 = arith.cmpi sgt, %jit3A_505, %sign3A_514 : i32
        %sign3A_516 = arith.extui %sign3A_515 : i1 to i32
        %sign3A_517 = arith.constant 0 : i32
        %sign3A_518 = arith.cmpi slt, %jit3A_505, %sign3A_517 : i32
        %sign3A_519 = arith.extui %sign3A_518 : i1 to i32
        %sign3A_520 = arith.subi %sign3A_516, %sign3A_519 : i32
        %ne3A_521 = arith.cmpi ne, %sign3A_513, %sign3A_520 : i32
        %rem3A_522 = arith.remsi %add3A_488, %jit3A_505 : i32
        %ne3A_523 = arith.constant 0 : i32
        %ne3A_524 = arith.cmpi ne, %rem3A_522, %ne3A_523 : i32
        %and3A_525 = arith.andi %ne3A_521, %ne3A_524 : i1
        %sub3A_526 = arith.constant 1 : i32
        %sub3A_527 = arith.subi %div3A_506, %sub3A_526 : i32
        %select_n3A_528 = arith.select %and3A_525, %sub3A_527, %div3A_506 : i32
        %mul3A_529 = arith.constant 16384 : i32
        %mul3A_530 = arith.muli %select_n3A_504, %mul3A_529 : i32
        %mul3A_531 = arith.constant 512 : i32
        %mul3A_532 = arith.muli %add3A, %mul3A_531 : i32
        %add3A_533 = arith.addi %mul3A_530, %mul3A_532 : i32
        %mul3A_534 = arith.constant 128 : i32
        %mul3A_535 = arith.muli %select_n3A_528, %mul3A_534 : i32
        %add3A_536 = arith.addi %add3A_533, %mul3A_535 : i32
        %dma_start3A_537 = tpu.memref_slice %arg3[%add3A_536] : memref<819200xi32, #tpu.memory_space<hbm>> -> memref<128xi32, #tpu.memory_space<hbm>>
        %dma_start3A_538 = tpu.memref_slice %arg3[%add3A_536] : memref<819200xi32, #tpu.memory_space<hbm>> -> memref<128xi32, #tpu.memory_space<hbm>>
        tpu.enqueue_dma source(%dma_start3A_538 : memref<128xi32, #tpu.memory_space<hbm>>) target(%arg7 : memref<128xi32, #tpu.memory_space<vmem>>) target_semaphore(%arg19 : memref<!tpu.dma_semaphore, #tpu.memory_space<semaphore_mem>>)
      } else {
      }
      %gt3A_333 = arith.constant 0 : i32
      %gt3A_334 = arith.cmpi sgt, %scan3A_164, %gt3A_333 : i32
      %convert_element_type3A_335 = arith.extui %gt3A_334 : i1 to i32
      %cond3A_336 = arith.constant 0 : i32
      %cond3A_337 = arith.cmpi ne, %convert_element_type3A_335, %cond3A_336 : i32
      scf.if %cond3A_337 {
        %sub3A_487 = arith.constant 4 : i32
        %sub3A_488 = arith.subi %add3A_322, %sub3A_487 : i32
        %jit3A_489 = arith.constant 50 : i32
        %eq3A_490 = arith.constant 0 : i32
        %eq3A_491 = arith.cmpi eq, %jit3A_489, %eq3A_490 : i32
        %jit3A_492 = arith.constant 1 : i32
        %select_n3A_493 = arith.select %eq3A_491, %jit3A_492, %jit3A_489 : i32
        %rem3A_494 = arith.remsi %sub3A_488, %select_n3A_493 : i32
        %ne3A_495 = arith.constant 0 : i32
        %ne3A_496 = arith.cmpi ne, %rem3A_494, %ne3A_495 : i32
        %lt3A_497 = arith.constant 0 : i32
        %lt3A_498 = arith.cmpi slt, %rem3A_494, %lt3A_497 : i32
        %lt3A_499 = arith.constant 0 : i32
        %lt3A_500 = arith.cmpi slt, %select_n3A_493, %lt3A_499 : i32
        %ne3A_501 = arith.xori %lt3A_498, %lt3A_500 : i1
        %and3A_502 = arith.andi %ne3A_501, %ne3A_496 : i1
        %add3A_503 = arith.addi %rem3A_494, %select_n3A_493 : i32
        %select_n3A_504 = arith.select %and3A_502, %add3A_503, %rem3A_494 : i32
        %jit3A_505 = arith.constant 50 : i32
        %div3A_506 = arith.divsi %sub3A_488, %jit3A_505 : i32
        %sign3A_507 = arith.constant 0 : i32
        %sign3A_508 = arith.cmpi sgt, %sub3A_488, %sign3A_507 : i32
        %sign3A_509 = arith.extui %sign3A_508 : i1 to i32
        %sign3A_510 = arith.constant 0 : i32
        %sign3A_511 = arith.cmpi slt, %sub3A_488, %sign3A_510 : i32
        %sign3A_512 = arith.extui %sign3A_511 : i1 to i32
        %sign3A_513 = arith.subi %sign3A_509, %sign3A_512 : i32
        %sign3A_514 = arith.constant 0 : i32
        %sign3A_515 = arith.cmpi sgt, %jit3A_505, %sign3A_514 : i32
        %sign3A_516 = arith.extui %sign3A_515 : i1 to i32
        %sign3A_517 = arith.constant 0 : i32
        %sign3A_518 = arith.cmpi slt, %jit3A_505, %sign3A_517 : i32
        %sign3A_519 = arith.extui %sign3A_518 : i1 to i32
        %sign3A_520 = arith.subi %sign3A_516, %sign3A_519 : i32
        %ne3A_521 = arith.cmpi ne, %sign3A_513, %sign3A_520 : i32
        %rem3A_522 = arith.remsi %sub3A_488, %jit3A_505 : i32
        %ne3A_523 = arith.constant 0 : i32
        %ne3A_524 = arith.cmpi ne, %rem3A_522, %ne3A_523 : i32
        %and3A_525 = arith.andi %ne3A_521, %ne3A_524 : i1
        %sub3A_526 = arith.constant 1 : i32
        %sub3A_527 = arith.subi %div3A_506, %sub3A_526 : i32
        %select_n3A_528 = arith.select %and3A_525, %sub3A_527, %div3A_506 : i32
        %mul3A_529 = arith.constant 4 : i32
        %mul3A_530 = arith.muli %add3A, %mul3A_529 : i32
        %mul3A_531 = arith.constant 1 : i32
        %mul3A_532 = arith.muli %select_n3A_528, %mul3A_531 : i32
        %add3A_533 = arith.addi %mul3A_530, %mul3A_532 : i32
        %dma_wait3A_534 = arith.constant 0 : i32
        %dma_wait3A_535 = arith.constant 0 : i32
        %dma_wait3A_536 = arith.constant 0 : i32
        %dma_wait3A_537 = tpu.memref_slice %arg4[%select_n3A_504, %dma_wait3A_534, %add3A_533, %dma_wait3A_535, %dma_wait3A_536] : memref<50x8x128x8x128xf32, #tpu.memory_space<hbm>> -> memref<1x8x1x8x128xf32, #tpu.memory_space<hbm>>
        %dma_wait3A_538 = tpu.memref_squeeze %dma_wait3A_537 : memref<1x8x1x8x128xf32, #tpu.memory_space<hbm>> -> memref<8x1x8x128xf32, #tpu.memory_space<hbm>>
        %dma_wait3A_539 = arith.constant 0 : i32
        %dma_wait3A_540 = arith.constant 0 : i32
        %dma_wait3A_541 = arith.constant 0 : i32
        %dma_wait3A_542 = tpu.memref_slice %arg4[%select_n3A_504, %dma_wait3A_539, %add3A_533, %dma_wait3A_540, %dma_wait3A_541] : memref<50x8x128x8x128xf32, #tpu.memory_space<hbm>> -> memref<1x8x1x8x128xf32, #tpu.memory_space<hbm>>
        %dma_wait3A_543 = tpu.memref_squeeze %dma_wait3A_542 : memref<1x8x1x8x128xf32, #tpu.memory_space<hbm>> -> memref<8x1x8x128xf32, #tpu.memory_space<hbm>>
        tpu.wait_dma2 semaphore(%arg27 : memref<!tpu.dma_semaphore, #tpu.memory_space<semaphore_mem>>) src(%arg15 : memref<8x1x8x128xf32, #tpu.memory_space<vmem>>) dst(%dma_wait3A_543 : memref<8x1x8x128xf32, #tpu.memory_space<hbm>>)
      } else {
      }
      %parallel_loop3A_338 = arith.constant 0 : i32
      %parallel_loop3A_339 = arith.constant 64 : i32
      %parallel_loop3A_340 = arith.constant 1 : i32
      scf.for %parallel_loop3A_487 = %parallel_loop3A_338 to %parallel_loop3A_339 step %parallel_loop3A_340  : i32 {
        %parallel_loop3A_488 = vector.broadcast %parallel_loop3A_487 : i32 to vector<16xi32>
        %parallel_loop3A_489 = arith.constant 8 : i32
        %parallel_loop3A_490 = arith.divsi %parallel_loop3A_487, %parallel_loop3A_489 : i32
        %parallel_loop3A_491 = arith.constant 0 : i32
        %parallel_loop3A_492 = arith.cmpi sgt, %parallel_loop3A_487, %parallel_loop3A_491 : i32
        %parallel_loop3A_493 = arith.extui %parallel_loop3A_492 : i1 to i32
        %parallel_loop3A_494 = arith.constant 0 : i32
        %parallel_loop3A_495 = arith.cmpi slt, %parallel_loop3A_487, %parallel_loop3A_494 : i32
        %parallel_loop3A_496 = arith.extui %parallel_loop3A_495 : i1 to i32
        %parallel_loop3A_497 = arith.subi %parallel_loop3A_493, %parallel_loop3A_496 : i32
        %parallel_loop3A_498 = arith.constant 0 : i32
        %parallel_loop3A_499 = arith.cmpi sgt, %parallel_loop3A_489, %parallel_loop3A_498 : i32
        %parallel_loop3A_500 = arith.extui %parallel_loop3A_499 : i1 to i32
        %parallel_loop3A_501 = arith.constant 0 : i32
        %parallel_loop3A_502 = arith.cmpi slt, %parallel_loop3A_489, %parallel_loop3A_501 : i32
        %parallel_loop3A_503 = arith.extui %parallel_loop3A_502 : i1 to i32
        %parallel_loop3A_504 = arith.subi %parallel_loop3A_500, %parallel_loop3A_503 : i32
        %parallel_loop3A_505 = arith.cmpi ne, %parallel_loop3A_497, %parallel_loop3A_504 : i32
        %parallel_loop3A_506 = arith.remsi %parallel_loop3A_487, %parallel_loop3A_489 : i32
        %parallel_loop3A_507 = arith.constant 0 : i32
        %parallel_loop3A_508 = arith.cmpi ne, %parallel_loop3A_506, %parallel_loop3A_507 : i32
        %parallel_loop3A_509 = arith.andi %parallel_loop3A_505, %parallel_loop3A_508 : i1
        %parallel_loop3A_510 = arith.constant 1 : i32
        %parallel_loop3A_511 = arith.subi %parallel_loop3A_490, %parallel_loop3A_510 : i32
        %parallel_loop3A_512 = arith.select %parallel_loop3A_509, %parallel_loop3A_511, %parallel_loop3A_490 : i32
        %parallel_loop3A_513 = arith.constant 8 : i32
        %parallel_loop3A_514 = arith.constant 0 : i32
        %parallel_loop3A_515 = arith.cmpi eq, %parallel_loop3A_513, %parallel_loop3A_514 : i32
        %parallel_loop3A_516 = arith.constant 1 : i32
        %parallel_loop3A_517 = arith.select %parallel_loop3A_515, %parallel_loop3A_516, %parallel_loop3A_513 : i32
        %parallel_loop3A_518 = arith.remsi %parallel_loop3A_487, %parallel_loop3A_517 : i32
        %parallel_loop3A_519 = arith.constant 0 : i32
        %parallel_loop3A_520 = arith.cmpi ne, %parallel_loop3A_518, %parallel_loop3A_519 : i32
        %parallel_loop3A_521 = arith.constant 0 : i32
        %parallel_loop3A_522 = arith.cmpi slt, %parallel_loop3A_518, %parallel_loop3A_521 : i32
        %parallel_loop3A_523 = arith.constant 0 : i32
        %parallel_loop3A_524 = arith.cmpi slt, %parallel_loop3A_517, %parallel_loop3A_523 : i32
        %parallel_loop3A_525 = arith.xori %parallel_loop3A_522, %parallel_loop3A_524 : i1
        %parallel_loop3A_526 = arith.andi %parallel_loop3A_525, %parallel_loop3A_520 : i1
        %parallel_loop3A_527 = arith.addi %parallel_loop3A_518, %parallel_loop3A_517 : i32
        %parallel_loop3A_528 = arith.select %parallel_loop3A_526, %parallel_loop3A_527, %parallel_loop3A_518 : i32
        %parallel_loop3A_529 = tpu.vector_load_idx %arg11[%add3A_3, %parallel_loop3A_488] : memref<128x64xf32, #tpu.memory_space<vmem>>[vector<16xi32>, vector<16xi32>], vector<16xf32>,
        %parallel_loop3A_530 = arith.constant 0 : i32
        %parallel_loop3A_531 = arith.index_cast %parallel_loop3A_512 : i32 to index
        %parallel_loop3A_532 = arith.index_cast %parallel_loop3A_530 : i32 to index
        %parallel_loop3A_533 = arith.index_cast %parallel_loop3A_528 : i32 to index
        %parallel_loop3A_534 = arith.constant 0 : index
        %parallel_loop3A_535 = tpu.vector_load %arg15[%parallel_loop3A_531, %parallel_loop3A_532, %parallel_loop3A_533, %parallel_loop3A_534] {strides = array<i32>} : memref<8x1x8x128xf32, #tpu.memory_space<vmem>>, vector<16xf32>,
        tpu.vector_store %arg15[%parallel_loop3A_531, %parallel_loop3A_532, %parallel_loop3A_533, %parallel_loop3A_534], %parallel_loop3A_529 {strides = array<i32>} : memref<8x1x8x128xf32, #tpu.memory_space<vmem>>, vector<16xf32>,
        %parallel_loop3A_536 = tpu.vector_load_idx %arg11[%add3A_6, %parallel_loop3A_488] : memref<128x64xf32, #tpu.memory_space<vmem>>[vector<16xi32>, vector<16xi32>], vector<16xf32>,
        %parallel_loop3A_537 = arith.constant 0 : i32
        %parallel_loop3A_538 = arith.index_cast %parallel_loop3A_512 : i32 to index
        %parallel_loop3A_539 = arith.index_cast %parallel_loop3A_537 : i32 to index
        %parallel_loop3A_540 = arith.index_cast %parallel_loop3A_528 : i32 to index
        %parallel_loop3A_541 = arith.constant 16 : index
        %parallel_loop3A_542 = tpu.vector_load %arg15[%parallel_loop3A_538, %parallel_loop3A_539, %parallel_loop3A_540, %parallel_loop3A_541] {strides = array<i32>} : memref<8x1x8x128xf32, #tpu.memory_space<vmem>>, vector<16xf32>,
        tpu.vector_store %arg15[%parallel_loop3A_538, %parallel_loop3A_539, %parallel_loop3A_540, %parallel_loop3A_541], %parallel_loop3A_536 {strides = array<i32>} : memref<8x1x8x128xf32, #tpu.memory_space<vmem>>, vector<16xf32>,
        %parallel_loop3A_543 = tpu.vector_load_idx %arg11[%add3A_9, %parallel_loop3A_488] : memref<128x64xf32, #tpu.memory_space<vmem>>[vector<16xi32>, vector<16xi32>], vector<16xf32>,
        %parallel_loop3A_544 = arith.constant 0 : i32
        %parallel_loop3A_545 = arith.index_cast %parallel_loop3A_512 : i32 to index
        %parallel_loop3A_546 = arith.index_cast %parallel_loop3A_544 : i32 to index
        %parallel_loop3A_547 = arith.index_cast %parallel_loop3A_528 : i32 to index
        %parallel_loop3A_548 = arith.constant 32 : index
        %parallel_loop3A_549 = tpu.vector_load %arg15[%parallel_loop3A_545, %parallel_loop3A_546, %parallel_loop3A_547, %parallel_loop3A_548] {strides = array<i32>} : memref<8x1x8x128xf32, #tpu.memory_space<vmem>>, vector<16xf32>,
        tpu.vector_store %arg15[%parallel_loop3A_545, %parallel_loop3A_546, %parallel_loop3A_547, %parallel_loop3A_548], %parallel_loop3A_543 {strides = array<i32>} : memref<8x1x8x128xf32, #tpu.memory_space<vmem>>, vector<16xf32>,
        %parallel_loop3A_550 = tpu.vector_load_idx %arg11[%add3A_12, %parallel_loop3A_488] : memref<128x64xf32, #tpu.memory_space<vmem>>[vector<16xi32>, vector<16xi32>], vector<16xf32>,
        %parallel_loop3A_551 = arith.constant 0 : i32
        %parallel_loop3A_552 = arith.index_cast %parallel_loop3A_512 : i32 to index
        %parallel_loop3A_553 = arith.index_cast %parallel_loop3A_551 : i32 to index
        %parallel_loop3A_554 = arith.index_cast %parallel_loop3A_528 : i32 to index
        %parallel_loop3A_555 = arith.constant 48 : index
        %parallel_loop3A_556 = tpu.vector_load %arg15[%parallel_loop3A_552, %parallel_loop3A_553, %parallel_loop3A_554, %parallel_loop3A_555] {strides = array<i32>} : memref<8x1x8x128xf32, #tpu.memory_space<vmem>>, vector<16xf32>,
        tpu.vector_store %arg15[%parallel_loop3A_552, %parallel_loop3A_553, %parallel_loop3A_554, %parallel_loop3A_555], %parallel_loop3A_550 {strides = array<i32>} : memref<8x1x8x128xf32, #tpu.memory_space<vmem>>, vector<16xf32>,
        %parallel_loop3A_557 = tpu.vector_load_idx %arg11[%add3A_15, %parallel_loop3A_488] : memref<128x64xf32, #tpu.memory_space<vmem>>[vector<16xi32>, vector<16xi32>], vector<16xf32>,
        %parallel_loop3A_558 = arith.constant 0 : i32
        %parallel_loop3A_559 = arith.index_cast %parallel_loop3A_512 : i32 to index
        %parallel_loop3A_560 = arith.index_cast %parallel_loop3A_558 : i32 to index
        %parallel_loop3A_561 = arith.index_cast %parallel_loop3A_528 : i32 to index
        %parallel_loop3A_562 = arith.constant 64 : index
        %parallel_loop3A_563 = tpu.vector_load %arg15[%parallel_loop3A_559, %parallel_loop3A_560, %parallel_loop3A_561, %parallel_loop3A_562] {strides = array<i32>} : memref<8x1x8x128xf32, #tpu.memory_space<vmem>>, vector<16xf32>,
        tpu.vector_store %arg15[%parallel_loop3A_559, %parallel_loop3A_560, %parallel_loop3A_561, %parallel_loop3A_562], %parallel_loop3A_557 {strides = array<i32>} : memref<8x1x8x128xf32, #tpu.memory_space<vmem>>, vector<16xf32>,
        %parallel_loop3A_564 = tpu.vector_load_idx %arg11[%add3A_18, %parallel_loop3A_488] : memref<128x64xf32, #tpu.memory_space<vmem>>[vector<16xi32>, vector<16xi32>], vector<16xf32>,
        %parallel_loop3A_565 = arith.constant 0 : i32
        %parallel_loop3A_566 = arith.index_cast %parallel_loop3A_512 : i32 to index
        %parallel_loop3A_567 = arith.index_cast %parallel_loop3A_565 : i32 to index
        %parallel_loop3A_568 = arith.index_cast %parallel_loop3A_528 : i32 to index
        %parallel_loop3A_569 = arith.constant 80 : index
        %parallel_loop3A_570 = tpu.vector_load %arg15[%parallel_loop3A_566, %parallel_loop3A_567, %parallel_loop3A_568, %parallel_loop3A_569] {strides = array<i32>} : memref<8x1x8x128xf32, #tpu.memory_space<vmem>>, vector<16xf32>,
        tpu.vector_store %arg15[%parallel_loop3A_566, %parallel_loop3A_567, %parallel_loop3A_568, %parallel_loop3A_569], %parallel_loop3A_564 {strides = array<i32>} : memref<8x1x8x128xf32, #tpu.memory_space<vmem>>, vector<16xf32>,
        %parallel_loop3A_571 = tpu.vector_load_idx %arg11[%add3A_21, %parallel_loop3A_488] : memref<128x64xf32, #tpu.memory_space<vmem>>[vector<16xi32>, vector<16xi32>], vector<16xf32>,
        %parallel_loop3A_572 = arith.constant 0 : i32
        %parallel_loop3A_573 = arith.index_cast %parallel_loop3A_512 : i32 to index
        %parallel_loop3A_574 = arith.index_cast %parallel_loop3A_572 : i32 to index
        %parallel_loop3A_575 = arith.index_cast %parallel_loop3A_528 : i32 to index
        %parallel_loop3A_576 = arith.constant 96 : index
        %parallel_loop3A_577 = tpu.vector_load %arg15[%parallel_loop3A_573, %parallel_loop3A_574, %parallel_loop3A_575, %parallel_loop3A_576] {strides = array<i32>} : memref<8x1x8x128xf32, #tpu.memory_space<vmem>>, vector<16xf32>,
        tpu.vector_store %arg15[%parallel_loop3A_573, %parallel_loop3A_574, %parallel_loop3A_575, %parallel_loop3A_576], %parallel_loop3A_571 {strides = array<i32>} : memref<8x1x8x128xf32, #tpu.memory_space<vmem>>, vector<16xf32>,
        %parallel_loop3A_578 = tpu.vector_load_idx %arg11[%add3A_24, %parallel_loop3A_488] : memref<128x64xf32, #tpu.memory_space<vmem>>[vector<16xi32>, vector<16xi32>], vector<16xf32>,
        %parallel_loop3A_579 = arith.constant 0 : i32
        %parallel_loop3A_580 = arith.index_cast %parallel_loop3A_512 : i32 to index
        %parallel_loop3A_581 = arith.index_cast %parallel_loop3A_579 : i32 to index
        %parallel_loop3A_582 = arith.index_cast %parallel_loop3A_528 : i32 to index
        %parallel_loop3A_583 = arith.constant 112 : index
        %parallel_loop3A_584 = tpu.vector_load %arg15[%parallel_loop3A_580, %parallel_loop3A_581, %parallel_loop3A_582, %parallel_loop3A_583] {strides = array<i32>} : memref<8x1x8x128xf32, #tpu.memory_space<vmem>>, vector<16xf32>,
        tpu.vector_store %arg15[%parallel_loop3A_580, %parallel_loop3A_581, %parallel_loop3A_582, %parallel_loop3A_583], %parallel_loop3A_578 {strides = array<i32>} : memref<8x1x8x128xf32, #tpu.memory_space<vmem>>, vector<16xf32>,
      } {sc.loop_unroll_factor = 4 : i64, sc.parallel_access}
      %jit3A_341 = arith.constant 50 : i32
      %eq3A_342 = arith.constant 0 : i32
      %eq3A_343 = arith.cmpi eq, %jit3A_341, %eq3A_342 : i32
      %jit3A_344 = arith.constant 1 : i32
      %select_n3A_345 = arith.select %eq3A_343, %jit3A_344, %jit3A_341 : i32
      %rem3A_346 = arith.remsi %add3A_322, %select_n3A_345 : i32
      %ne3A_347 = arith.constant 0 : i32
      %ne3A_348 = arith.cmpi ne, %rem3A_346, %ne3A_347 : i32
      %lt3A_349 = arith.constant 0 : i32
      %lt3A_350 = arith.cmpi slt, %rem3A_346, %lt3A_349 : i32
      %lt3A_351 = arith.constant 0 : i32
      %lt3A_352 = arith.cmpi slt, %select_n3A_345, %lt3A_351 : i32
      %ne3A_353 = arith.xori %lt3A_350, %lt3A_352 : i1
      %and3A_354 = arith.andi %ne3A_353, %ne3A_348 : i1
      %add3A_355 = arith.addi %rem3A_346, %select_n3A_345 : i32
      %select_n3A_356 = arith.select %and3A_354, %add3A_355, %rem3A_346 : i32
      %jit3A_357 = arith.constant 50 : i32
      %div3A_358 = arith.divsi %add3A_322, %jit3A_357 : i32
      %sign3A_359 = arith.constant 0 : i32
      %sign3A_360 = arith.cmpi sgt, %add3A_322, %sign3A_359 : i32
      %sign3A_361 = arith.extui %sign3A_360 : i1 to i32
      %sign3A_362 = arith.constant 0 : i32
      %sign3A_363 = arith.cmpi slt, %add3A_322, %sign3A_362 : i32
      %sign3A_364 = arith.extui %sign3A_363 : i1 to i32
      %sign3A_365 = arith.subi %sign3A_361, %sign3A_364 : i32
      %sign3A_366 = arith.constant 0 : i32
      %sign3A_367 = arith.cmpi sgt, %jit3A_357, %sign3A_366 : i32
      %sign3A_368 = arith.extui %sign3A_367 : i1 to i32
      %sign3A_369 = arith.constant 0 : i32
      %sign3A_370 = arith.cmpi slt, %jit3A_357, %sign3A_369 : i32
      %sign3A_371 = arith.extui %sign3A_370 : i1 to i32
      %sign3A_372 = arith.subi %sign3A_368, %sign3A_371 : i32
      %ne3A_373 = arith.cmpi ne, %sign3A_365, %sign3A_372 : i32
      %rem3A_374 = arith.remsi %add3A_322, %jit3A_357 : i32
      %ne3A_375 = arith.constant 0 : i32
      %ne3A_376 = arith.cmpi ne, %rem3A_374, %ne3A_375 : i32
      %and3A_377 = arith.andi %ne3A_373, %ne3A_376 : i1
      %sub3A_378 = arith.constant 1 : i32
      %sub3A_379 = arith.subi %div3A_358, %sub3A_378 : i32
      %select_n3A_380 = arith.select %and3A_377, %sub3A_379, %div3A_358 : i32
      %mul3A_381 = arith.constant 4 : i32
      %mul3A_382 = arith.muli %add3A, %mul3A_381 : i32
      %mul3A_383 = arith.constant 1 : i32
      %mul3A_384 = arith.muli %select_n3A_380, %mul3A_383 : i32
      %add3A_385 = arith.addi %mul3A_382, %mul3A_384 : i32
      %dma_start3A_386 = arith.constant 0 : i32
      %dma_start3A_387 = arith.constant 0 : i32
      %dma_start3A_388 = arith.constant 0 : i32
      %dma_start3A_389 = tpu.memref_slice %arg4[%select_n3A_356, %dma_start3A_386, %add3A_385, %dma_start3A_387, %dma_start3A_388] : memref<50x8x128x8x128xf32, #tpu.memory_space<hbm>> -> memref<1x8x1x8x128xf32, #tpu.memory_space<hbm>>
      %dma_start3A_390 = tpu.memref_squeeze %dma_start3A_389 : memref<1x8x1x8x128xf32, #tpu.memory_space<hbm>> -> memref<8x1x8x128xf32, #tpu.memory_space<hbm>>
      %dma_start3A_391 = arith.constant 0 : i32
      %dma_start3A_392 = arith.constant 0 : i32
      %dma_start3A_393 = arith.constant 0 : i32
      %dma_start3A_394 = tpu.memref_slice %arg4[%select_n3A_356, %dma_start3A_391, %add3A_385, %dma_start3A_392, %dma_start3A_393] : memref<50x8x128x8x128xf32, #tpu.memory_space<hbm>> -> memref<1x8x1x8x128xf32, #tpu.memory_space<hbm>>
      %dma_start3A_395 = tpu.memref_squeeze %dma_start3A_394 : memref<1x8x1x8x128xf32, #tpu.memory_space<hbm>> -> memref<8x1x8x128xf32, #tpu.memory_space<hbm>>
      tpu.enqueue_dma source(%arg15 : memref<8x1x8x128xf32, #tpu.memory_space<vmem>>) target(%dma_start3A_395 : memref<8x1x8x128xf32, #tpu.memory_space<hbm>>) target_semaphore(%arg27 : memref<!tpu.dma_semaphore, #tpu.memory_space<semaphore_mem>>)
      %add3A_396 = arith.constant 4 : i32
      %add3A_397 = arith.addi %add3A_322, %add3A_396 : i32
      %lt3A_398 = arith.constant 200 : i32
      %lt3A_399 = arith.cmpi slt, %add3A_397, %lt3A_398 : i32
      %convert_element_type3A_400 = arith.extui %lt3A_399 : i1 to i32
      %cond3A_401 = arith.constant 0 : i32
      %cond3A_402 = arith.cmpi ne, %convert_element_type3A_400, %cond3A_401 : i32
      scf.if %cond3A_402 {
        %add3A_487 = arith.constant 4 : i32
        %add3A_488 = arith.addi %add3A_322, %add3A_487 : i32
        %jit3A_489 = arith.constant 50 : i32
        %eq3A_490 = arith.constant 0 : i32
        %eq3A_491 = arith.cmpi eq, %jit3A_489, %eq3A_490 : i32
        %jit3A_492 = arith.constant 1 : i32
        %select_n3A_493 = arith.select %eq3A_491, %jit3A_492, %jit3A_489 : i32
        %rem3A_494 = arith.remsi %add3A_488, %select_n3A_493 : i32
        %ne3A_495 = arith.constant 0 : i32
        %ne3A_496 = arith.cmpi ne, %rem3A_494, %ne3A_495 : i32
        %lt3A_497 = arith.constant 0 : i32
        %lt3A_498 = arith.cmpi slt, %rem3A_494, %lt3A_497 : i32
        %lt3A_499 = arith.constant 0 : i32
        %lt3A_500 = arith.cmpi slt, %select_n3A_493, %lt3A_499 : i32
        %ne3A_501 = arith.xori %lt3A_498, %lt3A_500 : i1
        %and3A_502 = arith.andi %ne3A_501, %ne3A_496 : i1
        %add3A_503 = arith.addi %rem3A_494, %select_n3A_493 : i32
        %select_n3A_504 = arith.select %and3A_502, %add3A_503, %rem3A_494 : i32
        %jit3A_505 = arith.constant 50 : i32
        %div3A_506 = arith.divsi %add3A_488, %jit3A_505 : i32
        %sign3A_507 = arith.constant 0 : i32
        %sign3A_508 = arith.cmpi sgt, %add3A_488, %sign3A_507 : i32
        %sign3A_509 = arith.extui %sign3A_508 : i1 to i32
        %sign3A_510 = arith.constant 0 : i32
        %sign3A_511 = arith.cmpi slt, %add3A_488, %sign3A_510 : i32
        %sign3A_512 = arith.extui %sign3A_511 : i1 to i32
        %sign3A_513 = arith.subi %sign3A_509, %sign3A_512 : i32
        %sign3A_514 = arith.constant 0 : i32
        %sign3A_515 = arith.cmpi sgt, %jit3A_505, %sign3A_514 : i32
        %sign3A_516 = arith.extui %sign3A_515 : i1 to i32
        %sign3A_517 = arith.constant 0 : i32
        %sign3A_518 = arith.cmpi slt, %jit3A_505, %sign3A_517 : i32
        %sign3A_519 = arith.extui %sign3A_518 : i1 to i32
        %sign3A_520 = arith.subi %sign3A_516, %sign3A_519 : i32
        %ne3A_521 = arith.cmpi ne, %sign3A_513, %sign3A_520 : i32
        %rem3A_522 = arith.remsi %add3A_488, %jit3A_505 : i32
        %ne3A_523 = arith.constant 0 : i32
        %ne3A_524 = arith.cmpi ne, %rem3A_522, %ne3A_523 : i32
        %and3A_525 = arith.andi %ne3A_521, %ne3A_524 : i1
        %sub3A_526 = arith.constant 1 : i32
        %sub3A_527 = arith.subi %div3A_506, %sub3A_526 : i32
        %select_n3A_528 = arith.select %and3A_525, %sub3A_527, %div3A_506 : i32
        %mul3A_529 = arith.constant 16384 : i32
        %mul3A_530 = arith.muli %select_n3A_504, %mul3A_529 : i32
        %mul3A_531 = arith.constant 512 : i32
        %mul3A_532 = arith.muli %add3A, %mul3A_531 : i32
        %add3A_533 = arith.addi %mul3A_530, %mul3A_532 : i32
        %mul3A_534 = arith.constant 128 : i32
        %mul3A_535 = arith.muli %select_n3A_528, %mul3A_534 : i32
        %add3A_536 = arith.addi %add3A_533, %mul3A_535 : i32
        %dma_wait3A_537 = tpu.memref_slice %arg3[%add3A_536] : memref<819200xi32, #tpu.memory_space<hbm>> -> memref<128xi32, #tpu.memory_space<hbm>>
        %dma_wait3A_538 = tpu.memref_slice %arg3[%add3A_536] : memref<819200xi32, #tpu.memory_space<hbm>> -> memref<128xi32, #tpu.memory_space<hbm>>
        tpu.wait_dma2 semaphore(%arg19 : memref<!tpu.dma_semaphore, #tpu.memory_space<semaphore_mem>>) src(%dma_wait3A_538 : memref<128xi32, #tpu.memory_space<hbm>>) dst(%arg7 : memref<128xi32, #tpu.memory_space<vmem>>)
        %dma_start3A_539 = arith.constant 0 : i32
        %dma_start3A_540 = arith.constant 0 : i32
        %dma_start3A_541 = tpu.memref_slice %arg2[%dma_start3A_539, %dma_start3A_540] : memref<2000000x64xf32, #tpu.memory_space<hbm>> -> memref<2000000x64xf32, #tpu.memory_space<hbm>>
        tpu.enqueue_indirect_dma source(%dma_start3A_541 : memref<2000000x64xf32, #tpu.memory_space<hbm>>) target(%arg11 : memref<128x64xf32, #tpu.memory_space<vmem>>) offsets(%arg7 : memref<128xi32, #tpu.memory_space<vmem>>) semaphore(%arg23 : memref<!tpu.dma_semaphore, #tpu.memory_space<semaphore_mem>>)
      } else {
      }
      %mul3A_403 = arith.constant 4 : i32
      %mul3A_404 = arith.muli %mul3A_403, %scan3A_164 : i32
      %add3A_405 = arith.constant 3 : i32
      %add3A_406 = arith.addi %mul3A_404, %add3A_405 : i32
      %dma_wait3A_407 = arith.constant 0 : i32
      %dma_wait3A_408 = arith.constant 0 : i32
      %dma_wait3A_409 = tpu.memref_slice %arg2[%dma_wait3A_407, %dma_wait3A_408] : memref<2000000x64xf32, #tpu.memory_space<hbm>> -> memref<2000000x64xf32, #tpu.memory_space<hbm>>
      tpu.wait_indirect_dma semaphore(%arg24 : memref<!tpu.dma_semaphore, #tpu.memory_space<semaphore_mem>>) src(%dma_wait3A_409 : memref<2000000x64xf32, #tpu.memory_space<hbm>>) dst(%arg12 : memref<128x64xf32, #tpu.memory_space<vmem>>)
      %add3A_410 = arith.constant 4 : i32
      %add3A_411 = arith.addi %add3A_406, %add3A_410 : i32
      %lt3A_412 = arith.constant 200 : i32
      %lt3A_413 = arith.cmpi slt, %add3A_411, %lt3A_412 : i32
      %convert_element_type3A_414 = arith.extui %lt3A_413 : i1 to i32
      %cond3A_415 = arith.constant 0 : i32
      %cond3A_416 = arith.cmpi ne, %convert_element_type3A_414, %cond3A_415 : i32
      scf.if %cond3A_416 {
        %add3A_487 = arith.constant 4 : i32
        %add3A_488 = arith.addi %add3A_406, %add3A_487 : i32
        %jit3A_489 = arith.constant 50 : i32
        %eq3A_490 = arith.constant 0 : i32
        %eq3A_491 = arith.cmpi eq, %jit3A_489, %eq3A_490 : i32
        %jit3A_492 = arith.constant 1 : i32
        %select_n3A_493 = arith.select %eq3A_491, %jit3A_492, %jit3A_489 : i32
        %rem3A_494 = arith.remsi %add3A_488, %select_n3A_493 : i32
        %ne3A_495 = arith.constant 0 : i32
        %ne3A_496 = arith.cmpi ne, %rem3A_494, %ne3A_495 : i32
        %lt3A_497 = arith.constant 0 : i32
        %lt3A_498 = arith.cmpi slt, %rem3A_494, %lt3A_497 : i32
        %lt3A_499 = arith.constant 0 : i32
        %lt3A_500 = arith.cmpi slt, %select_n3A_493, %lt3A_499 : i32
        %ne3A_501 = arith.xori %lt3A_498, %lt3A_500 : i1
        %and3A_502 = arith.andi %ne3A_501, %ne3A_496 : i1
        %add3A_503 = arith.addi %rem3A_494, %select_n3A_493 : i32
        %select_n3A_504 = arith.select %and3A_502, %add3A_503, %rem3A_494 : i32
        %jit3A_505 = arith.constant 50 : i32
        %div3A_506 = arith.divsi %add3A_488, %jit3A_505 : i32
        %sign3A_507 = arith.constant 0 : i32
        %sign3A_508 = arith.cmpi sgt, %add3A_488, %sign3A_507 : i32
        %sign3A_509 = arith.extui %sign3A_508 : i1 to i32
        %sign3A_510 = arith.constant 0 : i32
        %sign3A_511 = arith.cmpi slt, %add3A_488, %sign3A_510 : i32
        %sign3A_512 = arith.extui %sign3A_511 : i1 to i32
        %sign3A_513 = arith.subi %sign3A_509, %sign3A_512 : i32
        %sign3A_514 = arith.constant 0 : i32
        %sign3A_515 = arith.cmpi sgt, %jit3A_505, %sign3A_514 : i32
        %sign3A_516 = arith.extui %sign3A_515 : i1 to i32
        %sign3A_517 = arith.constant 0 : i32
        %sign3A_518 = arith.cmpi slt, %jit3A_505, %sign3A_517 : i32
        %sign3A_519 = arith.extui %sign3A_518 : i1 to i32
        %sign3A_520 = arith.subi %sign3A_516, %sign3A_519 : i32
        %ne3A_521 = arith.cmpi ne, %sign3A_513, %sign3A_520 : i32
        %rem3A_522 = arith.remsi %add3A_488, %jit3A_505 : i32
        %ne3A_523 = arith.constant 0 : i32
        %ne3A_524 = arith.cmpi ne, %rem3A_522, %ne3A_523 : i32
        %and3A_525 = arith.andi %ne3A_521, %ne3A_524 : i1
        %sub3A_526 = arith.constant 1 : i32
        %sub3A_527 = arith.subi %div3A_506, %sub3A_526 : i32
        %select_n3A_528 = arith.select %and3A_525, %sub3A_527, %div3A_506 : i32
        %mul3A_529 = arith.constant 16384 : i32
        %mul3A_530 = arith.muli %select_n3A_504, %mul3A_529 : i32
        %mul3A_531 = arith.constant 512 : i32
        %mul3A_532 = arith.muli %add3A, %mul3A_531 : i32
        %add3A_533 = arith.addi %mul3A_530, %mul3A_532 : i32
        %mul3A_534 = arith.constant 128 : i32
        %mul3A_535 = arith.muli %select_n3A_528, %mul3A_534 : i32
        %add3A_536 = arith.addi %add3A_533, %mul3A_535 : i32
        %dma_start3A_537 = tpu.memref_slice %arg3[%add3A_536] : memref<819200xi32, #tpu.memory_space<hbm>> -> memref<128xi32, #tpu.memory_space<hbm>>
        %dma_start3A_538 = tpu.memref_slice %arg3[%add3A_536] : memref<819200xi32, #tpu.memory_space<hbm>> -> memref<128xi32, #tpu.memory_space<hbm>>
        tpu.enqueue_dma source(%dma_start3A_538 : memref<128xi32, #tpu.memory_space<hbm>>) target(%arg8 : memref<128xi32, #tpu.memory_space<vmem>>) target_semaphore(%arg20 : memref<!tpu.dma_semaphore, #tpu.memory_space<semaphore_mem>>)
      } else {
      }
      %gt3A_417 = arith.constant 0 : i32
      %gt3A_418 = arith.cmpi sgt, %scan3A_164, %gt3A_417 : i32
      %convert_element_type3A_419 = arith.extui %gt3A_418 : i1 to i32
      %cond3A_420 = arith.constant 0 : i32
      %cond3A_421 = arith.cmpi ne, %convert_element_type3A_419, %cond3A_420 : i32
      scf.if %cond3A_421 {
        %sub3A_487 = arith.constant 4 : i32
        %sub3A_488 = arith.subi %add3A_406, %sub3A_487 : i32
        %jit3A_489 = arith.constant 50 : i32
        %eq3A_490 = arith.constant 0 : i32
        %eq3A_491 = arith.cmpi eq, %jit3A_489, %eq3A_490 : i32
        %jit3A_492 = arith.constant 1 : i32
        %select_n3A_493 = arith.select %eq3A_491, %jit3A_492, %jit3A_489 : i32
        %rem3A_494 = arith.remsi %sub3A_488, %select_n3A_493 : i32
        %ne3A_495 = arith.constant 0 : i32
        %ne3A_496 = arith.cmpi ne, %rem3A_494, %ne3A_495 : i32
        %lt3A_497 = arith.constant 0 : i32
        %lt3A_498 = arith.cmpi slt, %rem3A_494, %lt3A_497 : i32
        %lt3A_499 = arith.constant 0 : i32
        %lt3A_500 = arith.cmpi slt, %select_n3A_493, %lt3A_499 : i32
        %ne3A_501 = arith.xori %lt3A_498, %lt3A_500 : i1
        %and3A_502 = arith.andi %ne3A_501, %ne3A_496 : i1
        %add3A_503 = arith.addi %rem3A_494, %select_n3A_493 : i32
        %select_n3A_504 = arith.select %and3A_502, %add3A_503, %rem3A_494 : i32
        %jit3A_505 = arith.constant 50 : i32
        %div3A_506 = arith.divsi %sub3A_488, %jit3A_505 : i32
        %sign3A_507 = arith.constant 0 : i32
        %sign3A_508 = arith.cmpi sgt, %sub3A_488, %sign3A_507 : i32
        %sign3A_509 = arith.extui %sign3A_508 : i1 to i32
        %sign3A_510 = arith.constant 0 : i32
        %sign3A_511 = arith.cmpi slt, %sub3A_488, %sign3A_510 : i32
        %sign3A_512 = arith.extui %sign3A_511 : i1 to i32
        %sign3A_513 = arith.subi %sign3A_509, %sign3A_512 : i32
        %sign3A_514 = arith.constant 0 : i32
        %sign3A_515 = arith.cmpi sgt, %jit3A_505, %sign3A_514 : i32
        %sign3A_516 = arith.extui %sign3A_515 : i1 to i32
        %sign3A_517 = arith.constant 0 : i32
        %sign3A_518 = arith.cmpi slt, %jit3A_505, %sign3A_517 : i32
        %sign3A_519 = arith.extui %sign3A_518 : i1 to i32
        %sign3A_520 = arith.subi %sign3A_516, %sign3A_519 : i32
        %ne3A_521 = arith.cmpi ne, %sign3A_513, %sign3A_520 : i32
        %rem3A_522 = arith.remsi %sub3A_488, %jit3A_505 : i32
        %ne3A_523 = arith.constant 0 : i32
        %ne3A_524 = arith.cmpi ne, %rem3A_522, %ne3A_523 : i32
        %and3A_525 = arith.andi %ne3A_521, %ne3A_524 : i1
        %sub3A_526 = arith.constant 1 : i32
        %sub3A_527 = arith.subi %div3A_506, %sub3A_526 : i32
        %select_n3A_528 = arith.select %and3A_525, %sub3A_527, %div3A_506 : i32
        %mul3A_529 = arith.constant 4 : i32
        %mul3A_530 = arith.muli %add3A, %mul3A_529 : i32
        %mul3A_531 = arith.constant 1 : i32
        %mul3A_532 = arith.muli %select_n3A_528, %mul3A_531 : i32
        %add3A_533 = arith.addi %mul3A_530, %mul3A_532 : i32
        %dma_wait3A_534 = arith.constant 0 : i32
        %dma_wait3A_535 = arith.constant 0 : i32
        %dma_wait3A_536 = arith.constant 0 : i32
        %dma_wait3A_537 = tpu.memref_slice %arg4[%select_n3A_504, %dma_wait3A_534, %add3A_533, %dma_wait3A_535, %dma_wait3A_536] : memref<50x8x128x8x128xf32, #tpu.memory_space<hbm>> -> memref<1x8x1x8x128xf32, #tpu.memory_space<hbm>>
        %dma_wait3A_538 = tpu.memref_squeeze %dma_wait3A_537 : memref<1x8x1x8x128xf32, #tpu.memory_space<hbm>> -> memref<8x1x8x128xf32, #tpu.memory_space<hbm>>
        %dma_wait3A_539 = arith.constant 0 : i32
        %dma_wait3A_540 = arith.constant 0 : i32
        %dma_wait3A_541 = arith.constant 0 : i32
        %dma_wait3A_542 = tpu.memref_slice %arg4[%select_n3A_504, %dma_wait3A_539, %add3A_533, %dma_wait3A_540, %dma_wait3A_541] : memref<50x8x128x8x128xf32, #tpu.memory_space<hbm>> -> memref<1x8x1x8x128xf32, #tpu.memory_space<hbm>>
        %dma_wait3A_543 = tpu.memref_squeeze %dma_wait3A_542 : memref<1x8x1x8x128xf32, #tpu.memory_space<hbm>> -> memref<8x1x8x128xf32, #tpu.memory_space<hbm>>
        tpu.wait_dma2 semaphore(%arg28 : memref<!tpu.dma_semaphore, #tpu.memory_space<semaphore_mem>>) src(%arg16 : memref<8x1x8x128xf32, #tpu.memory_space<vmem>>) dst(%dma_wait3A_543 : memref<8x1x8x128xf32, #tpu.memory_space<hbm>>)
      } else {
      }
      %parallel_loop3A_422 = arith.constant 0 : i32
      %parallel_loop3A_423 = arith.constant 64 : i32
      %parallel_loop3A_424 = arith.constant 1 : i32
      scf.for %parallel_loop3A_487 = %parallel_loop3A_422 to %parallel_loop3A_423 step %parallel_loop3A_424  : i32 {
        %parallel_loop3A_488 = vector.broadcast %parallel_loop3A_487 : i32 to vector<16xi32>
        %parallel_loop3A_489 = arith.constant 8 : i32
        %parallel_loop3A_490 = arith.divsi %parallel_loop3A_487, %parallel_loop3A_489 : i32
        %parallel_loop3A_491 = arith.constant 0 : i32
        %parallel_loop3A_492 = arith.cmpi sgt, %parallel_loop3A_487, %parallel_loop3A_491 : i32
        %parallel_loop3A_493 = arith.extui %parallel_loop3A_492 : i1 to i32
        %parallel_loop3A_494 = arith.constant 0 : i32
        %parallel_loop3A_495 = arith.cmpi slt, %parallel_loop3A_487, %parallel_loop3A_494 : i32
        %parallel_loop3A_496 = arith.extui %parallel_loop3A_495 : i1 to i32
        %parallel_loop3A_497 = arith.subi %parallel_loop3A_493, %parallel_loop3A_496 : i32
        %parallel_loop3A_498 = arith.constant 0 : i32
        %parallel_loop3A_499 = arith.cmpi sgt, %parallel_loop3A_489, %parallel_loop3A_498 : i32
        %parallel_loop3A_500 = arith.extui %parallel_loop3A_499 : i1 to i32
        %parallel_loop3A_501 = arith.constant 0 : i32
        %parallel_loop3A_502 = arith.cmpi slt, %parallel_loop3A_489, %parallel_loop3A_501 : i32
        %parallel_loop3A_503 = arith.extui %parallel_loop3A_502 : i1 to i32
        %parallel_loop3A_504 = arith.subi %parallel_loop3A_500, %parallel_loop3A_503 : i32
        %parallel_loop3A_505 = arith.cmpi ne, %parallel_loop3A_497, %parallel_loop3A_504 : i32
        %parallel_loop3A_506 = arith.remsi %parallel_loop3A_487, %parallel_loop3A_489 : i32
        %parallel_loop3A_507 = arith.constant 0 : i32
        %parallel_loop3A_508 = arith.cmpi ne, %parallel_loop3A_506, %parallel_loop3A_507 : i32
        %parallel_loop3A_509 = arith.andi %parallel_loop3A_505, %parallel_loop3A_508 : i1
        %parallel_loop3A_510 = arith.constant 1 : i32
        %parallel_loop3A_511 = arith.subi %parallel_loop3A_490, %parallel_loop3A_510 : i32
        %parallel_loop3A_512 = arith.select %parallel_loop3A_509, %parallel_loop3A_511, %parallel_loop3A_490 : i32
        %parallel_loop3A_513 = arith.constant 8 : i32
        %parallel_loop3A_514 = arith.constant 0 : i32
        %parallel_loop3A_515 = arith.cmpi eq, %parallel_loop3A_513, %parallel_loop3A_514 : i32
        %parallel_loop3A_516 = arith.constant 1 : i32
        %parallel_loop3A_517 = arith.select %parallel_loop3A_515, %parallel_loop3A_516, %parallel_loop3A_513 : i32
        %parallel_loop3A_518 = arith.remsi %parallel_loop3A_487, %parallel_loop3A_517 : i32
        %parallel_loop3A_519 = arith.constant 0 : i32
        %parallel_loop3A_520 = arith.cmpi ne, %parallel_loop3A_518, %parallel_loop3A_519 : i32
        %parallel_loop3A_521 = arith.constant 0 : i32
        %parallel_loop3A_522 = arith.cmpi slt, %parallel_loop3A_518, %parallel_loop3A_521 : i32
        %parallel_loop3A_523 = arith.constant 0 : i32
        %parallel_loop3A_524 = arith.cmpi slt, %parallel_loop3A_517, %parallel_loop3A_523 : i32
        %parallel_loop3A_525 = arith.xori %parallel_loop3A_522, %parallel_loop3A_524 : i1
        %parallel_loop3A_526 = arith.andi %parallel_loop3A_525, %parallel_loop3A_520 : i1
        %parallel_loop3A_527 = arith.addi %parallel_loop3A_518, %parallel_loop3A_517 : i32
        %parallel_loop3A_528 = arith.select %parallel_loop3A_526, %parallel_loop3A_527, %parallel_loop3A_518 : i32
        %parallel_loop3A_529 = tpu.vector_load_idx %arg12[%add3A_3, %parallel_loop3A_488] : memref<128x64xf32, #tpu.memory_space<vmem>>[vector<16xi32>, vector<16xi32>], vector<16xf32>,
        %parallel_loop3A_530 = arith.constant 0 : i32
        %parallel_loop3A_531 = arith.index_cast %parallel_loop3A_512 : i32 to index
        %parallel_loop3A_532 = arith.index_cast %parallel_loop3A_530 : i32 to index
        %parallel_loop3A_533 = arith.index_cast %parallel_loop3A_528 : i32 to index
        %parallel_loop3A_534 = arith.constant 0 : index
        %parallel_loop3A_535 = tpu.vector_load %arg16[%parallel_loop3A_531, %parallel_loop3A_532, %parallel_loop3A_533, %parallel_loop3A_534] {strides = array<i32>} : memref<8x1x8x128xf32, #tpu.memory_space<vmem>>, vector<16xf32>,
        tpu.vector_store %arg16[%parallel_loop3A_531, %parallel_loop3A_532, %parallel_loop3A_533, %parallel_loop3A_534], %parallel_loop3A_529 {strides = array<i32>} : memref<8x1x8x128xf32, #tpu.memory_space<vmem>>, vector<16xf32>,
        %parallel_loop3A_536 = tpu.vector_load_idx %arg12[%add3A_6, %parallel_loop3A_488] : memref<128x64xf32, #tpu.memory_space<vmem>>[vector<16xi32>, vector<16xi32>], vector<16xf32>,
        %parallel_loop3A_537 = arith.constant 0 : i32
        %parallel_loop3A_538 = arith.index_cast %parallel_loop3A_512 : i32 to index
        %parallel_loop3A_539 = arith.index_cast %parallel_loop3A_537 : i32 to index
        %parallel_loop3A_540 = arith.index_cast %parallel_loop3A_528 : i32 to index
        %parallel_loop3A_541 = arith.constant 16 : index
        %parallel_loop3A_542 = tpu.vector_load %arg16[%parallel_loop3A_538, %parallel_loop3A_539, %parallel_loop3A_540, %parallel_loop3A_541] {strides = array<i32>} : memref<8x1x8x128xf32, #tpu.memory_space<vmem>>, vector<16xf32>,
        tpu.vector_store %arg16[%parallel_loop3A_538, %parallel_loop3A_539, %parallel_loop3A_540, %parallel_loop3A_541], %parallel_loop3A_536 {strides = array<i32>} : memref<8x1x8x128xf32, #tpu.memory_space<vmem>>, vector<16xf32>,
        %parallel_loop3A_543 = tpu.vector_load_idx %arg12[%add3A_9, %parallel_loop3A_488] : memref<128x64xf32, #tpu.memory_space<vmem>>[vector<16xi32>, vector<16xi32>], vector<16xf32>,
        %parallel_loop3A_544 = arith.constant 0 : i32
        %parallel_loop3A_545 = arith.index_cast %parallel_loop3A_512 : i32 to index
        %parallel_loop3A_546 = arith.index_cast %parallel_loop3A_544 : i32 to index
        %parallel_loop3A_547 = arith.index_cast %parallel_loop3A_528 : i32 to index
        %parallel_loop3A_548 = arith.constant 32 : index
        %parallel_loop3A_549 = tpu.vector_load %arg16[%parallel_loop3A_545, %parallel_loop3A_546, %parallel_loop3A_547, %parallel_loop3A_548] {strides = array<i32>} : memref<8x1x8x128xf32, #tpu.memory_space<vmem>>, vector<16xf32>,
        tpu.vector_store %arg16[%parallel_loop3A_545, %parallel_loop3A_546, %parallel_loop3A_547, %parallel_loop3A_548], %parallel_loop3A_543 {strides = array<i32>} : memref<8x1x8x128xf32, #tpu.memory_space<vmem>>, vector<16xf32>,
        %parallel_loop3A_550 = tpu.vector_load_idx %arg12[%add3A_12, %parallel_loop3A_488] : memref<128x64xf32, #tpu.memory_space<vmem>>[vector<16xi32>, vector<16xi32>], vector<16xf32>,
        %parallel_loop3A_551 = arith.constant 0 : i32
        %parallel_loop3A_552 = arith.index_cast %parallel_loop3A_512 : i32 to index
        %parallel_loop3A_553 = arith.index_cast %parallel_loop3A_551 : i32 to index
        %parallel_loop3A_554 = arith.index_cast %parallel_loop3A_528 : i32 to index
        %parallel_loop3A_555 = arith.constant 48 : index
        %parallel_loop3A_556 = tpu.vector_load %arg16[%parallel_loop3A_552, %parallel_loop3A_553, %parallel_loop3A_554, %parallel_loop3A_555] {strides = array<i32>} : memref<8x1x8x128xf32, #tpu.memory_space<vmem>>, vector<16xf32>,
        tpu.vector_store %arg16[%parallel_loop3A_552, %parallel_loop3A_553, %parallel_loop3A_554, %parallel_loop3A_555], %parallel_loop3A_550 {strides = array<i32>} : memref<8x1x8x128xf32, #tpu.memory_space<vmem>>, vector<16xf32>,
        %parallel_loop3A_557 = tpu.vector_load_idx %arg12[%add3A_15, %parallel_loop3A_488] : memref<128x64xf32, #tpu.memory_space<vmem>>[vector<16xi32>, vector<16xi32>], vector<16xf32>,
        %parallel_loop3A_558 = arith.constant 0 : i32
        %parallel_loop3A_559 = arith.index_cast %parallel_loop3A_512 : i32 to index
        %parallel_loop3A_560 = arith.index_cast %parallel_loop3A_558 : i32 to index
        %parallel_loop3A_561 = arith.index_cast %parallel_loop3A_528 : i32 to index
        %parallel_loop3A_562 = arith.constant 64 : index
        %parallel_loop3A_563 = tpu.vector_load %arg16[%parallel_loop3A_559, %parallel_loop3A_560, %parallel_loop3A_561, %parallel_loop3A_562] {strides = array<i32>} : memref<8x1x8x128xf32, #tpu.memory_space<vmem>>, vector<16xf32>,
        tpu.vector_store %arg16[%parallel_loop3A_559, %parallel_loop3A_560, %parallel_loop3A_561, %parallel_loop3A_562], %parallel_loop3A_557 {strides = array<i32>} : memref<8x1x8x128xf32, #tpu.memory_space<vmem>>, vector<16xf32>,
        %parallel_loop3A_564 = tpu.vector_load_idx %arg12[%add3A_18, %parallel_loop3A_488] : memref<128x64xf32, #tpu.memory_space<vmem>>[vector<16xi32>, vector<16xi32>], vector<16xf32>,
        %parallel_loop3A_565 = arith.constant 0 : i32
        %parallel_loop3A_566 = arith.index_cast %parallel_loop3A_512 : i32 to index
        %parallel_loop3A_567 = arith.index_cast %parallel_loop3A_565 : i32 to index
        %parallel_loop3A_568 = arith.index_cast %parallel_loop3A_528 : i32 to index
        %parallel_loop3A_569 = arith.constant 80 : index
        %parallel_loop3A_570 = tpu.vector_load %arg16[%parallel_loop3A_566, %parallel_loop3A_567, %parallel_loop3A_568, %parallel_loop3A_569] {strides = array<i32>} : memref<8x1x8x128xf32, #tpu.memory_space<vmem>>, vector<16xf32>,
        tpu.vector_store %arg16[%parallel_loop3A_566, %parallel_loop3A_567, %parallel_loop3A_568, %parallel_loop3A_569], %parallel_loop3A_564 {strides = array<i32>} : memref<8x1x8x128xf32, #tpu.memory_space<vmem>>, vector<16xf32>,
        %parallel_loop3A_571 = tpu.vector_load_idx %arg12[%add3A_21, %parallel_loop3A_488] : memref<128x64xf32, #tpu.memory_space<vmem>>[vector<16xi32>, vector<16xi32>], vector<16xf32>,
        %parallel_loop3A_572 = arith.constant 0 : i32
        %parallel_loop3A_573 = arith.index_cast %parallel_loop3A_512 : i32 to index
        %parallel_loop3A_574 = arith.index_cast %parallel_loop3A_572 : i32 to index
        %parallel_loop3A_575 = arith.index_cast %parallel_loop3A_528 : i32 to index
        %parallel_loop3A_576 = arith.constant 96 : index
        %parallel_loop3A_577 = tpu.vector_load %arg16[%parallel_loop3A_573, %parallel_loop3A_574, %parallel_loop3A_575, %parallel_loop3A_576] {strides = array<i32>} : memref<8x1x8x128xf32, #tpu.memory_space<vmem>>, vector<16xf32>,
        tpu.vector_store %arg16[%parallel_loop3A_573, %parallel_loop3A_574, %parallel_loop3A_575, %parallel_loop3A_576], %parallel_loop3A_571 {strides = array<i32>} : memref<8x1x8x128xf32, #tpu.memory_space<vmem>>, vector<16xf32>,
        %parallel_loop3A_578 = tpu.vector_load_idx %arg12[%add3A_24, %parallel_loop3A_488] : memref<128x64xf32, #tpu.memory_space<vmem>>[vector<16xi32>, vector<16xi32>], vector<16xf32>,
        %parallel_loop3A_579 = arith.constant 0 : i32
        %parallel_loop3A_580 = arith.index_cast %parallel_loop3A_512 : i32 to index
        %parallel_loop3A_581 = arith.index_cast %parallel_loop3A_579 : i32 to index
        %parallel_loop3A_582 = arith.index_cast %parallel_loop3A_528 : i32 to index
        %parallel_loop3A_583 = arith.constant 112 : index
        %parallel_loop3A_584 = tpu.vector_load %arg16[%parallel_loop3A_580, %parallel_loop3A_581, %parallel_loop3A_582, %parallel_loop3A_583] {strides = array<i32>} : memref<8x1x8x128xf32, #tpu.memory_space<vmem>>, vector<16xf32>,
        tpu.vector_store %arg16[%parallel_loop3A_580, %parallel_loop3A_581, %parallel_loop3A_582, %parallel_loop3A_583], %parallel_loop3A_578 {strides = array<i32>} : memref<8x1x8x128xf32, #tpu.memory_space<vmem>>, vector<16xf32>,
      } {sc.loop_unroll_factor = 4 : i64, sc.parallel_access}
      %jit3A_425 = arith.constant 50 : i32
      %eq3A_426 = arith.constant 0 : i32
      %eq3A_427 = arith.cmpi eq, %jit3A_425, %eq3A_426 : i32
      %jit3A_428 = arith.constant 1 : i32
      %select_n3A_429 = arith.select %eq3A_427, %jit3A_428, %jit3A_425 : i32
      %rem3A_430 = arith.remsi %add3A_406, %select_n3A_429 : i32
      %ne3A_431 = arith.constant 0 : i32
      %ne3A_432 = arith.cmpi ne, %rem3A_430, %ne3A_431 : i32
      %lt3A_433 = arith.constant 0 : i32
      %lt3A_434 = arith.cmpi slt, %rem3A_430, %lt3A_433 : i32
      %lt3A_435 = arith.constant 0 : i32
      %lt3A_436 = arith.cmpi slt, %select_n3A_429, %lt3A_435 : i32
      %ne3A_437 = arith.xori %lt3A_434, %lt3A_436 : i1
      %and3A_438 = arith.andi %ne3A_437, %ne3A_432 : i1
      %add3A_439 = arith.addi %rem3A_430, %select_n3A_429 : i32
      %select_n3A_440 = arith.select %and3A_438, %add3A_439, %rem3A_430 : i32
      %jit3A_441 = arith.constant 50 : i32
      %div3A_442 = arith.divsi %add3A_406, %jit3A_441 : i32
      %sign3A_443 = arith.constant 0 : i32
      %sign3A_444 = arith.cmpi sgt, %add3A_406, %sign3A_443 : i32
      %sign3A_445 = arith.extui %sign3A_444 : i1 to i32
      %sign3A_446 = arith.constant 0 : i32
      %sign3A_447 = arith.cmpi slt, %add3A_406, %sign3A_446 : i32
      %sign3A_448 = arith.extui %sign3A_447 : i1 to i32
      %sign3A_449 = arith.subi %sign3A_445, %sign3A_448 : i32
      %sign3A_450 = arith.constant 0 : i32
      %sign3A_451 = arith.cmpi sgt, %jit3A_441, %sign3A_450 : i32
      %sign3A_452 = arith.extui %sign3A_451 : i1 to i32
      %sign3A_453 = arith.constant 0 : i32
      %sign3A_454 = arith.cmpi slt, %jit3A_441, %sign3A_453 : i32
      %sign3A_455 = arith.extui %sign3A_454 : i1 to i32
      %sign3A_456 = arith.subi %sign3A_452, %sign3A_455 : i32
      %ne3A_457 = arith.cmpi ne, %sign3A_449, %sign3A_456 : i32
      %rem3A_458 = arith.remsi %add3A_406, %jit3A_441 : i32
      %ne3A_459 = arith.constant 0 : i32
      %ne3A_460 = arith.cmpi ne, %rem3A_458, %ne3A_459 : i32
      %and3A_461 = arith.andi %ne3A_457, %ne3A_460 : i1
      %sub3A_462 = arith.constant 1 : i32
      %sub3A_463 = arith.subi %div3A_442, %sub3A_462 : i32
      %select_n3A_464 = arith.select %and3A_461, %sub3A_463, %div3A_442 : i32
      %mul3A_465 = arith.constant 4 : i32
      %mul3A_466 = arith.muli %add3A, %mul3A_465 : i32
      %mul3A_467 = arith.constant 1 : i32
      %mul3A_468 = arith.muli %select_n3A_464, %mul3A_467 : i32
      %add3A_469 = arith.addi %mul3A_466, %mul3A_468 : i32
      %dma_start3A_470 = arith.constant 0 : i32
      %dma_start3A_471 = arith.constant 0 : i32
      %dma_start3A_472 = arith.constant 0 : i32
      %dma_start3A_473 = tpu.memref_slice %arg4[%select_n3A_440, %dma_start3A_470, %add3A_469, %dma_start3A_471, %dma_start3A_472] : memref<50x8x128x8x128xf32, #tpu.memory_space<hbm>> -> memref<1x8x1x8x128xf32, #tpu.memory_space<hbm>>
      %dma_start3A_474 = tpu.memref_squeeze %dma_start3A_473 : memref<1x8x1x8x128xf32, #tpu.memory_space<hbm>> -> memref<8x1x8x128xf32, #tpu.memory_space<hbm>>
      %dma_start3A_475 = arith.constant 0 : i32
      %dma_start3A_476 = arith.constant 0 : i32
      %dma_start3A_477 = arith.constant 0 : i32
      %dma_start3A_478 = tpu.memref_slice %arg4[%select_n3A_440, %dma_start3A_475, %add3A_469, %dma_start3A_476, %dma_start3A_477] : memref<50x8x128x8x128xf32, #tpu.memory_space<hbm>> -> memref<1x8x1x8x128xf32, #tpu.memory_space<hbm>>
      %dma_start3A_479 = tpu.memref_squeeze %dma_start3A_478 : memref<1x8x1x8x128xf32, #tpu.memory_space<hbm>> -> memref<8x1x8x128xf32, #tpu.memory_space<hbm>>
      tpu.enqueue_dma source(%arg16 : memref<8x1x8x128xf32, #tpu.memory_space<vmem>>) target(%dma_start3A_479 : memref<8x1x8x128xf32, #tpu.memory_space<hbm>>) target_semaphore(%arg28 : memref<!tpu.dma_semaphore, #tpu.memory_space<semaphore_mem>>)
      %add3A_480 = arith.constant 4 : i32
      %add3A_481 = arith.addi %add3A_406, %add3A_480 : i32
      %lt3A_482 = arith.constant 200 : i32
      %lt3A_483 = arith.cmpi slt, %add3A_481, %lt3A_482 : i32
      %convert_element_type3A_484 = arith.extui %lt3A_483 : i1 to i32
      %cond3A_485 = arith.constant 0 : i32
      %cond3A_486 = arith.cmpi ne, %convert_element_type3A_484, %cond3A_485 : i32
      scf.if %cond3A_486 {
        %add3A_487 = arith.constant 4 : i32
        %add3A_488 = arith.addi %add3A_406, %add3A_487 : i32
        %jit3A_489 = arith.constant 50 : i32
        %eq3A_490 = arith.constant 0 : i32
        %eq3A_491 = arith.cmpi eq, %jit3A_489, %eq3A_490 : i32
        %jit3A_492 = arith.constant 1 : i32
        %select_n3A_493 = arith.select %eq3A_491, %jit3A_492, %jit3A_489 : i32
        %rem3A_494 = arith.remsi %add3A_488, %select_n3A_493 : i32
        %ne3A_495 = arith.constant 0 : i32
        %ne3A_496 = arith.cmpi ne, %rem3A_494, %ne3A_495 : i32
        %lt3A_497 = arith.constant 0 : i32
        %lt3A_498 = arith.cmpi slt, %rem3A_494, %lt3A_497 : i32
        %lt3A_499 = arith.constant 0 : i32
        %lt3A_500 = arith.cmpi slt, %select_n3A_493, %lt3A_499 : i32
        %ne3A_501 = arith.xori %lt3A_498, %lt3A_500 : i1
        %and3A_502 = arith.andi %ne3A_501, %ne3A_496 : i1
        %add3A_503 = arith.addi %rem3A_494, %select_n3A_493 : i32
        %select_n3A_504 = arith.select %and3A_502, %add3A_503, %rem3A_494 : i32
        %jit3A_505 = arith.constant 50 : i32
        %div3A_506 = arith.divsi %add3A_488, %jit3A_505 : i32
        %sign3A_507 = arith.constant 0 : i32
        %sign3A_508 = arith.cmpi sgt, %add3A_488, %sign3A_507 : i32
        %sign3A_509 = arith.extui %sign3A_508 : i1 to i32
        %sign3A_510 = arith.constant 0 : i32
        %sign3A_511 = arith.cmpi slt, %add3A_488, %sign3A_510 : i32
        %sign3A_512 = arith.extui %sign3A_511 : i1 to i32
        %sign3A_513 = arith.subi %sign3A_509, %sign3A_512 : i32
        %sign3A_514 = arith.constant 0 : i32
        %sign3A_515 = arith.cmpi sgt, %jit3A_505, %sign3A_514 : i32
        %sign3A_516 = arith.extui %sign3A_515 : i1 to i32
        %sign3A_517 = arith.constant 0 : i32
        %sign3A_518 = arith.cmpi slt, %jit3A_505, %sign3A_517 : i32
        %sign3A_519 = arith.extui %sign3A_518 : i1 to i32
        %sign3A_520 = arith.subi %sign3A_516, %sign3A_519 : i32
        %ne3A_521 = arith.cmpi ne, %sign3A_513, %sign3A_520 : i32
        %rem3A_522 = arith.remsi %add3A_488, %jit3A_505 : i32
        %ne3A_523 = arith.constant 0 : i32
        %ne3A_524 = arith.cmpi ne, %rem3A_522, %ne3A_523 : i32
        %and3A_525 = arith.andi %ne3A_521, %ne3A_524 : i1
        %sub3A_526 = arith.constant 1 : i32
        %sub3A_527 = arith.subi %div3A_506, %sub3A_526 : i32
        %select_n3A_528 = arith.select %and3A_525, %sub3A_527, %div3A_506 : i32
        %mul3A_529 = arith.constant 16384 : i32
        %mul3A_530 = arith.muli %select_n3A_504, %mul3A_529 : i32
        %mul3A_531 = arith.constant 512 : i32
        %mul3A_532 = arith.muli %add3A, %mul3A_531 : i32
        %add3A_533 = arith.addi %mul3A_530, %mul3A_532 : i32
        %mul3A_534 = arith.constant 128 : i32
        %mul3A_535 = arith.muli %select_n3A_528, %mul3A_534 : i32
        %add3A_536 = arith.addi %add3A_533, %mul3A_535 : i32
        %dma_wait3A_537 = tpu.memref_slice %arg3[%add3A_536] : memref<819200xi32, #tpu.memory_space<hbm>> -> memref<128xi32, #tpu.memory_space<hbm>>
        %dma_wait3A_538 = tpu.memref_slice %arg3[%add3A_536] : memref<819200xi32, #tpu.memory_space<hbm>> -> memref<128xi32, #tpu.memory_space<hbm>>
        tpu.wait_dma2 semaphore(%arg20 : memref<!tpu.dma_semaphore, #tpu.memory_space<semaphore_mem>>) src(%dma_wait3A_538 : memref<128xi32, #tpu.memory_space<hbm>>) dst(%arg8 : memref<128xi32, #tpu.memory_space<vmem>>)
        %dma_start3A_539 = arith.constant 0 : i32
        %dma_start3A_540 = arith.constant 0 : i32
        %dma_start3A_541 = tpu.memref_slice %arg2[%dma_start3A_539, %dma_start3A_540] : memref<2000000x64xf32, #tpu.memory_space<hbm>> -> memref<2000000x64xf32, #tpu.memory_space<hbm>>
        tpu.enqueue_indirect_dma source(%dma_start3A_541 : memref<2000000x64xf32, #tpu.memory_space<hbm>>) target(%arg12 : memref<128x64xf32, #tpu.memory_space<vmem>>) offsets(%arg8 : memref<128xi32, #tpu.memory_space<vmem>>) semaphore(%arg24 : memref<!tpu.dma_semaphore, #tpu.memory_space<semaphore_mem>>)
      } else {
      }
    }
    %scan3A_103 = arith.constant 50 : i32
    %mul3A_104 = arith.constant 4 : i32
    %mul3A_105 = arith.muli %add3A, %mul3A_104 : i32
    %add3A_106 = arith.constant 3 : i32
    %add3A_107 = arith.addi %mul3A_105, %add3A_106 : i32
    %dma_wait3A_108 = arith.constant 46 : i32
    %dma_wait3A_109 = arith.constant 0 : i32
    %dma_wait3A_110 = arith.constant 0 : i32
    %dma_wait3A_111 = arith.constant 0 : i32
    %dma_wait3A_112 = tpu.memref_slice %arg4[%dma_wait3A_108, %dma_wait3A_109, %add3A_107, %dma_wait3A_110, %dma_wait3A_111] : memref<50x8x128x8x128xf32, #tpu.memory_space<hbm>> -> memref<1x8x1x8x128xf32, #tpu.memory_space<hbm>>
    %dma_wait3A_113 = tpu.memref_squeeze %dma_wait3A_112 : memref<1x8x1x8x128xf32, #tpu.memory_space<hbm>> -> memref<8x1x8x128xf32, #tpu.memory_space<hbm>>
    %dma_wait3A_114 = arith.constant 0 : i32
    %dma_wait3A_115 = arith.constant 0 : i32
    %dma_wait3A_116 = arith.constant 0 : i32
    %dma_wait3A_117 = tpu.memref_slice %arg4[%dma_wait3A_108, %dma_wait3A_114, %add3A_107, %dma_wait3A_115, %dma_wait3A_116] : memref<50x8x128x8x128xf32, #tpu.memory_space<hbm>> -> memref<1x8x1x8x128xf32, #tpu.memory_space<hbm>>
    %dma_wait3A_118 = tpu.memref_squeeze %dma_wait3A_117 : memref<1x8x1x8x128xf32, #tpu.memory_space<hbm>> -> memref<8x1x8x128xf32, #tpu.memory_space<hbm>>
    tpu.wait_dma2 semaphore(%arg25 : memref<!tpu.dma_semaphore, #tpu.memory_space<semaphore_mem>>) src(%arg13 : memref<8x1x8x128xf32, #tpu.memory_space<vmem>>) dst(%dma_wait3A_118 : memref<8x1x8x128xf32, #tpu.memory_space<hbm>>)
    %mul3A_119 = arith.constant 4 : i32
    %mul3A_120 = arith.muli %add3A, %mul3A_119 : i32
    %add3A_121 = arith.constant 3 : i32
    %add3A_122 = arith.addi %mul3A_120, %add3A_121 : i32
    %dma_wait3A_123 = arith.constant 47 : i32
    %dma_wait3A_124 = arith.constant 0 : i32
    %dma_wait3A_125 = arith.constant 0 : i32
    %dma_wait3A_126 = arith.constant 0 : i32
    %dma_wait3A_127 = tpu.memref_slice %arg4[%dma_wait3A_123, %dma_wait3A_124, %add3A_122, %dma_wait3A_125, %dma_wait3A_126] : memref<50x8x128x8x128xf32, #tpu.memory_space<hbm>> -> memref<1x8x1x8x128xf32, #tpu.memory_space<hbm>>
    %dma_wait3A_128 = tpu.memref_squeeze %dma_wait3A_127 : memref<1x8x1x8x128xf32, #tpu.memory_space<hbm>> -> memref<8x1x8x128xf32, #tpu.memory_space<hbm>>
    %dma_wait3A_129 = arith.constant 0 : i32
    %dma_wait3A_130 = arith.constant 0 : i32
    %dma_wait3A_131 = arith.constant 0 : i32
    %dma_wait3A_132 = tpu.memref_slice %arg4[%dma_wait3A_123, %dma_wait3A_129, %add3A_122, %dma_wait3A_130, %dma_wait3A_131] : memref<50x8x128x8x128xf32, #tpu.memory_space<hbm>> -> memref<1x8x1x8x128xf32, #tpu.memory_space<hbm>>
    %dma_wait3A_133 = tpu.memref_squeeze %dma_wait3A_132 : memref<1x8x1x8x128xf32, #tpu.memory_space<hbm>> -> memref<8x1x8x128xf32, #tpu.memory_space<hbm>>
    tpu.wait_dma2 semaphore(%arg26 : memref<!tpu.dma_semaphore, #tpu.memory_space<semaphore_mem>>) src(%arg14 : memref<8x1x8x128xf32, #tpu.memory_space<vmem>>) dst(%dma_wait3A_133 : memref<8x1x8x128xf32, #tpu.memory_space<hbm>>)
    %mul3A_134 = arith.constant 4 : i32
    %mul3A_135 = arith.muli %add3A, %mul3A_134 : i32
    %add3A_136 = arith.constant 3 : i32
    %add3A_137 = arith.addi %mul3A_135, %add3A_136 : i32
    %dma_wait3A_138 = arith.constant 48 : i32
    %dma_wait3A_139 = arith.constant 0 : i32
    %dma_wait3A_140 = arith.constant 0 : i32
    %dma_wait3A_141 = arith.constant 0 : i32
    %dma_wait3A_142 = tpu.memref_slice %arg4[%dma_wait3A_138, %dma_wait3A_139, %add3A_137, %dma_wait3A_140, %dma_wait3A_141] : memref<50x8x128x8x128xf32, #tpu.memory_space<hbm>> -> memref<1x8x1x8x128xf32, #tpu.memory_space<hbm>>
    %dma_wait3A_143 = tpu.memref_squeeze %dma_wait3A_142 : memref<1x8x1x8x128xf32, #tpu.memory_space<hbm>> -> memref<8x1x8x128xf32, #tpu.memory_space<hbm>>
    %dma_wait3A_144 = arith.constant 0 : i32
    %dma_wait3A_145 = arith.constant 0 : i32
    %dma_wait3A_146 = arith.constant 0 : i32
    %dma_wait3A_147 = tpu.memref_slice %arg4[%dma_wait3A_138, %dma_wait3A_144, %add3A_137, %dma_wait3A_145, %dma_wait3A_146] : memref<50x8x128x8x128xf32, #tpu.memory_space<hbm>> -> memref<1x8x1x8x128xf32, #tpu.memory_space<hbm>>
    %dma_wait3A_148 = tpu.memref_squeeze %dma_wait3A_147 : memref<1x8x1x8x128xf32, #tpu.memory_space<hbm>> -> memref<8x1x8x128xf32, #tpu.memory_space<hbm>>
    tpu.wait_dma2 semaphore(%arg27 : memref<!tpu.dma_semaphore, #tpu.memory_space<semaphore_mem>>) src(%arg15 : memref<8x1x8x128xf32, #tpu.memory_space<vmem>>) dst(%dma_wait3A_148 : memref<8x1x8x128xf32, #tpu.memory_space<hbm>>)
    %mul3A_149 = arith.constant 4 : i32
    %mul3A_150 = arith.muli %add3A, %mul3A_149 : i32
    %add3A_151 = arith.constant 3 : i32
    %add3A_152 = arith.addi %mul3A_150, %add3A_151 : i32
    %dma_wait3A_153 = arith.constant 49 : i32
    %dma_wait3A_154 = arith.constant 0 : i32
    %dma_wait3A_155 = arith.constant 0 : i32
    %dma_wait3A_156 = arith.constant 0 : i32
    %dma_wait3A_157 = tpu.memref_slice %arg4[%dma_wait3A_153, %dma_wait3A_154, %add3A_152, %dma_wait3A_155, %dma_wait3A_156] : memref<50x8x128x8x128xf32, #tpu.memory_space<hbm>> -> memref<1x8x1x8x128xf32, #tpu.memory_space<hbm>>
    %dma_wait3A_158 = tpu.memref_squeeze %dma_wait3A_157 : memref<1x8x1x8x128xf32, #tpu.memory_space<hbm>> -> memref<8x1x8x128xf32, #tpu.memory_space<hbm>>
    %dma_wait3A_159 = arith.constant 0 : i32
    %dma_wait3A_160 = arith.constant 0 : i32
    %dma_wait3A_161 = arith.constant 0 : i32
    %dma_wait3A_162 = tpu.memref_slice %arg4[%dma_wait3A_153, %dma_wait3A_159, %add3A_152, %dma_wait3A_160, %dma_wait3A_161] : memref<50x8x128x8x128xf32, #tpu.memory_space<hbm>> -> memref<1x8x1x8x128xf32, #tpu.memory_space<hbm>>
    %dma_wait3A_163 = tpu.memref_squeeze %dma_wait3A_162 : memref<1x8x1x8x128xf32, #tpu.memory_space<hbm>> -> memref<8x1x8x128xf32, #tpu.memory_space<hbm>>
    tpu.wait_dma2 semaphore(%arg28 : memref<!tpu.dma_semaphore, #tpu.memory_space<semaphore_mem>>) src(%arg16 : memref<8x1x8x128xf32, #tpu.memory_space<vmem>>) dst(%dma_wait3A_163 : memref<8x1x8x128xf32, #tpu.memory_space<hbm>>)
    return
  }
}

module attributes {stable_mosaic.version = 14 : i64} {
  func.func @body(%arg0: i32, %arg1: memref<64x2048xf32, #tpu.memory_space<vmem>>, %arg2: memref<2048x128xf32, #tpu.memory_space<vmem>>) attributes {dimension_semantics = [#tpu.dimension_semantics<arbitrary>], iteration_bounds = array<i64: 489>, scalar_prefetch = 0 : i64, scratch_operands = 0 : i64, tpu.core_type = #tpu.core_type<tc>, window_params = [{transform_indices = @transform_0, window_bounds = array<i64: 64, 2048>}, {transform_indices = @transform_1, window_bounds = array<i64: 2048, 128>}]} {
    %get3A = arith.constant 0 : index
    %get3A_0 = arith.constant 0 : index
    %get3A_1 = vector.load %arg1[%get3A, %get3A_0] : memref<64x2048xf32, #tpu.memory_space<vmem>>, vector<64x2048xf32>
    %transpose3A = tpu.transpose %get3A_1, [1, 0] : vector<64x2048xf32> -> vector<2048x64xf32>
    %swap3A = arith.constant 0 : index
    %swap3A_2 = arith.constant 0 : index
    %swap3A_3 = vector.load %arg2[%swap3A, %swap3A_2] : memref<2048x128xf32, #tpu.memory_space<vmem>>, vector<2048x64xf32>
    tpu.vector_store %arg2[%swap3A, %swap3A_2], %transpose3A {strides = array<i32>} : memref<2048x128xf32, #tpu.memory_space<vmem>>, vector<2048x64xf32>,
    %broadcast_in_dim3A = arith.constant 0.000000e+00 : f32
    %broadcast_in_dim3A_4 = vector.broadcast %broadcast_in_dim3A : f32 to vector<2048x64xf32>
    %swap3A_5 = arith.constant 0 : index
    %swap3A_6 = arith.constant 64 : index
    %swap3A_7 = vector.load %arg2[%swap3A_5, %swap3A_6] : memref<2048x128xf32, #tpu.memory_space<vmem>>, vector<2048x64xf32>
    tpu.vector_store %arg2[%swap3A_5, %swap3A_6], %broadcast_in_dim3A_4 {strides = array<i32>} : memref<2048x128xf32, #tpu.memory_space<vmem>>, vector<2048x64xf32>,
    return
  }
  func.func @transform_0(%arg0: i32) -> (i32, i32) {
    %c0_i32 = arith.constant 0 : i32
    %c0_i32_0 = arith.constant 0 : i32
    return %c0_i32, %arg0 : i32, i32
  }
  func.func @transform_1(%arg0: i32) -> (i32, i32) {
    %c0_i32 = arith.constant 0 : i32
    %c0_i32_0 = arith.constant 0 : i32
    return %arg0, %c0_i32 : i32, i32
  }
}

</mosaic_0001>

<sc_bundles>
// kernel: kernel.4.cloned.1.call-start
scs
__scs_entry_jumppad:
0x0: {  	(pc) =	sbr.rel $0x88, $3  }
0x1: {  	(tag) =	ssettag $0x0;
	lr =	simm.s32 $0x1  }
0x2: {  	[smem:$0x3F9F] =	sst lr;
	_ =	strace $0xD0000000  }
0x3: {  	_ = 	snop  }
0x4: {  	_ = 	snop  }
0x5: {  	_ = 	snop  }
0x6: {  	_ = 	snop  }
0x7: {  	_ = 	snop  }
__scs_overlays_trampoline_lowered:
0x8: {  	[smem:$0x3FAE] =	sst s0  }
0x9: {  	[smem:$0x3FAF] =	sst s1  }
0xa: {  	[smem:$0x3FB0] =	sst s2  }
0xb: {  	[smem:$0x3FB1] =	sst s3  }
0xc: {  	[smem:$0x3FB2] =	sst s4  }
0xd: {  	[smem:$0x3FB3] =	sst s5  }
0xe: {  	[smem:$0x3FB4] =	sst s6  }
0xf: {  	[smem:$0x3FB5] =	sst s7  }
0x10: {  	[smem:$0x3FB6] =	sst s8  }
0x11: {  	[smem:$0x3FB7] =	sst s9;
	s0 =	simm.s32 @!p0 $0x0  }
0x12: {  	s1 =	sld [smem:$0x3F9D];
	s0 =	simm.s32 @p0 $0x1  }
0x13: {  	[smem:$0x3FB8] =	sst s0;
	s0 =	simm.s32 @!p1 $0x0  }
0x14: {  	s2 =	sld [smem:$0x3F9C];
	s0 =	simm.s32 @p1 $0x1  }
0x15: {  	[smem:$0x3FB9] =	sst s0;
	s0 =	simm.s32 @!p2 $0x0  }
0x16: {  	s3 =	sld [smem:$0x3FDB];
	s0 =	simm.s32 @p2 $0x1  }
0x17: {  	s4 =	simm.s32 $0x1BF5;
	[smem:$0x3FBB] =	sst s0  }
0x18: {  	s0 =	sld [smem:$0x3F9E];
	_ =	swait.ge [sflag:s4], $0x0  }
0x19: {  	s7 =	sld [smem:$0x3F9F]  }
0x1a: {  	s8 =	sadd.s32 $0xFFFFE003, lr  }
0x1b: {  	s9 =	sadd.s32 $0xFFFFFEF7, lr;
	s5 =	simm.s32 $0xFFFFFFFF;
	p2 =	slt.u32 s8, $0xFFFFF086  }
0x1c: {  	p1 =	slt.u32 s9, $0xF7A;
	s5 =	simm.s32 @!p2 $0x0  }
0x1d: {  	s5 =	simm.s32 @p1 $0x1;
	p0 =	seq.s32 s7, s2  }
0x1e: {  	s7 =	smul.u32 @!p0 $0xF7A, s2;
	p2 =	seq.s32 @!p0 s5, $0x0  }
0x1f: {  	s9 =	smul.u32 $0xF7A, s1;
	s8 =	simm.s32 @!p0 $0x1BF5;
	p2 =	por !p2, p0  }
0x20: {  	[sflag:s8] =	ssyncset.s32 @!p0 $0xFFFFF086;
	s6 =	sadd.s32 @!p0 s3, s7;
	s7 =	simm.s32 @!p0 $0x108  }
0x21: {  	s3 =	sadd.s32 s3, s9;
	s6 =	sadd.s32 @!p0 $0x88, s6;
	s7 =	simm.s32 @p2 $0x1082  }
0x22: {  	[simem:s7], [sflag:s8] =	dma.local @!p0 [hbm:s6], $0xF7A  }
0x23: {  	s9 =	sor.u32 $0xD0000000, s2;
	s6 =	simm.s32 $0x108;
	_ =	swait.ge @!p0 [sflag:s8], $0x0  }
0x24: {  	s3 =	sadd.s32 $0x88, s3;
	s6 =	simm.s32 @!p1 $0x1082;
	[sflag:s4] =	ssyncset.s32 $0xFFFFF086  }
0x25: {  	[simem:s6], [sflag:s4] =	dma.local [hbm:s3], $0xF7A  }
0x26: {  	[smem:$0x3F9F] =	sst s1;
	(tag) =	ssettag s2;
	_ =	strace s9  }
0x27: {  	s1 =	sld [smem:$0x3FAF]  }
0x28: {  	s2 =	sld [smem:$0x3FB0]  }
0x29: {  	s4 =	sld [smem:$0x3FB2]  }
0x2a: {  	p0 =	seq.s32 s5, $0x0;
	s5 =	sld [smem:$0x3FB3]  }
0x2b: {  	s6 =	sld [smem:$0x3FB4]  }
0x2c: {  	s7 =	sld [smem:$0x3FB5]  }
0x2d: {  	s3 =	simm.s32 $0x108;
	s8 =	sld [smem:$0x3FB6]  }
0x2e: {  	s3 =	simm.s32 @!p0 $0x1082;
	s9 =	sld [smem:$0x3FB7]  }
0x2f: {  	lr =	sadd.s32 s0, s3;
	s0 =	sld [smem:$0x3FAE]  }
0x30: {  	s3 =	sld [smem:$0x3FB1]  }
0x31: {  	[smem:$0x3FBA] =	sst s10  }
0x32: {  	s10 =	sld [smem:$0x3FB8];
	_ =	sdelay $0x3  }
0x33: {  	p0 =	seq.s32 s10, $0x1;
	s10 =	sld [smem:$0x3FBA];
	_ =	sdelay $0x3  }
0x34: {  	[smem:$0x3FBA] =	sst s10  }
0x35: {  	s10 =	sld [smem:$0x3FB9];
	_ =	sdelay $0x3  }
0x36: {  	p1 =	seq.s32 s10, $0x1;
	s10 =	sld [smem:$0x3FBA];
	_ =	sdelay $0x3  }
0x37: {  	[smem:$0x3FBA] =	sst s10  }
0x38: {  	s10 =	sld [smem:$0x3FBB]  }
0x39: {  	_ = 	snop;
	(pc) =	sbr.ind lr, $3  }
0x3a: {  	_ = 	snop  }
0x3b: {  	_ = 	snop  }
0x3c: {  	p2 =	seq.s32 s10, $0x1;
	s10 =	sld [smem:$0x3FBA]  }
0x3d: {  	_ =	shalt  }
0x3e: {  	_ =	shalt  }
0x3f: {  	_ =	shalt  }
0x40: {  	_ =	shalt  }
0x41: {  	_ =	shalt  }
0x42: {  	_ =	shalt  }
0x43: {  	_ =	shalt  }
0x44: {  	_ =	shalt  }
0x45: {  	_ =	shalt  }
0x46: {  	_ =	shalt  }
0x47: {  	_ =	shalt  }
0x48: {  	_ =	shalt  }
0x49: {  	_ =	shalt  }
0x4a: {  	_ =	shalt  }
0x4b: {  	_ =	shalt  }
0x4c: {  	_ =	shalt  }
0x4d: {  	_ =	shalt  }
0x4e: {  	_ =	shalt  }
0x4f: {  	_ =	shalt  }
0x50: {  	_ =	shalt  }
0x51: {  	_ =	shalt  }
0x52: {  	_ =	shalt  }
0x53: {  	_ =	shalt  }
0x54: {  	_ =	shalt  }
0x55: {  	_ =	shalt  }
0x56: {  	_ =	shalt  }
0x57: {  	_ =	shalt  }
0x58: {  	_ =	shalt  }
0x59: {  	_ =	shalt  }
0x5a: {  	_ =	shalt  }
0x5b: {  	_ =	shalt  }
0x5c: {  	_ =	shalt  }
0x5d: {  	_ =	shalt  }
0x5e: {  	_ =	shalt  }
0x5f: {  	_ =	shalt  }
0x60: {  	_ =	shalt  }
0x61: {  	_ =	shalt  }
0x62: {  	_ =	shalt  }
0x63: {  	_ =	shalt  }
0x64: {  	_ =	shalt  }
0x65: {  	_ =	shalt  }
0x66: {  	_ =	shalt  }
0x67: {  	_ =	shalt  }
0x68: {  	_ =	shalt  }
0x69: {  	_ =	shalt  }
0x6a: {  	_ =	shalt  }
0x6b: {  	_ =	shalt  }
0x6c: {  	_ =	shalt  }
0x6d: {  	_ =	shalt  }
0x6e: {  	_ =	shalt  }
0x6f: {  	_ =	shalt  }
0x70: {  	_ =	shalt  }
0x71: {  	_ =	shalt  }
0x72: {  	_ =	shalt  }
0x73: {  	_ =	shalt  }
0x74: {  	_ =	shalt  }
0x75: {  	_ =	shalt  }
0x76: {  	_ =	shalt  }
0x77: {  	_ =	shalt  }
0x78: {  	_ =	shalt  }
0x79: {  	_ =	shalt  }
0x7a: {  	_ =	shalt  }
0x7b: {  	_ =	shalt  }
0x7c: {  	_ =	shalt  }
0x7d: {  	_ =	shalt  }
0x7e: {  	_ =	shalt  }
0x7f: {  	_ =	shalt  }
0x80: {  	_ =	shalt  }
0x81: {  	_ =	shalt  }
0x82: {  	_ =	shalt  }
0x83: {  	_ =	shalt  }
0x84: {  	_ =	shalt  }
0x85: {  	_ =	shalt  }
0x86: {  	_ =	shalt  }
0x87: {  	_ =	shalt  }
.Lfunc_end0:
.L_simem_size_0:
called_computation_lowered:
.L_overlay_start_0:
0x88: {  	s2 =	sld [smem:$0x3FD9]  }
0x89: {  	s3 =	sld [smem:$0x3FFE];
	_ =	sdelay $0x1  }
0x8a: {  	s1 =	srdreg.scid  }
0x8b: {  	s0 =	sand.u32 $0x1, s1  }
0x8c: {  	s17 =	sshll.u32 s0, $0xA;
	s2 =	sadd.s32 s3, s2  }
0x8d: {  	s2 =	sadd.s32 s2, s17  }
0x8e: {  	[smem:$0x3FC6] =	sst s2  }
0x8f: {  	_ = 	snop  }
0x90: {  	s2 =	sld [smem:$0x3FD0];
	(tm) =	ssettm $0x1  }
0x91: {  	s18 =	sld [smem:$0x3FFB];
	_ =	sdelay $0x3  }
0x92: {  	_ =	strace s18  }
0x93: {  	s3 =	sld [smem:$0x3FFC];
	_ =	sdelay $0x3  }
0x94: {  	_ =	strace s3  }
0x95: {  	s3 =	sld [smem:$0x3FFD];
	_ =	sdelay $0x3  }
0x96: {  	_ =	strace s3  }
0x97: {  	_ =	strace $0x8FFFFFFF  }
0x98: {  	s19 =	sld [smem:$0x3FDB];
	_ =	sdelay $0x1  }
0x99: {  	s4 =	simm.s32 $_scs_section_size  }
0x9a: {  	s5 =	simm.s32 $_size__tile_overlayer_lowered;
	s6 =	simm.s32 $_tile_overlayer_lowered  }
0x9b: {  	s22 =	simm.s32 $0x1BFF;
	s21 =	sshll.u32 s6, $0x1;
	s3 =	sadd.s32 s4, s19  }
0x9c: {  	s7 =	simm.s32 $0x0;
	s20 =	sshll.u32 s5, $0x1;
	s5 =	sadd.s32 s21, s3  }
0x9d: {  	[timem:s7], [sflag:s22] =	dma.local [hbm:s5], s20  }
0x9e: {  	_ =	swait.ge [sflag:s22], s20  }
0x9f: {  	s4 =	ssub.s32 $0x0, s20;
	[sflag:s22] =	ssyncset.done $0x0  }
0xa0: {  	[sflag:s22] =	ssyncadd.s32 s4;
	_ =	sdelay $0x1  }
0xa1: {  	s23 =	simm.s32 $0x1B8B  }
0xa2: {  	_ =	swait.ge [sflag:s23], $0x1  }
0xa3: {  	[sflag:s23] =	ssyncset.done $0x0  }
0xa4: {  	s25 =	simm.s32 $0x1B8E;
	s24 =	sld [smem:$0x3FFE];
	[sflag:s23] =	ssyncadd.s32 $0xFFFFFFFF  }
0xa5: {  	s26 =	simm.s32 $execute0_lowered;
	[smem:$0x3FD2] =	sst s25  }
0xa6: {  	s5 =	sshll.u32 s26, $0x1;
	_ =	strace $0x80000046;
	[dreg:$0x1] =	wrdreg $0xFFFFFFFF  }
0xa7: {  	s28 =	simm.s32 $_size_execute0_lowered;
	s3 =	sadd.s32 s3, s5;
	[dreg:$0x0] =	wrdreg $0x0  }
0xa8: {  	s5 =	sshll.u32 s28, $0x1;
	[dreg:$0x2] =	wrdreg s3  }
0xa9: {  	[dreg:$0x3] =	wrdreg s5  }
0xaa: {  	[dreg:$0x4] =	wrdreg $0xC0  }
0xab: {  	_ =	task [dreg:s7], $0x5FFFF  }
0xac: {  	[dreg:$0x1] =	wrdreg $0xFFFFFFFF  }
0xad: {  	[dreg:$0x0] =	wrdreg $0x60  }
0xae: {  	[dreg:$0x2] =	wrdreg s24  }
0xaf: {  	[dreg:$0x3] =	wrdreg s2  }
0xb0: {  	[dreg:$0x4] =	wrdreg $0x9  }
0xb1: {  	_ =	task.clear_ibuf [dreg:s7], $0x5FFFF;
	_ =	strace $0x90000046  }
0xb2: {  	s29 =	simm.s32 $0x9;
	_ =	strace $0x80000048  }
0xb3: {  	_ =	swait.ge [sflag:s29], $0x1  }
0xb4: {  	[sflag:s29] =	ssyncadd.s32 $0xFFFFFFFF  }
0xb5: {  	_ =	strace $0x90000048  }
0xb6: {  	_ =	sfence  }
0xb7: {  	s30 =	sld [smem:$0x0];
	_ =	sdelay $0x2  }
0xb8: {  	s31 =	sshll.u32 s1, $0xD;
	s1 =	sshrl.u32 s1, $0x2  }
0xb9: {  	s3 =	sand.u32 $0x4000, s31;
	s1 =	sadd.s32 s1, s30  }
0xba: {  	s0 =	sor.u32 s3, s0;
	s1 =	sshll.u32 s1, $0x11  }
0xbb: {  	s0 =	sor.u32 s1, s0  }
0xbc: {  	s0 =	sadd.s32 $0x8F2B, s0  }
0xbd: {  	[sflag:s0] =	ssyncadd.remote.s32 $0x1  }
0xbe: {  	_ =	sfence.sel $0xFFFF  }
0xbf: {  	[dreg:$0x0] =	wrdreg $0xFFFFFFFF;
	(pc) =	sbr.abs _section_cstart, $3  }
0xc0: {  	[dreg:$0x1] =	wrdreg $0xFFFFFFFF  }
0xc1: {  	_ =	task.clear_ibuf [dreg:s7], $0x2FFFF;
	_ =	strace $0x9FFFFFFF  }
0xc2: {  	(tm) =	ssettm $0x7FFFFFFF  }
0xc3: {  	_ =	shalt  }
tec
execute0_lowered:
.L_overlay_start_1:
0x0: {  	(tag) =	ssettag $0x1  }
0x1: {  	s0 =	rddreg [dreg:$0x0]  }
0x2: {  	s2 =	rddreg [dreg:$0x1];
	s4 =	simm.s32 $0x0  }
0x3: {  	s1 =	srdreg.scid;
	s3 =	stileid.u32;
	s17 =	simm.s32 $0x200  }
0x4: {  	s19 =	simm.s32 $0x2200;
	s21 =	simm.s32 $0x4200;
	s23 =	simm.s32 $0x6200  }
0x5: {  	s25 =	simm.s32 $0x400;
	s1 =	sand.u32 $0x1, s1;
	s3 =	sshll.u32 s3, $0x1  }
0x6: {  	s26 =	simm.s32 $0x20000;
	[smem:$0x7FF] =	sst s4;
	s3 =	sor.u32 s1, s3  }
0x7: {  	s4 =	sadd.s32 $0x400, s0;
	s5 =	sadd.s32 $0x19400, s0;
	s6 =	sshll.u32 s3, $0x6  }
0x8: {  	v0 =	vlaneseq.u32;
	_ =	strace $0x80000047;
	s1 =	ssub.s32 $0x2, s1;
	s6 =	sadd.s32 s4, s6  }
.Ltmp0:
0x9: {  	v0 =	vmul.u32 $0x40, v0;
	s29 =	sadd.s32 $0x800, s6;
	[dreg:$0x3] =	wrdreg s6;
	(pc) =	sbr.rel .LBB2_1-.Ltmp0, $4  }
0xa: {  	s28 =	sshrl.u32 s1, $0x1;
	s30 =	sadd.s32 $0x1000, s6;
	[dreg:$0x4] =	wrdreg s29  }
0xb: {  	v1 =	vor.u32 $0x400, v0;
	s0 =	ssub.s32 s1, s28;
	s31 =	sadd.s32 $0x1800, s6;
	[dreg:$0x5] =	wrdreg s30  }
0xc: {  	s7 =	sshll.u32 s3, $0x9;
	v2 =	vor.u32 $0x800, v0;
	v3 =	vor.u32 $0xC00, v0;
	v4 =	vor.u32 $0x1000, v0;
	s0 =	smax.u32 s0, $0x1;
	[dreg:$0x6] =	wrdreg s31  }
0xd: {  	s11 =	sshll.u32 s3, $0x2;
	v5 =	vor.u32 $0x1400, v0;
	v6 =	vor.u32 $0x1800, v0;
	v7 =	vor.u32 $0x1C00, v0;
	s3 =	simm.s32 $0x0;
	[dreg:$0x7] =	wrdreg s0  }
.LBB2_15:
0xe: {  	s0 =	simm.s32 $0x9  }
0xf: {  	_ =	swait.ge [sflag:s0], $0x2000  }
0x10: {  	[sflag:s0] =	ssyncset.done $0x0  }
0x11: {  	s29 =	simm.s32 $0xA;
	[sflag:s0] =	ssyncadd.s32 $0xFFFFE000  }
0x12: {  	_ =	swait.ge [sflag:s29], $0x2000  }
0x13: {  	[sflag:s29] =	ssyncset.done $0x0  }
0x14: {  	s30 =	simm.s32 $0xB;
	[sflag:s29] =	ssyncadd.s32 $0xFFFFE000  }
0x15: {  	_ =	swait.ge [sflag:s30], $0x2000  }
0x16: {  	[sflag:s30] =	ssyncset.done $0x0  }
0x17: {  	s1 =	simm.s32 $0xC;
	[sflag:s30] =	ssyncadd.s32 $0xFFFFE000  }
0x18: {  	_ =	swait.ge [sflag:s1], $0x2000  }
0x19: {  	s3 =	rddreg [dreg:$0x8]  }
0x1a: {  	s31 =	rddreg [dreg:$0x7];
	s3 =	sadd.s32 $0x1, s3  }
0x1b: {  	p0 =	sne.s32 s3, s31  }
.Ltmp1:
0x1c: {  	_ = 	snop;
	(pc) =	sbr.rel @!p0 .LBB2_16-.Ltmp1, $3  }
0x1d: {  	_ =	sdelay $0x1  }
0x1e: {  	[sflag:s1] =	ssyncset.done $0x0  }
0x1f: {  	[sflag:s1] =	ssyncadd.s32 $0xFFFFE000  }
.LBB2_1:
0x20: {  	[dreg:$0x8] =	wrdreg s3  }
0x21: {  	s0 =	simm.s32 $0x0;
	s1 =	rddreg [dreg:$0x3]  }
0x22: {  	[tilespmem:s0], [sflag:$0x1] =	stream.linear.gather [hbm4b:s1+s0], $0x80, $0x38;
	[tilespmem:$0x10200] =	vst v63  }
0x23: {  	s18 =	rddreg [dreg:$0x4];
	s20 =	simm.s32 $0x80  }
0x24: {  	[tilespmem:s20], [sflag:$0x2] =	stream.linear.gather [hbm4b:s18+s0], $0x80, $0x38;
	[tilespmem:$0x10200] =	vst v63  }
0x25: {  	s22 =	rddreg [dreg:$0x5];
	s6 =	simm.s32 $0x100  }
0x26: {  	[tilespmem:s6], [sflag:$0x3] =	stream.linear.gather [hbm4b:s22+s0], $0x80, $0x38;
	[tilespmem:$0x10200] =	vst v63  }
0x27: {  	s24 =	rddreg [dreg:$0x6];
	s8 =	simm.s32 $0x180;
	s28 =	simm.s32 $0x1  }
0x28: {  	[tilespmem:s8], [sflag:$0x4] =	stream.linear.gather [hbm4b:s24+s0], $0x80, $0x38;
	[tilespmem:$0x10200] =	vst v63  }
0x29: {  	_ =	swait.ge [sflag:s28], $0x80  }
0x2a: {  	[sflag:s28] =	ssyncset.done $0x0  }
0x2b: {  	s29 =	simm.s32 $0x2;
	[sflag:s28] =	ssyncadd.s32 $0xFFFFFF80  }
0x2c: {  	[tilespmem:s17], [sflag:$0x5] =	stream.indirect.gather [hbm4b:s5+s20], $0x40, s0, s20, $0xb8;
	[tilespmem:$0x10200] =	vst v63  }
0x2d: {  	_ =	swait.ge [sflag:s29], $0x80  }
0x2e: {  	[sflag:s29] =	ssyncset.done $0x0  }
0x2f: {  	s30 =	simm.s32 $0x3;
	[sflag:s29] =	ssyncadd.s32 $0xFFFFFF80  }
0x30: {  	[tilespmem:s19], [sflag:$0x6] =	stream.indirect.gather [hbm4b:s5+s20], $0x40, s20, s20, $0xb8;
	[tilespmem:$0x10200] =	vst v63  }
0x31: {  	_ =	swait.ge [sflag:s30], $0x80  }
0x32: {  	[sflag:s30] =	ssyncset.done $0x0  }
0x33: {  	s31 =	simm.s32 $0x4;
	[sflag:s30] =	ssyncadd.s32 $0xFFFFFF80  }
0x34: {  	[tilespmem:s21], [sflag:$0x7] =	stream.indirect.gather [hbm4b:s5+s20], $0x40, s6, s20, $0xb8;
	[tilespmem:$0x10200] =	vst v63  }
0x35: {  	_ =	swait.ge [sflag:s31], $0x80  }
0x36: {  	[sflag:s31] =	ssyncset.done $0x0  }
0x37: {  	s16 =	simm.s32 $0x0;
	[sflag:s31] =	ssyncadd.s32 $0xFFFFFF80  }
0x38: {  	[tilespmem:s23], [sflag:$0x8] =	stream.indirect.gather [hbm4b:s5+s20], $0x40, s8, s20, $0xb8;
	[tilespmem:$0x10200] =	vst v63  }
.LBB2_2:
0x39: {  	s18 =	sshll.u32 s16, $0x2;
	p0 =	seq.s32 s16, $0x31  }
0x3a: {  	s0 =	sadd.s32 @!p0 $0x4, s18  }
0x3b: {  	s3 =	sand.u32 @!p0 $0xFF, s0  }
0x3c: {  	s3 =	smul.u32 @!p0 $0x29, s3;
	_ =	sdelay $0x1  }
0x3d: {  	s3 =	sshrl.u32 @!p0 s3, $0xB  }
0x3e: {  	s6 =	smul.u32 @!p0 $0x32, s3;
	_ =	sdelay $0x1  }
0x3f: {  	s0 =	ssub.s32 @!p0 s0, s6  }
0x40: {  	p1 =	seq.s32 @!p0 s16, $0x0;
	s0 =	sand.u32 @!p0 $0xFF, s0  }
0x41: {  	s1 =	simm.s32 $0x5;
	p1 =	por p0, !p1;
	s0 =	sshll.u32 @!p0 s0, $0xE  }
.Ltmp2:
0x42: {  	s3 =	sshll.u32 @!p0 s3, $0x7;
	s0 =	sor.u32 @!p0 s7, s0;
	(pc) =	sbr.rel @!p1 .LBB2_3-.Ltmp2, $4  }
0x43: {  	_ =	swait.ge [sflag:s1], $0x2000;
	s0 =	sadd.s32 @!p0 s3, s0  }
0x44: {  	[sflag:s1] =	ssyncset.done $0x0;
	s0 =	sshrl.u32 @!p0 s0, $0x3  }
0x45: {  	[sflag:s1] =	ssyncadd.s32 $0xFFFFE000;
	s3 =	simm.s32 @!p0 $0x0;
	s0 =	sadd.s32 @!p0 s4, s0  }
0x46: {  	[tilespmem:s3], [sflag:$0x1] =	stream.linear.gather @!p0 [hbm4b:s0+s3], $0x80, $0x38;
	[tilespmem:$0x10200] =	vst v63  }
.Ltmp3:
0x47: {  	(pc) =	sbr.rel .LBB2_5-.Ltmp3, $4  }
0x48: {  	s0 =	simm.s32 $0x9  }
0x49: {  	_ =	swait.ge [sflag:s0], $0x2000  }
0x4a: {  	[sflag:s0] =	ssyncset.done $0x0  }
0x4b: {  	p1 =	por $0x0, $0x0;
	[sflag:s0] =	ssyncadd.s32 $0xFFFFE000  }
.LBB2_3:
0x4c: {  	p1 =	por @!p0 $0x1, $0x1  }
.LBB2_5:
0x4d: {  	s0 =	simm.s32 $0x0  }
0x4e: {  	s6 =	simm.s32 $0x1;
	v8 =	vmov s0  }
0x4f: {  	v9 =	vmov s6;
	v8 =	vand.u32 $0x3C, v8  }
0x50: {  	v16 =	vbroadcast v8, $0x0;
	v8 =	vand.u32 $0x3D, v9  }
0x51: {  	v17 =	vbroadcast v8, $0x0  }
0x52: {  	v8 =	vor.u32 v0, v16  }
0x53: {  	v9 =	vor.u32 v0, v17;
	_ =	sdelay $0x3  }
0x54: {  	v8 =	vld.idx.msk [tilespmem:v8+s17+$0x0], $0xffff  }
0x55: {  	s8 =	simm.s32 $0x2;
	v10 =	vor.u32 v1, v16;
	v9 =	vld.idx.msk [tilespmem:v9+s17+$0x0], $0xffff  }
0x56: {  	s9 =	simm.s32 $0x0;
	v11 =	vmov s8;
	v12 =	vor.u32 v1, v17  }
0x57: {  	s3 =	simm.s32 $0x80;
	s0 =	sand.u32 $0x1C00, s9;
	v11 =	vand.u32 $0x3E, v11  }
0x58: {  	s9 =	simm.s32 $0x8240;
	s3 =	sand.u32 $0x280, s3;
	s0 =	sor.u32 $0x8200, s0;
	v15 =	vbroadcast v11, $0x0  }
0x59: {  	s10 =	simm.s32 $0x3;
	s13 =	sadd.s32 s3, s0;
	[tilespmem:s9+$0xFFFFFFC0] =	vst v8  }
0x5a: {  	v8 =	vor.u32 v0, v15;
	[tilespmem:s13+$0x0] =	vst v9;
	v9 =	vld.idx.msk [tilespmem:v10+s17+$0x0], $0xffff;
	v10 =	vmov s10  }
0x5b: {  	v11 =	vld.idx.msk [tilespmem:v12+s17+$0x0], $0xffff;
	v12 =	vor.u32 v2, v16;
	v10 =	vand.u32 $0x3F, v10  }
0x5c: {  	v13 =	vor.u32 v2, v17;
	v18 =	vbroadcast v10, $0x0;
	_ =	sdelay $0x1  }
0x5d: {  	s12 =	simm.s32 $0x4;
	v14 =	vor.u32 v0, v18  }
0x5e: {  	v19 =	vld.idx.msk [tilespmem:v8+s17+$0x0], $0xffff;
	v8 =	vmov s12;
	[tilespmem:s9+$0xFFFFFFD0] =	vst v9  }
0x5f: {  	s14 =	simm.s32 $0x5;
	v20 =	vor.u32 v1, v15;
	v8 =	vand.u32 $0x3C, v8;
	[tilespmem:s13+$0x10] =	vst v11;
	v11 =	vld.idx.msk [tilespmem:v12+s17+$0x0], $0xffff  }
0x60: {  	s15 =	simm.s32 $0x6;
	s6 =	simm.s32 $0x100;
	v9 =	vmov s14;
	v8 =	vbroadcast v8, $0x0;
	v12 =	vld.idx.msk [tilespmem:v13+s17+$0x0], $0xffff;
	v13 =	vor.u32 v3, v16  }
0x61: {  	v22 =	vmov s15;
	s6 =	sand.u32 $0x300, s6;
	v21 =	vor.u32 v3, v17;
	v9 =	vand.u32 $0x3D, v9  }
0x62: {  	s12 =	sadd.s32 s6, s0;
	v10 =	vbroadcast v9, $0x0;
	v9 =	vand.u32 $0x3E, v22;
	v22 =	vor.u32 v0, v8;
	v14 =	vld.idx.msk [tilespmem:v14+s17+$0x0], $0xffff  }
0x63: {  	v9 =	vbroadcast v9, $0x0;
	[tilespmem:s12+$0x0] =	vst v19;
	v19 =	vor.u32 v1, v18  }
0x64: {  	s20 =	simm.s32 $0x180;
	v23 =	vor.u32 v0, v10;
	v20 =	vld.idx.msk [tilespmem:v20+s17+$0x0], $0xffff;
	[tilespmem:s9+$0xFFFFFFE0] =	vst v11  }
0x65: {  	s3 =	sand.u32 $0x380, s20;
	v11 =	vor.u32 v0, v9;
	[tilespmem:s13+$0x20] =	vst v12;
	v12 =	vld.idx.msk [tilespmem:v13+s17+$0x0], $0xffff  }
0x66: {  	s6 =	sadd.s32 s3, s0;
	v13 =	vld.idx.msk [tilespmem:v21+s17+$0x0], $0xffff;
	v21 =	vor.u32 v4, v16  }
0x67: {  	v24 =	vor.u32 v4, v17;
	v22 =	vld.idx.msk [tilespmem:v22+s17+$0x0], $0xffff;
	[tilespmem:s6+$0x0] =	vst v14  }
0x68: {  	v14 =	vor.u32 v2, v15;
	v19 =	vld.idx.msk [tilespmem:v19+s17+$0x0], $0xffff  }
0x69: {  	v25 =	vor.u32 v2, v18;
	v23 =	vld.idx.msk [tilespmem:v23+s17+$0x0], $0xffff  }
0x6a: {  	v26 =	vor.u32 v1, v8;
	v11 =	vld.idx.msk [tilespmem:v11+s17+$0x0], $0xffff;
	[tilespmem:s9+$0xFFFFFFF0] =	vst v12  }
0x6b: {  	s22 =	simm.s32 $0x200;
	v12 =	vor.u32 v1, v10;
	[tilespmem:s13+$0x30] =	vst v13;
	v13 =	vld.idx.msk [tilespmem:v21+s17+$0x0], $0xffff  }
0x6c: {  	s24 =	simm.s32 $0x280;
	s0 =	sand.u32 $0x1C00, s22;
	[tilespmem:s12+$0x10] =	vst v20;
	v21 =	vor.u32 v5, v16;
	v20 =	vld.idx.msk [tilespmem:v24+s17+$0x0], $0xffff  }
0x6d: {  	s20 =	simm.s32 $0x8440;
	s3 =	sand.u32 $0x280, s24;
	s0 =	sor.u32 $0x8200, s0;
	v24 =	vor.u32 v1, v9;
	v14 =	vld.idx.msk [tilespmem:v14+s17+$0x0], $0xffff;
	[tilespmem:s6+$0x10] =	vst v19  }
0x6e: {  	s8 =	simm.s32 $0x300;
	s3 =	sadd.s32 s3, s0;
	[tilespmem:s20+$0xFFFFFFC0] =	vst v22;
	v19 =	vor.u32 v3, v15;
	v22 =	vld.idx.msk [tilespmem:v25+s17+$0x0], $0xffff  }
0x6f: {  	s8 =	sand.u32 $0x300, s8;
	[tilespmem:s3+$0x0] =	vst v23;
	v23 =	vld.idx.msk [tilespmem:v26+s17+$0x0], $0xffff;
	v25 =	vor.u32 v3, v18  }
0x70: {  	s14 =	simm.s32 $0x7;
	s10 =	sadd.s32 s8, s0;
	v12 =	vld.idx.msk [tilespmem:v12+s17+$0x0], $0xffff;
	[tilespmem:s9+$0x0] =	vst v13;
	v13 =	vor.u32 v5, v17  }
0x71: {  	v27 =	vor.u32 v2, v10;
	v26 =	vmov s14;
	[tilespmem:s10+$0x0] =	vst v11;
	v21 =	vld.idx.msk [tilespmem:v21+s17+$0x0], $0xffff  }
0x72: {  	v11 =	vand.u32 $0x3F, v26;
	v24 =	vld.idx.msk [tilespmem:v24+s17+$0x0], $0xffff;
	[tilespmem:s12+$0x20] =	vst v14;
	v14 =	vor.u32 v2, v8  }
0x73: {  	v11 =	vbroadcast v11, $0x0;
	v19 =	vld.idx.msk [tilespmem:v19+s17+$0x0], $0xffff;
	[tilespmem:s6+$0x20] =	vst v22;
	v22 =	vor.u32 v6, v16  }
0x74: {  	v28 =	vor.u32 v4, v15;
	[tilespmem:s13+$0x40] =	vst v20;
	v20 =	vld.idx.msk [tilespmem:v25+s17+$0x0], $0xffff  }
0x75: {  	s29 =	simm.s32 $0x8;
	v25 =	vor.u32 v0, v11;
	[tilespmem:s3+$0x10] =	vst v12;
	v26 =	vld.idx.msk [tilespmem:v13+s17+$0x0], $0xffff  }
0x76: {  	s31 =	simm.s32 $0x9;
	v29 =	vor.u32 v4, v18;
	[tilespmem:s20+$0xFFFFFFD0] =	vst v23;
	v12 =	vmov s29;
	v23 =	vld.idx.msk [tilespmem:v27+s17+$0x0], $0xffff  }
0x77: {  	v12 =	vand.u32 $0x3C, v12;
	v13 =	vmov s31;
	v27 =	vor.u32 v3, v10;
	[tilespmem:s9+$0x10] =	vst v21;
	v21 =	vld.idx.msk [tilespmem:v14+s17+$0x0], $0xffff  }
0x78: {  	s1 =	simm.s32 $0xA;
	v30 =	vor.u32 v6, v17;
	v12 =	vbroadcast v12, $0x0;
	v13 =	vand.u32 $0x3D, v13;
	[tilespmem:s12+$0x30] =	vst v19;
	v22 =	vld.idx.msk [tilespmem:v22+s17+$0x0], $0xffff  }
0x79: {  	v14 =	vmov s1;
	v13 =	vbroadcast v13, $0x0;
	v19 =	vor.u32 v3, v8;
	v28 =	vld.idx.msk [tilespmem:v28+s17+$0x0], $0xffff  }
0x7a: {  	v14 =	vand.u32 $0x3E, v14;
	v25 =	vld.idx.msk [tilespmem:v25+s17+$0x0], $0xffff;
	[tilespmem:s6+$0x30] =	vst v20;
	v20 =	vor.u32 v0, v12  }
0x7b: {  	v14 =	vbroadcast v14, $0x0;
	v31 =	vor.u32 v0, v13;
	[tilespmem:s3+$0x20] =	vst v23;
	v23 =	vld.idx.msk [tilespmem:v29+s17+$0x0], $0xffff  }
0x7c: {  	v29 =	vor.u32 v1, v11;
	[tilespmem:s13+$0x50] =	vst v26;
	v27 =	vld.idx.msk [tilespmem:v27+s17+$0x0], $0xffff  }
0x7d: {  	s14 =	simm.s32 $0x380;
	v26 =	vor.u32 v0, v14;
	[tilespmem:s20+$0xFFFFFFE0] =	vst v21;
	v21 =	vld.idx.msk [tilespmem:v30+s17+$0x0], $0xffff  }
0x7e: {  	s8 =	sand.u32 $0x380, s14;
	[tilespmem:s10+$0x10] =	vst v24;
	v24 =	vor.u32 v4, v10;
	v19 =	vld.idx.msk [tilespmem:v19+s17+$0x0], $0xffff  }
0x7f: {  	s28 =	sadd.s32 s8, s0;
	v17 =	vor.u32 v7, v17;
	[tilespmem:s12+$0x40] =	vst v28;
	v20 =	vld.idx.msk [tilespmem:v20+s17+$0x0], $0xffff  }
0x80: {  	v28 =	vor.u32 v5, v15;
	[tilespmem:s28+$0x0] =	vst v25;
	v25 =	vld.idx.msk [tilespmem:v31+s17+$0x0], $0xffff  }
0x81: {  	v30 =	vor.u32 v5, v18;
	v29 =	vld.idx.msk [tilespmem:v29+s17+$0x0], $0xffff;
	[tilespmem:s6+$0x40] =	vst v23  }
0x82: {  	v23 =	vld.idx.msk [tilespmem:v26+s17+$0x0], $0xffff;
	v26 =	vor.u32 v4, v8;
	[tilespmem:s3+$0x30] =	vst v27  }
0x83: {  	s15 =	simm.s32 $0x400;
	v27 =	vor.u32 v1, v12;
	[tilespmem:s13+$0x60] =	vst v21;
	v24 =	vld.idx.msk [tilespmem:v24+s17+$0x0], $0xffff  }
0x84: {  	s30 =	simm.s32 $0x8640;
	s22 =	simm.s32 $0x480;
	s0 =	sand.u32 $0x1C00, s15;
	v21 =	vor.u32 v2, v9;
	[tilespmem:s20+$0xFFFFFFF0] =	vst v19;
	v17 =	vld.idx.msk [tilespmem:v17+s17+$0x0], $0xffff  }
0x85: {  	s24 =	sand.u32 $0x280, s22;
	s8 =	sor.u32 $0x8200, s0;
	v19 =	vor.u32 v1, v13;
	[tilespmem:s30+$0xFFFFFFC0] =	vst v20;
	v20 =	vld.idx.msk [tilespmem:v28+s17+$0x0], $0xffff  }
0x86: {  	s0 =	sadd.s32 s24, s8;
	v16 =	vor.u32 v7, v16;
	[tilespmem:s9+$0x20] =	vst v22;
	v28 =	vld.idx.msk [tilespmem:v30+s17+$0x0], $0xffff  }
0x87: {  	[tilespmem:s0+$0x0] =	vst v25;
	v25 =	vor.u32 v2, v11;
	v26 =	vld.idx.msk [tilespmem:v26+s17+$0x0], $0xffff  }
0x88: {  	v22 =	vor.u32 v6, v15;
	[tilespmem:s28+$0x10] =	vst v29;
	v30 =	vld.idx.msk [tilespmem:v27+s17+$0x0], $0xffff  }
0x89: {  	v27 =	vor.u32 v5, v8;
	v21 =	vld.idx.msk [tilespmem:v21+s17+$0x0], $0xffff;
	[tilespmem:s3+$0x40] =	vst v24  }
0x8a: {  	v32 =	vor.u32 v5, v10;
	v29 =	vld.idx.msk [tilespmem:v19+s17+$0x0], $0xffff;
	[tilespmem:s13+$0x70] =	vst v17  }
0x8b: {  	s29 =	simm.s32 $0x500;
	v24 =	vor.u32 v1, v14;
	v19 =	vld.idx.msk [tilespmem:v16+s17+$0x0], $0xffff;
	[tilespmem:s12+$0x50] =	vst v20  }
0x8c: {  	v17 =	vor.u32 v3, v9;
	s13 =	sand.u32 $0x300, s29;
	v25 =	vld.idx.msk [tilespmem:v25+s17+$0x0], $0xffff;
	[tilespmem:s6+$0x50] =	vst v28  }
0x8d: {  	s14 =	sadd.s32 s13, s8;
	v20 =	vor.u32 v6, v18;
	v22 =	vld.idx.msk [tilespmem:v22+s17+$0x0], $0xffff;
	[tilespmem:s20+$0x0] =	vst v26  }
0x8e: {  	[tilespmem:s14+$0x0] =	vst v23;
	v26 =	vor.u32 v3, v11;
	v23 =	vld.idx.msk [tilespmem:v27+s17+$0x0], $0xffff  }
0x8f: {  	s31 =	simm.s32 $0xB;
	v28 =	vor.u32 v7, v15;
	[tilespmem:s10+$0x20] =	vst v21;
	v21 =	vld.idx.msk [tilespmem:v32+s17+$0x0], $0xffff  }
0x90: {  	v33 =	vor.u32 v2, v13;
	v15 =	vmov s31;
	[tilespmem:s30+$0xFFFFFFD0] =	vst v30;
	v31 =	vld.idx.msk [tilespmem:v24+s17+$0x0], $0xffff  }
0x91: {  	v15 =	vand.u32 $0x3F, v15;
	[tilespmem:s0+$0x10] =	vst v29;
	v27 =	vld.idx.msk [tilespmem:v17+s17+$0x0], $0xffff  }
0x92: {  	v16 =	vor.u32 v4, v11;
	v15 =	vbroadcast v15, $0x0;
	v29 =	vor.u32 v2, v12;
	[tilespmem:s28+$0x20] =	vst v25;
	v25 =	vld.idx.msk [tilespmem:v20+s17+$0x0], $0xffff  }
0x93: {  	v17 =	vor.u32 v2, v14;
	v20 =	vor.u32 v6, v8;
	v26 =	vld.idx.msk [tilespmem:v26+s17+$0x0], $0xffff;
	[tilespmem:s12+$0x60] =	vst v22  }
0x94: {  	v30 =	vor.u32 v0, v15;
	v22 =	vor.u32 v7, v18;
	v24 =	vld.idx.msk [tilespmem:v28+s17+$0x0], $0xffff;
	[tilespmem:s20+$0x10] =	vst v23  }
0x95: {  	s15 =	simm.s32 $0xC;
	s13 =	simm.s32 $0x580;
	v18 =	vor.u32 v4, v15;
	v23 =	vld.idx.msk [tilespmem:v33+s17+$0x0], $0xffff;
	v28 =	vor.u32 v4, v9;
	[tilespmem:s14+$0x10] =	vst v31  }
.LBB2_6:
0x96: {  	s24 =	sadd.s32 $0x1, s15  }
0x97: {  	v31 =	vmov s15;
	p2 =	slt.u32 s15, $0x3C;
	v29 =	vld.idx.msk [tilespmem:v29+s17+$0x0], $0xffff;
	v32 =	vor.u32 v6, v10;
	[tilespmem:s10+$0x30] =	vst v27;
	s22 =	smov.u32 s15;
	s15 =	sadd.s32 $0x4, s15  }
0x98: {  	v33 =	vor.u32 v3, v13;
	v27 =	vand.u32 $0x3C, v31;
	v31 =	vmov s24;
	s24 =	sadd.s32 $0x2, s22;
	v20 =	vld.idx.msk [tilespmem:v20+s17+$0x0], $0xffff;
	[tilespmem:s6+$0x60] =	vst v25  }
0x99: {  	v25 =	vbroadcast v27, $0x0;
	v27 =	vand.u32 $0x3D, v31;
	v31 =	vmov s24;
	[tilespmem:s28+$0x30] =	vst v26;
	v22 =	vld.idx.msk [tilespmem:v22+s17+$0x0], $0xffff  }
0x9a: {  	v26 =	vbroadcast v27, $0x0;
	v27 =	vand.u32 $0x3E, v31;
	v31 =	vor.u32 v3, v12;
	v30 =	vld.idx.msk [tilespmem:v30+s17+$0x0], $0xffff;
	[tilespmem:s12+$0x70] =	vst v24;
	s12 =	smov.u32 s10;
	s10 =	smov.u32 s14  }
0x9b: {  	v24 =	vor.u32 v0, v25;
	v27 =	vbroadcast v27, $0x0;
	v28 =	vld.idx.msk [tilespmem:v28+s17+$0x0], $0xffff;
	[tilespmem:s9+$0x30] =	vst v19;
	s9 =	smov.u32 s20;
	s20 =	smov.u32 s30  }
0x9c: {  	v19 =	vor.u32 v0, v26;
	[tilespmem:s0+$0x20] =	vst v23;
	v23 =	vld.idx.msk [tilespmem:v16+s17+$0x0], $0xffff;
	v16 =	vmov v18  }
0x9d: {  	v34 =	vor.u32 v1, v15;
	v18 =	vor.u32 v0, v27;
	v33 =	vld.idx.msk [tilespmem:v33+s17+$0x0], $0xffff;
	[tilespmem:s3+$0x50] =	vst v21  }
0x9e: {  	s14 =	sand.u32 $0x380, s13;
	[tilespmem:s30+$0xFFFFFFE0] =	vst v29;
	v21 =	vld.idx.msk [tilespmem:v32+s17+$0x0], $0xffff  }
0x9f: {  	v29 =	vld.idx.msk [tilespmem:v31+s17+$0x0], $0xffff;
	v31 =	vor.u32 v4, v13;
	[tilespmem:s6+$0x70] =	vst v22;
	s6 =	smov.u32 s28;
	s28 =	sadd.s32 s14, s8  }
0xa0: {  	v22 =	vld.idx.msk [tilespmem:v24+s17+$0x0], $0xffff;
	[tilespmem:s28+$0x0] =	vst v30;
	v24 =	vor.u32 v7, v10;
	v10 =	vmov v13;
	v13 =	vmov v26  }
0xa1: {  	v26 =	vor.u32 v5, v9;
	v19 =	vld.idx.msk [tilespmem:v19+s17+$0x0], $0xffff;
	[tilespmem:s12+$0x40] =	vst v28;
	v28 =	vor.u32 v5, v11  }
0xa2: {  	s13 =	sadd.s32 $0x200, s13;
	v30 =	vor.u32 v1, v25;
	v32 =	vld.idx.msk [tilespmem:v34+s17+$0x0], $0xffff;
	[tilespmem:s6+$0x40] =	vst v23  }
0xa3: {  	s8 =	sadd.s32 $0xFFFFFE80, s13;
	v23 =	vor.u32 v1, v13;
	v34 =	vor.u32 v4, v12;
	v18 =	vld.idx.msk [tilespmem:v18+s17+$0x0], $0xffff;
	[tilespmem:s0+$0x30] =	vst v33  }
0xa4: {  	s30 =	sadd.s32 $0x200, s30;
	s14 =	sadd.s32 $0xFFFFFF00, s13;
	s8 =	sand.u32 $0x1C00, s8;
	v33 =	vor.u32 v1, v27;
	v31 =	vld.idx.msk [tilespmem:v31+s17+$0x0], $0xffff;
	[tilespmem:s3+$0x60] =	vst v21  }
0xa5: {  	s24 =	sadd.s32 $0xFFFFFF80, s13;
	s14 =	sand.u32 $0x280, s14;
	s8 =	sor.u32 $0x8200, s8;
	[tilespmem:s20+$0xFFFFFFF0] =	vst v29;
	v21 =	vld.idx.msk [tilespmem:v24+s17+$0x0], $0xffff  }
0xa6: {  	s29 =	sadd.s32 s14, s8;
	s14 =	sand.u32 $0x300, s24;
	[tilespmem:s30+$0xFFFFFFC0] =	vst v22;
	v22 =	vld.idx.msk [tilespmem:v26+s17+$0x0], $0xffff  }
0xa7: {  	s14 =	sadd.s32 s14, s8;
	[tilespmem:s29+$0x0] =	vst v19;
	v19 =	vor.u32 v2, v15;
	v24 =	vld.idx.msk [tilespmem:v28+s17+$0x0], $0xffff  }
0xa8: {  	v26 =	vld.idx.msk [tilespmem:v34+s17+$0x0], $0xffff;
	[tilespmem:s9+$0x20] =	vst v20;
	v20 =	vor.u32 v6, v9  }
0xa9: {  	v29 =	vor.u32 v7, v8;
	v8 =	vmov v12;
	v12 =	vmov v25;
	v28 =	vld.idx.msk [tilespmem:v30+s17+$0x0], $0xffff;
	[tilespmem:s28+$0x10] =	vst v32  }
0xaa: {  	v25 =	vor.u32 v5, v8;
	v32 =	vor.u32 v2, v13;
	[tilespmem:s0+$0x40] =	vst v31;
	v30 =	vld.idx.msk [tilespmem:v17+s17+$0x0], $0xffff  }
0xab: {  	v17 =	vor.u32 v2, v27;
	v23 =	vld.idx.msk [tilespmem:v23+s17+$0x0], $0xffff;
	[tilespmem:s3+$0x70] =	vst v21;
	s3 =	smov.u32 s0;
	s0 =	smov.u32 s29  }
0xac: {  	v34 =	vor.u32 v6, v11;
	v21 =	vor.u32 v3, v14;
	v31 =	vld.idx.msk [tilespmem:v19+s17+$0x0], $0xffff;
	[tilespmem:s12+$0x50] =	vst v22  }
0xad: {  	v35 =	vld.idx.msk [tilespmem:v20+s17+$0x0], $0xffff;
	[tilespmem:s6+$0x50] =	vst v24  }
0xae: {  	v24 =	vor.u32 v3, v15;
	[tilespmem:s20+$0x0] =	vst v26;
	v19 =	vld.idx.msk [tilespmem:v29+s17+$0x0], $0xffff  }
0xaf: {  	[tilespmem:s14+$0x0] =	vst v18;
	v36 =	vld.idx.msk [tilespmem:v25+s17+$0x0], $0xffff;
	v18 =	vor.u32 v7, v9;
	v9 =	vmov v14;
	v14 =	vmov v27  }
0xb0: {  	s22 =	sadd.s32 $0x3, s22;
	v37 =	vor.u32 v5, v10;
	v33 =	vld.idx.msk [tilespmem:v33+s17+$0x0], $0xffff;
	[tilespmem:s10+$0x20] =	vst v30  }
0xb1: {  	v22 =	vor.u32 v7, v11;
	v11 =	vmov v15;
	v20 =	vmov s22;
	[tilespmem:s0+$0x10] =	vst v23;
	v27 =	vld.idx.msk [tilespmem:v21+s17+$0x0], $0xffff  }
.Ltmp4:
0xb2: {  	v29 =	vor.u32 v2, v12;
	v15 =	vand.u32 $0x3F, v20;
	[tilespmem:s28+$0x20] =	vst v31;
	v25 =	vld.idx.msk [tilespmem:v34+s17+$0x0], $0xffff;
	(pc) =	sbr.rel @p2 .LBB2_6-.Ltmp4, $4  }
0xb3: {  	v20 =	vor.u32 v6, v8;
	v15 =	vbroadcast v15, $0x0;
	v26 =	vld.idx.msk [tilespmem:v24+s17+$0x0], $0xffff;
	[tilespmem:s12+$0x60] =	vst v35  }
0xb4: {  	[tilespmem:s30+$0xFFFFFFD0] =	vst v28;
	v24 =	vld.idx.msk [tilespmem:v18+s17+$0x0], $0xffff  }
0xb5: {  	v30 =	vor.u32 v0, v15;
	v18 =	vor.u32 v4, v15;
	[tilespmem:s20+$0x10] =	vst v36;
	v21 =	vld.idx.msk [tilespmem:v37+s17+$0x0], $0xffff  }
0xb6: {  	v28 =	vor.u32 v4, v9;
	v23 =	vld.idx.msk [tilespmem:v32+s17+$0x0], $0xffff;
	[tilespmem:s14+$0x10] =	vst v33  }
0xb7: {  	_ =	sdelay $0x3  }
0xb8: {  	v30 =	vld.idx.msk [tilespmem:v30+s17+$0x0], $0xffff  }
0xb9: {  	v31 =	vor.u32 v1, v15;
	_ =	sdelay $0x1  }
0xba: {  	[tilespmem:s10+$0x30] =	vst v27;
	s13 =	sand.u32 $0x380, s13  }
0xbb: {  	[tilespmem:s6+$0x60] =	vst v25;
	s8 =	sadd.s32 s13, s8  }
0xbc: {  	[tilespmem:s8+$0x0] =	vst v30  }
0xbd: {  	[tilespmem:s28+$0x30] =	vst v26;
	v25 =	vld.idx.msk [tilespmem:v31+s17+$0x0], $0xffff  }
0xbe: {  	v26 =	vld.idx.msk [tilespmem:v29+s17+$0x0], $0xffff;
	[tilespmem:s12+$0x70] =	vst v24;
	v24 =	vor.u32 v2, v15  }
0xbf: {  	[tilespmem:s9+$0x30] =	vst v19;
	v19 =	vor.u32 v6, v10;
	v22 =	vld.idx.msk [tilespmem:v22+s17+$0x0], $0xffff  }
0xc0: {  	v17 =	vld.idx.msk [tilespmem:v17+s17+$0x0], $0xffff;
	[tilespmem:s0+$0x20] =	vst v23;
	v23 =	vor.u32 v3, v12  }
0xc1: {  	v27 =	vor.u32 v3, v13;
	v28 =	vld.idx.msk [tilespmem:v28+s17+$0x0], $0xffff;
	[tilespmem:s3+$0x50] =	vst v21  }
0xc2: {  	v16 =	vld.idx.msk [tilespmem:v16+s17+$0x0], $0xffff;
	v21 =	vor.u32 v3, v14;
	[tilespmem:s8+$0x10] =	vst v25  }
0xc3: {  	[tilespmem:s30+$0xFFFFFFE0] =	vst v26;
	v24 =	vld.idx.msk [tilespmem:v24+s17+$0x0], $0xffff  }
0xc4: {  	v19 =	vld.idx.msk [tilespmem:v19+s17+$0x0], $0xffff;
	[tilespmem:s6+$0x70] =	vst v22;
	v22 =	vor.u32 v3, v15  }
0xc5: {  	v10 =	vor.u32 v7, v10;
	[tilespmem:s14+$0x20] =	vst v17;
	v23 =	vld.idx.msk [tilespmem:v23+s17+$0x0], $0xffff  }
0xc6: {  	[tilespmem:s10+$0x40] =	vst v28;
	v25 =	vld.idx.msk [tilespmem:v27+s17+$0x0], $0xffff;
	v27 =	vor.u32 v5, v9  }
0xc7: {  	v26 =	vor.u32 v4, v13;
	[tilespmem:s28+$0x40] =	vst v16;
	v16 =	vld.idx.msk [tilespmem:v21+s17+$0x0], $0xffff  }
0xc8: {  	v17 =	vld.idx.msk [tilespmem:v20+s17+$0x0], $0xffff;
	v20 =	vor.u32 v4, v14;
	[tilespmem:s8+$0x20] =	vst v24  }
0xc9: {  	v21 =	vor.u32 v4, v12;
	[tilespmem:s3+$0x60] =	vst v19;
	v22 =	vld.idx.msk [tilespmem:v22+s17+$0x0], $0xffff  }
0xca: {  	v10 =	vld.idx.msk [tilespmem:v10+s17+$0x0], $0xffff;
	[tilespmem:s30+$0xFFFFFFF0] =	vst v23  }
0xcb: {  	v19 =	vor.u32 v5, v11;
	[tilespmem:s0+$0x30] =	vst v25;
	v23 =	vld.idx.msk [tilespmem:v27+s17+$0x0], $0xffff  }
0xcc: {  	[tilespmem:s14+$0x30] =	vst v16;
	v25 =	vor.u32 v6, v9;
	v24 =	vld.idx.msk [tilespmem:v26+s17+$0x0], $0xffff  }
0xcd: {  	[tilespmem:s20+$0x20] =	vst v17;
	v16 =	vor.u32 v5, v13;
	v17 =	vld.idx.msk [tilespmem:v20+s17+$0x0], $0xffff  }
0xce: {  	v20 =	vld.idx.msk [tilespmem:v21+s17+$0x0], $0xffff;
	v21 =	vor.u32 v5, v14;
	[tilespmem:s8+$0x30] =	vst v22  }
0xcf: {  	[tilespmem:s3+$0x70] =	vst v10;
	v22 =	vor.u32 v5, v12;
	v18 =	vld.idx.msk [tilespmem:v18+s17+$0x0], $0xffff  }
0xd0: {  	v19 =	vld.idx.msk [tilespmem:v19+s17+$0x0], $0xffff;
	[tilespmem:s10+$0x50] =	vst v23;
	v23 =	vor.u32 v5, v15  }
0xd1: {  	v10 =	vor.u32 v6, v11;
	[tilespmem:s0+$0x40] =	vst v24;
	v24 =	vld.idx.msk [tilespmem:v25+s17+$0x0], $0xffff  }
0xd2: {  	v9 =	vor.u32 v7, v9;
	[tilespmem:s14+$0x40] =	vst v17;
	v16 =	vld.idx.msk [tilespmem:v16+s17+$0x0], $0xffff  }
0xd3: {  	v17 =	vor.u32 v6, v13;
	[tilespmem:s30+$0x0] =	vst v20;
	v20 =	vld.idx.msk [tilespmem:v21+s17+$0x0], $0xffff  }
0xd4: {  	v21 =	vld.idx.msk [tilespmem:v22+s17+$0x0], $0xffff;
	[tilespmem:s8+$0x40] =	vst v18;
	v18 =	vor.u32 v6, v14  }
0xd5: {  	[tilespmem:s28+$0x50] =	vst v19;
	v19 =	vor.u32 v6, v12;
	v22 =	vld.idx.msk [tilespmem:v23+s17+$0x0], $0xffff  }
0xd6: {  	v10 =	vld.idx.msk [tilespmem:v10+s17+$0x0], $0xffff;
	[tilespmem:s10+$0x60] =	vst v24;
	v23 =	vor.u32 v6, v15  }
0xd7: {  	v8 =	vor.u32 v7, v8;
	v9 =	vld.idx.msk [tilespmem:v9+s17+$0x0], $0xffff;
	[tilespmem:s0+$0x50] =	vst v16  }
0xd8: {  	v11 =	vor.u32 v7, v11;
	[tilespmem:s14+$0x50] =	vst v20;
	v16 =	vld.idx.msk [tilespmem:v17+s17+$0x0], $0xffff  }
0xd9: {  	v13 =	vor.u32 v7, v13;
	[tilespmem:s30+$0x10] =	vst v21;
	v17 =	vld.idx.msk [tilespmem:v18+s17+$0x0], $0xffff  }
0xda: {  	v14 =	vor.u32 v7, v14;
	v18 =	vld.idx.msk [tilespmem:v19+s17+$0x0], $0xffff;
	[tilespmem:s8+$0x50] =	vst v22  }
0xdb: {  	[tilespmem:s28+$0x60] =	vst v10;
	v10 =	vor.u32 v7, v12;
	v12 =	vld.idx.msk [tilespmem:v23+s17+$0x0], $0xffff  }
0xdc: {  	v8 =	vld.idx.msk [tilespmem:v8+s17+$0x0], $0xffff;
	[tilespmem:s10+$0x70] =	vst v9;
	v9 =	vor.u32 v7, v15  }
0xdd: {  	v11 =	vld.idx.msk [tilespmem:v11+s17+$0x0], $0xffff;
	[tilespmem:s0+$0x60] =	vst v16  }
0xde: {  	s10 =	smulhi.u32 $0x51EB851F, s18;
	v13 =	vld.idx.msk [tilespmem:v13+s17+$0x0], $0xffff;
	[tilespmem:s14+$0x60] =	vst v17  }
0xdf: {  	[tilespmem:s30+$0x20] =	vst v18;
	v14 =	vld.idx.msk [tilespmem:v14+s17+$0x0], $0xffff  }
0xe0: {  	s3 =	sshrl.u32 s10, $0x4;
	v10 =	vld.idx.msk [tilespmem:v10+s17+$0x0], $0xffff;
	[tilespmem:s8+$0x60] =	vst v12  }
0xe1: {  	[tilespmem:s20+$0x30] =	vst v8;
	s12 =	smul.u32 $0x32, s3;
	s3 =	sadd.s32 s11, s3;
	v8 =	vld.idx.msk [tilespmem:v9+s17+$0x0], $0xffff  }
0xe2: {  	[tilespmem:s28+$0x70] =	vst v11;
	s20 =	sshll.u32 s3, $0x7;
	s3 =	sadd.s32 @!p0 $0x5, s18  }
0xe3: {  	s13 =	ssub.s32 s18, s12;
	s6 =	smulhi.u32 @!p0 $0x51EB851F, s3;
	[tilespmem:s0+$0x70] =	vst v13  }
0xe4: {  	s1 =	simm.s32 $0x8200;
	s0 =	sshll.u32 s13, $0x11;
	[tilespmem:s14+$0x70] =	vst v14  }
0xe5: {  	s9 =	simm.s32 @!p0 $0x200;
	s6 =	sshrl.u32 @!p0 s6, $0x4;
	s0 =	sadd.s32 s2, s0;
	[tilespmem:s30+$0x30] =	vst v10  }
0xe6: {  	s15 =	simm.s32 $0x1;
	s10 =	smul.u32 @!p0 $0x32, s6;
	s0 =	sadd.s32 s20, s0;
	[tilespmem:s8+$0x70] =	vst v8  }
0xe7: {  	[hbm4b:s0+s25] =	stream.strided.scatter [tilespmem:s1], [sflag:$0x9], $0x2000, s26, s25, $0x38;
	[tilespmem:$0x10200] =	vst v63  }
0xe8: {  	s22 =	simm.s32 $0x6;
	s3 =	ssub.s32 @!p0 s3, s10;
	s0 =	simm.s32 @!p0 $0x1  }
0xe9: {  	s6 =	sshll.u32 @!p0 s6, $0x7;
	s3 =	sshll.u32 @!p0 s3, $0xE;
	_ =	swait.ge @!p0 [sflag:s0], $0x80  }
0xea: {  	s14 =	simm.s32 $0x0;
	s3 =	sor.u32 @!p0 s7, s3;
	[sflag:s0] =	ssyncset.done @!p0 $0x0  }
0xeb: {  	s8 =	simm.s32 @!p0 $0x0;
	[sflag:s0] =	ssyncadd.s32 @!p0 $0xFFFFFF80;
	s0 =	simm.s32 @!p0 $0x80  }
0xec: {  	v8 =	vmov s14;
	[tilespmem:s9], [sflag:$0x5] =	stream.indirect.gather @!p0 [hbm4b:s5+s0], $0x40, s8, s0, $0xb8;
	[tilespmem:$0x10200] =	vst v63  }
0xed: {  	v9 =	vmov s15;
	s3 =	sadd.s32 @!p0 s6, s3;
	v8 =	vand.u32 $0x3C, v8;
	_ =	swait.ge [sflag:s22], $0x2000  }
0xee: {  	s3 =	sshrl.u32 @!p0 s3, $0x3;
	v15 =	vbroadcast v8, $0x0;
	v8 =	vand.u32 $0x3D, v9;
	[sflag:s22] =	ssyncset.done $0x0  }
0xef: {  	s3 =	sadd.s32 @!p0 s4, s3;
	v17 =	vbroadcast v8, $0x0;
	[sflag:s22] =	ssyncadd.s32 $0xFFFFE000  }
0xf0: {  	v8 =	vor.u32 v0, v15;
	[tilespmem:s0], [sflag:$0x2] =	stream.linear.gather @!p0 [hbm4b:s3+s8], $0x80, $0x38;
	[tilespmem:$0x10200] =	vst v63  }
0xf1: {  	v9 =	vor.u32 v0, v17;
	s0 =	simm.s32 @!p1 $0xA  }
0xf2: {  	_ =	swait.ge @!p1 [sflag:s0], $0x2000  }
0xf3: {  	[sflag:s0] =	ssyncset.done @!p1 $0x0  }
0xf4: {  	[sflag:s0] =	ssyncadd.s32 @!p1 $0xFFFFE000  }
0xf5: {  	v8 =	vld.idx.msk [tilespmem:v8+s19+$0x0], $0xffff  }
0xf6: {  	s24 =	simm.s32 $0x2;
	v10 =	vor.u32 v1, v15;
	v9 =	vld.idx.msk [tilespmem:v9+s19+$0x0], $0xffff  }
0xf7: {  	s29 =	simm.s32 $0x0;
	v11 =	vmov s24;
	v12 =	vor.u32 v1, v17  }
0xf8: {  	s31 =	simm.s32 $0x80;
	v11 =	vand.u32 $0x3E, v11;
	s0 =	sand.u32 $0x1C00, s29  }
0xf9: {  	v16 =	vbroadcast v11, $0x0;
	s10 =	simm.s32 $0xA240;
	s3 =	sand.u32 $0x280, s31;
	s0 =	sor.u32 $0xA200, s0  }
0xfa: {  	s1 =	simm.s32 $0x3;
	s13 =	sadd.s32 s3, s0;
	[tilespmem:s10+$0xFFFFFFC0] =	vst v8  }
0xfb: {  	v8 =	vor.u32 v0, v16;
	[tilespmem:s13+$0x0] =	vst v9;
	v9 =	vld.idx.msk [tilespmem:v10+s19+$0x0], $0xffff;
	v10 =	vmov s1  }
0xfc: {  	v11 =	vld.idx.msk [tilespmem:v12+s19+$0x0], $0xffff;
	v12 =	vor.u32 v2, v15;
	v10 =	vand.u32 $0x3F, v10  }
0xfd: {  	v13 =	vor.u32 v2, v17;
	v18 =	vbroadcast v10, $0x0;
	_ =	sdelay $0x1  }
0xfe: {  	s6 =	simm.s32 $0x4;
	v14 =	vor.u32 v0, v18  }
0xff: {  	v19 =	vld.idx.msk [tilespmem:v8+s19+$0x0], $0xffff;
	v8 =	vmov s6;
	[tilespmem:s10+$0xFFFFFFD0] =	vst v9  }
0x100: {  	v20 =	vor.u32 v1, v16;
	s8 =	simm.s32 $0x5;
	[tilespmem:s13+$0x10] =	vst v11;
	v8 =	vand.u32 $0x3C, v8;
	v11 =	vld.idx.msk [tilespmem:v12+s19+$0x0], $0xffff  }
0x101: {  	s12 =	simm.s32 $0x6;
	s9 =	simm.s32 $0x100;
	v9 =	vmov s8;
	v12 =	vld.idx.msk [tilespmem:v13+s19+$0x0], $0xffff;
	v8 =	vbroadcast v8, $0x0;
	v13 =	vor.u32 v3, v15  }
0x102: {  	v22 =	vmov s12;
	v21 =	vor.u32 v3, v17;
	s6 =	sand.u32 $0x300, s9;
	v9 =	vand.u32 $0x3D, v9  }
0x103: {  	s28 =	sadd.s32 s6, s0;
	v10 =	vbroadcast v9, $0x0;
	v9 =	vand.u32 $0x3E, v22;
	v22 =	vor.u32 v0, v8;
	v14 =	vld.idx.msk [tilespmem:v14+s19+$0x0], $0xffff  }
0x104: {  	v9 =	vbroadcast v9, $0x0;
	[tilespmem:s28+$0x0] =	vst v19;
	v19 =	vor.u32 v1, v18  }
0x105: {  	s14 =	simm.s32 $0x180;
	v23 =	vor.u32 v0, v10;
	v20 =	vld.idx.msk [tilespmem:v20+s19+$0x0], $0xffff;
	[tilespmem:s10+$0xFFFFFFE0] =	vst v11  }
0x106: {  	s3 =	sand.u32 $0x380, s14;
	[tilespmem:s13+$0x20] =	vst v12;
	v11 =	vor.u32 v0, v9;
	v12 =	vld.idx.msk [tilespmem:v13+s19+$0x0], $0xffff  }
0x107: {  	s6 =	sadd.s32 s3, s0;
	v13 =	vld.idx.msk [tilespmem:v21+s19+$0x0], $0xffff;
	v21 =	vor.u32 v4, v15  }
0x108: {  	v24 =	vor.u32 v4, v17;
	v22 =	vld.idx.msk [tilespmem:v22+s19+$0x0], $0xffff;
	[tilespmem:s6+$0x0] =	vst v14  }
0x109: {  	v14 =	vor.u32 v2, v16;
	v19 =	vld.idx.msk [tilespmem:v19+s19+$0x0], $0xffff  }
0x10a: {  	v25 =	vor.u32 v2, v18;
	v23 =	vld.idx.msk [tilespmem:v23+s19+$0x0], $0xffff;
	[tilespmem:s28+$0x10] =	vst v20  }
0x10b: {  	s15 =	simm.s32 $0x200;
	v26 =	vor.u32 v1, v8;
	v11 =	vld.idx.msk [tilespmem:v11+s19+$0x0], $0xffff;
	[tilespmem:s10+$0xFFFFFFF0] =	vst v12  }
0x10c: {  	s22 =	simm.s32 $0x280;
	s9 =	simm.s32 $0xA440;
	s0 =	sand.u32 $0x1C00, s15;
	v12 =	vor.u32 v1, v10;
	[tilespmem:s13+$0x30] =	vst v13;
	v13 =	vld.idx.msk [tilespmem:v21+s19+$0x0], $0xffff  }
0x10d: {  	s24 =	simm.s32 $0x300;
	s3 =	sand.u32 $0x280, s22;
	s0 =	sor.u32 $0xA200, s0;
	v20 =	vld.idx.msk [tilespmem:v24+s19+$0x0], $0xffff;
	v24 =	vor.u32 v1, v9;
	[tilespmem:s9+$0xFFFFFFC0] =	vst v22  }
0x10e: {  	s8 =	sand.u32 $0x300, s24;
	s3 =	sadd.s32 s3, s0;
	v21 =	vor.u32 v5, v15;
	v14 =	vld.idx.msk [tilespmem:v14+s19+$0x0], $0xffff;
	[tilespmem:s6+$0x10] =	vst v19  }
0x10f: {  	s12 =	sadd.s32 s8, s0;
	[tilespmem:s3+$0x0] =	vst v23;
	v19 =	vor.u32 v3, v16;
	v22 =	vld.idx.msk [tilespmem:v25+s19+$0x0], $0xffff  }
0x110: {  	v23 =	vld.idx.msk [tilespmem:v26+s19+$0x0], $0xffff;
	v25 =	vor.u32 v3, v18;
	[tilespmem:s12+$0x0] =	vst v11  }
0x111: {  	s29 =	simm.s32 $0x7;
	v12 =	vld.idx.msk [tilespmem:v12+s19+$0x0], $0xffff;
	[tilespmem:s10+$0x0] =	vst v13;
	v13 =	vor.u32 v5, v17  }
0x112: {  	v27 =	vor.u32 v2, v10;
	v26 =	vmov s29;
	v24 =	vld.idx.msk [tilespmem:v24+s19+$0x0], $0xffff  }
0x113: {  	v11 =	vand.u32 $0x3F, v26;
	v21 =	vld.idx.msk [tilespmem:v21+s19+$0x0], $0xffff;
	[tilespmem:s28+$0x20] =	vst v14;
	v14 =	vor.u32 v2, v8  }
0x114: {  	v11 =	vbroadcast v11, $0x0;
	v19 =	vld.idx.msk [tilespmem:v19+s19+$0x0], $0xffff;
	[tilespmem:s6+$0x20] =	vst v22;
	v22 =	vor.u32 v6, v15  }
0x115: {  	v28 =	vor.u32 v4, v16;
	[tilespmem:s13+$0x40] =	vst v20;
	v20 =	vld.idx.msk [tilespmem:v25+s19+$0x0], $0xffff  }
0x116: {  	s31 =	simm.s32 $0x8;
	v25 =	vor.u32 v0, v11;
	[tilespmem:s3+$0x10] =	vst v12;
	v26 =	vld.idx.msk [tilespmem:v13+s19+$0x0], $0xffff  }
0x117: {  	s1 =	simm.s32 $0x9;
	v29 =	vor.u32 v4, v18;
	[tilespmem:s9+$0xFFFFFFD0] =	vst v23;
	v12 =	vmov s31;
	v23 =	vld.idx.msk [tilespmem:v27+s19+$0x0], $0xffff  }
0x118: {  	v12 =	vand.u32 $0x3C, v12;
	v13 =	vmov s1;
	v27 =	vor.u32 v3, v10;
	[tilespmem:s10+$0x10] =	vst v21;
	v21 =	vld.idx.msk [tilespmem:v14+s19+$0x0], $0xffff  }
0x119: {  	v30 =	vor.u32 v6, v17;
	s14 =	simm.s32 $0xA;
	v12 =	vbroadcast v12, $0x0;
	v13 =	vand.u32 $0x3D, v13;
	[tilespmem:s28+$0x30] =	vst v19;
	v22 =	vld.idx.msk [tilespmem:v22+s19+$0x0], $0xffff  }
0x11a: {  	v14 =	vmov s14;
	v13 =	vbroadcast v13, $0x0;
	v19 =	vor.u32 v3, v8;
	v28 =	vld.idx.msk [tilespmem:v28+s19+$0x0], $0xffff  }
0x11b: {  	v14 =	vand.u32 $0x3E, v14;
	v25 =	vld.idx.msk [tilespmem:v25+s19+$0x0], $0xffff;
	[tilespmem:s6+$0x30] =	vst v20;
	v20 =	vor.u32 v0, v12  }
0x11c: {  	v14 =	vbroadcast v14, $0x0;
	v31 =	vor.u32 v0, v13;
	[tilespmem:s3+$0x20] =	vst v23;
	v23 =	vld.idx.msk [tilespmem:v29+s19+$0x0], $0xffff  }
0x11d: {  	v29 =	vor.u32 v1, v11;
	[tilespmem:s13+$0x50] =	vst v26;
	v27 =	vld.idx.msk [tilespmem:v27+s19+$0x0], $0xffff  }
0x11e: {  	s15 =	simm.s32 $0x380;
	v26 =	vor.u32 v0, v14;
	[tilespmem:s9+$0xFFFFFFE0] =	vst v21;
	v21 =	vld.idx.msk [tilespmem:v30+s19+$0x0], $0xffff  }
0x11f: {  	s8 =	sand.u32 $0x380, s15;
	[tilespmem:s12+$0x10] =	vst v24;
	v24 =	vor.u32 v4, v10;
	v19 =	vld.idx.msk [tilespmem:v19+s19+$0x0], $0xffff  }
0x120: {  	s30 =	sadd.s32 s8, s0;
	v17 =	vor.u32 v7, v17;
	[tilespmem:s28+$0x40] =	vst v28;
	v20 =	vld.idx.msk [tilespmem:v20+s19+$0x0], $0xffff  }
0x121: {  	v28 =	vor.u32 v5, v16;
	[tilespmem:s30+$0x0] =	vst v25;
	v25 =	vld.idx.msk [tilespmem:v31+s19+$0x0], $0xffff  }
0x122: {  	v30 =	vor.u32 v5, v18;
	v29 =	vld.idx.msk [tilespmem:v29+s19+$0x0], $0xffff;
	[tilespmem:s6+$0x40] =	vst v23  }
0x123: {  	v23 =	vld.idx.msk [tilespmem:v26+s19+$0x0], $0xffff;
	v26 =	vor.u32 v4, v8;
	[tilespmem:s3+$0x30] =	vst v27  }
0x124: {  	s22 =	simm.s32 $0x400;
	v27 =	vor.u32 v1, v12;
	[tilespmem:s13+$0x60] =	vst v21;
	v24 =	vld.idx.msk [tilespmem:v24+s19+$0x0], $0xffff  }
0x125: {  	s24 =	sand.u32 $0x1C00, s22;
	s0 =	simm.s32 $0xA640;
	s29 =	simm.s32 $0x480;
	v21 =	vor.u32 v2, v9;
	[tilespmem:s9+$0xFFFFFFF0] =	vst v19;
	v17 =	vld.idx.msk [tilespmem:v17+s19+$0x0], $0xffff  }
0x126: {  	s8 =	sor.u32 $0xA200, s24;
	s14 =	sand.u32 $0x280, s29;
	v19 =	vor.u32 v1, v13;
	[tilespmem:s0+$0xFFFFFFC0] =	vst v20;
	v20 =	vld.idx.msk [tilespmem:v28+s19+$0x0], $0xffff  }
0x127: {  	v15 =	vor.u32 v7, v15;
	s14 =	sadd.s32 s14, s8;
	[tilespmem:s10+$0x20] =	vst v22;
	v28 =	vld.idx.msk [tilespmem:v30+s19+$0x0], $0xffff  }
0x128: {  	[tilespmem:s14+$0x0] =	vst v25;
	v25 =	vor.u32 v2, v11;
	v26 =	vld.idx.msk [tilespmem:v26+s19+$0x0], $0xffff  }
0x129: {  	v22 =	vor.u32 v6, v16;
	[tilespmem:s30+$0x10] =	vst v29;
	v30 =	vld.idx.msk [tilespmem:v27+s19+$0x0], $0xffff  }
0x12a: {  	v27 =	vor.u32 v5, v8;
	v21 =	vld.idx.msk [tilespmem:v21+s19+$0x0], $0xffff;
	[tilespmem:s3+$0x40] =	vst v24  }
0x12b: {  	v32 =	vor.u32 v5, v10;
	v29 =	vld.idx.msk [tilespmem:v19+s19+$0x0], $0xffff;
	[tilespmem:s13+$0x70] =	vst v17  }
0x12c: {  	s31 =	simm.s32 $0x500;
	v24 =	vor.u32 v1, v14;
	v19 =	vld.idx.msk [tilespmem:v15+s19+$0x0], $0xffff;
	[tilespmem:s28+$0x50] =	vst v20  }
0x12d: {  	v17 =	vor.u32 v3, v9;
	s13 =	sand.u32 $0x300, s31;
	v25 =	vld.idx.msk [tilespmem:v25+s19+$0x0], $0xffff;
	[tilespmem:s6+$0x50] =	vst v28  }
0x12e: {  	s13 =	sadd.s32 s13, s8;
	v20 =	vor.u32 v6, v18;
	v22 =	vld.idx.msk [tilespmem:v22+s19+$0x0], $0xffff;
	[tilespmem:s9+$0x0] =	vst v26  }
0x12f: {  	s15 =	simm.s32 $0xB;
	[tilespmem:s13+$0x0] =	vst v23;
	v26 =	vor.u32 v3, v11;
	v23 =	vld.idx.msk [tilespmem:v27+s19+$0x0], $0xffff  }
0x130: {  	v15 =	vmov s15;
	v28 =	vor.u32 v7, v16;
	[tilespmem:s12+$0x20] =	vst v21;
	v21 =	vld.idx.msk [tilespmem:v32+s19+$0x0], $0xffff  }
0x131: {  	v33 =	vor.u32 v2, v13;
	v15 =	vand.u32 $0x3F, v15;
	[tilespmem:s0+$0xFFFFFFD0] =	vst v30;
	v31 =	vld.idx.msk [tilespmem:v24+s19+$0x0], $0xffff  }
0x132: {  	v15 =	vbroadcast v15, $0x0;
	[tilespmem:s14+$0x10] =	vst v29;
	v27 =	vld.idx.msk [tilespmem:v17+s19+$0x0], $0xffff  }
0x133: {  	v16 =	vor.u32 v4, v11;
	v29 =	vor.u32 v2, v12;
	[tilespmem:s30+$0x20] =	vst v25;
	v25 =	vld.idx.msk [tilespmem:v20+s19+$0x0], $0xffff  }
0x134: {  	v30 =	vor.u32 v0, v15;
	v20 =	vor.u32 v6, v8;
	v26 =	vld.idx.msk [tilespmem:v26+s19+$0x0], $0xffff;
	[tilespmem:s28+$0x60] =	vst v22  }
0x135: {  	v17 =	vor.u32 v2, v14;
	v22 =	vor.u32 v7, v18;
	v24 =	vld.idx.msk [tilespmem:v28+s19+$0x0], $0xffff;
	[tilespmem:s9+$0x10] =	vst v23  }
0x136: {  	s22 =	simm.s32 $0x580;
	s24 =	simm.s32 $0xC;
	s15 =	sor.u32 $0x1, s18;
	v18 =	vor.u32 v4, v15;
	v23 =	vld.idx.msk [tilespmem:v33+s19+$0x0], $0xffff;
	v28 =	vor.u32 v4, v9;
	[tilespmem:s13+$0x10] =	vst v31  }
.LBB2_8:
0x137: {  	s31 =	sadd.s32 $0x1, s24  }
0x138: {  	v31 =	vmov s24;
	p2 =	slt.u32 s24, $0x3C;
	v29 =	vld.idx.msk [tilespmem:v29+s19+$0x0], $0xffff;
	v32 =	vor.u32 v6, v10;
	[tilespmem:s12+$0x30] =	vst v27;
	s29 =	smov.u32 s24;
	s24 =	sadd.s32 $0x4, s24  }
0x139: {  	v33 =	vor.u32 v3, v13;
	v27 =	vand.u32 $0x3C, v31;
	v31 =	vmov s31;
	s31 =	sadd.s32 $0x2, s29;
	v20 =	vld.idx.msk [tilespmem:v20+s19+$0x0], $0xffff;
	[tilespmem:s6+$0x60] =	vst v25  }
0x13a: {  	v25 =	vbroadcast v27, $0x0;
	v27 =	vand.u32 $0x3D, v31;
	v31 =	vmov s31;
	[tilespmem:s30+$0x30] =	vst v26;
	v22 =	vld.idx.msk [tilespmem:v22+s19+$0x0], $0xffff  }
0x13b: {  	v26 =	vbroadcast v27, $0x0;
	v27 =	vand.u32 $0x3E, v31;
	v31 =	vor.u32 v3, v12;
	v30 =	vld.idx.msk [tilespmem:v30+s19+$0x0], $0xffff;
	[tilespmem:s28+$0x70] =	vst v24;
	s28 =	smov.u32 s12;
	s12 =	smov.u32 s13  }
0x13c: {  	v24 =	vor.u32 v0, v25;
	v27 =	vbroadcast v27, $0x0;
	v28 =	vld.idx.msk [tilespmem:v28+s19+$0x0], $0xffff;
	[tilespmem:s10+$0x30] =	vst v19;
	s10 =	smov.u32 s9;
	s9 =	smov.u32 s0  }
0x13d: {  	v19 =	vor.u32 v0, v26;
	[tilespmem:s14+$0x20] =	vst v23;
	v23 =	vld.idx.msk [tilespmem:v16+s19+$0x0], $0xffff;
	v16 =	vmov v18  }
0x13e: {  	v34 =	vor.u32 v1, v15;
	v18 =	vor.u32 v0, v27;
	v33 =	vld.idx.msk [tilespmem:v33+s19+$0x0], $0xffff;
	[tilespmem:s3+$0x50] =	vst v21  }
0x13f: {  	s13 =	sand.u32 $0x380, s22;
	[tilespmem:s0+$0xFFFFFFE0] =	vst v29;
	v21 =	vld.idx.msk [tilespmem:v32+s19+$0x0], $0xffff  }
0x140: {  	v29 =	vld.idx.msk [tilespmem:v31+s19+$0x0], $0xffff;
	v31 =	vor.u32 v4, v13;
	[tilespmem:s6+$0x70] =	vst v22;
	s6 =	smov.u32 s30;
	s30 =	sadd.s32 s13, s8  }
0x141: {  	v22 =	vld.idx.msk [tilespmem:v24+s19+$0x0], $0xffff;
	[tilespmem:s30+$0x0] =	vst v30;
	v24 =	vor.u32 v7, v10;
	v10 =	vmov v13;
	v13 =	vmov v26  }
0x142: {  	v26 =	vor.u32 v5, v9;
	v19 =	vld.idx.msk [tilespmem:v19+s19+$0x0], $0xffff;
	[tilespmem:s28+$0x40] =	vst v28;
	v28 =	vor.u32 v5, v11  }
0x143: {  	s22 =	sadd.s32 $0x200, s22;
	v30 =	vor.u32 v1, v25;
	v32 =	vld.idx.msk [tilespmem:v34+s19+$0x0], $0xffff;
	[tilespmem:s6+$0x40] =	vst v23  }
0x144: {  	s8 =	sadd.s32 $0xFFFFFE80, s22;
	v23 =	vor.u32 v1, v13;
	v34 =	vor.u32 v4, v12;
	v18 =	vld.idx.msk [tilespmem:v18+s19+$0x0], $0xffff;
	[tilespmem:s14+$0x30] =	vst v33  }
0x145: {  	s0 =	sadd.s32 $0x200, s0;
	s13 =	sadd.s32 $0xFFFFFF00, s22;
	s8 =	sand.u32 $0x1C00, s8;
	v33 =	vor.u32 v1, v27;
	v31 =	vld.idx.msk [tilespmem:v31+s19+$0x0], $0xffff;
	[tilespmem:s3+$0x60] =	vst v21  }
0x146: {  	s31 =	sadd.s32 $0xFFFFFF80, s22;
	s13 =	sand.u32 $0x280, s13;
	s8 =	sor.u32 $0xA200, s8;
	[tilespmem:s9+$0xFFFFFFF0] =	vst v29;
	v21 =	vld.idx.msk [tilespmem:v24+s19+$0x0], $0xffff  }
0x147: {  	s1 =	sadd.s32 s13, s8;
	s13 =	sand.u32 $0x300, s31;
	[tilespmem:s0+$0xFFFFFFC0] =	vst v22;
	v22 =	vld.idx.msk [tilespmem:v26+s19+$0x0], $0xffff  }
0x148: {  	s13 =	sadd.s32 s13, s8;
	[tilespmem:s1+$0x0] =	vst v19;
	v19 =	vor.u32 v2, v15;
	v24 =	vld.idx.msk [tilespmem:v28+s19+$0x0], $0xffff  }
0x149: {  	v26 =	vld.idx.msk [tilespmem:v34+s19+$0x0], $0xffff;
	[tilespmem:s10+$0x20] =	vst v20;
	v20 =	vor.u32 v6, v9  }
0x14a: {  	v29 =	vor.u32 v7, v8;
	v8 =	vmov v12;
	v12 =	vmov v25;
	v28 =	vld.idx.msk [tilespmem:v30+s19+$0x0], $0xffff;
	[tilespmem:s30+$0x10] =	vst v32  }
0x14b: {  	v25 =	vor.u32 v5, v8;
	v32 =	vor.u32 v2, v13;
	[tilespmem:s14+$0x40] =	vst v31;
	v30 =	vld.idx.msk [tilespmem:v17+s19+$0x0], $0xffff  }
0x14c: {  	v17 =	vor.u32 v2, v27;
	v23 =	vld.idx.msk [tilespmem:v23+s19+$0x0], $0xffff;
	[tilespmem:s3+$0x70] =	vst v21;
	s3 =	smov.u32 s14;
	s14 =	smov.u32 s1  }
0x14d: {  	v34 =	vor.u32 v6, v11;
	v21 =	vor.u32 v3, v14;
	v31 =	vld.idx.msk [tilespmem:v19+s19+$0x0], $0xffff;
	[tilespmem:s28+$0x50] =	vst v22  }
0x14e: {  	v35 =	vld.idx.msk [tilespmem:v20+s19+$0x0], $0xffff;
	[tilespmem:s6+$0x50] =	vst v24  }
0x14f: {  	v24 =	vor.u32 v3, v15;
	[tilespmem:s9+$0x0] =	vst v26;
	v19 =	vld.idx.msk [tilespmem:v29+s19+$0x0], $0xffff  }
0x150: {  	[tilespmem:s13+$0x0] =	vst v18;
	v36 =	vld.idx.msk [tilespmem:v25+s19+$0x0], $0xffff;
	v18 =	vor.u32 v7, v9;
	v9 =	vmov v14;
	v14 =	vmov v27  }
0x151: {  	v37 =	vor.u32 v5, v10;
	s1 =	sadd.s32 $0x3, s29;
	v33 =	vld.idx.msk [tilespmem:v33+s19+$0x0], $0xffff;
	[tilespmem:s12+$0x20] =	vst v30  }
0x152: {  	v22 =	vor.u32 v7, v11;
	v11 =	vmov v15;
	v20 =	vmov s1;
	[tilespmem:s14+$0x10] =	vst v23;
	v27 =	vld.idx.msk [tilespmem:v21+s19+$0x0], $0xffff  }
.Ltmp5:
0x153: {  	v29 =	vor.u32 v2, v12;
	v15 =	vand.u32 $0x3F, v20;
	[tilespmem:s30+$0x20] =	vst v31;
	v25 =	vld.idx.msk [tilespmem:v34+s19+$0x0], $0xffff;
	(pc) =	sbr.rel @p2 .LBB2_8-.Ltmp5, $4  }
0x154: {  	v20 =	vor.u32 v6, v8;
	v15 =	vbroadcast v15, $0x0;
	v26 =	vld.idx.msk [tilespmem:v24+s19+$0x0], $0xffff;
	[tilespmem:s28+$0x60] =	vst v35  }
0x155: {  	[tilespmem:s0+$0xFFFFFFD0] =	vst v28;
	v24 =	vld.idx.msk [tilespmem:v18+s19+$0x0], $0xffff  }
0x156: {  	v30 =	vor.u32 v0, v15;
	v18 =	vor.u32 v4, v15;
	[tilespmem:s9+$0x10] =	vst v36;
	v21 =	vld.idx.msk [tilespmem:v37+s19+$0x0], $0xffff  }
0x157: {  	v28 =	vor.u32 v4, v9;
	v23 =	vld.idx.msk [tilespmem:v32+s19+$0x0], $0xffff;
	[tilespmem:s13+$0x10] =	vst v33  }
0x158: {  	_ =	sdelay $0x3  }
0x159: {  	v30 =	vld.idx.msk [tilespmem:v30+s19+$0x0], $0xffff  }
0x15a: {  	v31 =	vor.u32 v1, v15;
	_ =	sdelay $0x1  }
0x15b: {  	[tilespmem:s12+$0x30] =	vst v27;
	s1 =	sand.u32 $0x380, s22  }
0x15c: {  	[tilespmem:s6+$0x60] =	vst v25;
	s8 =	sadd.s32 s1, s8  }
0x15d: {  	[tilespmem:s8+$0x0] =	vst v30  }
0x15e: {  	[tilespmem:s30+$0x30] =	vst v26;
	v25 =	vld.idx.msk [tilespmem:v31+s19+$0x0], $0xffff  }
0x15f: {  	v26 =	vld.idx.msk [tilespmem:v29+s19+$0x0], $0xffff;
	[tilespmem:s28+$0x70] =	vst v24;
	v24 =	vor.u32 v2, v15  }
0x160: {  	[tilespmem:s10+$0x30] =	vst v19;
	v19 =	vor.u32 v6, v10;
	v22 =	vld.idx.msk [tilespmem:v22+s19+$0x0], $0xffff  }
0x161: {  	v17 =	vld.idx.msk [tilespmem:v17+s19+$0x0], $0xffff;
	[tilespmem:s14+$0x20] =	vst v23;
	v23 =	vor.u32 v3, v12  }
0x162: {  	v27 =	vor.u32 v3, v13;
	v28 =	vld.idx.msk [tilespmem:v28+s19+$0x0], $0xffff;
	[tilespmem:s3+$0x50] =	vst v21  }
0x163: {  	v16 =	vld.idx.msk [tilespmem:v16+s19+$0x0], $0xffff;
	v21 =	vor.u32 v3, v14;
	[tilespmem:s8+$0x10] =	vst v25  }
0x164: {  	[tilespmem:s0+$0xFFFFFFE0] =	vst v26;
	v24 =	vld.idx.msk [tilespmem:v24+s19+$0x0], $0xffff  }
0x165: {  	v19 =	vld.idx.msk [tilespmem:v19+s19+$0x0], $0xffff;
	[tilespmem:s6+$0x70] =	vst v22;
	v22 =	vor.u32 v3, v15  }
0x166: {  	v10 =	vor.u32 v7, v10;
	[tilespmem:s13+$0x20] =	vst v17;
	v23 =	vld.idx.msk [tilespmem:v23+s19+$0x0], $0xffff  }
0x167: {  	[tilespmem:s12+$0x40] =	vst v28;
	v25 =	vld.idx.msk [tilespmem:v27+s19+$0x0], $0xffff;
	v27 =	vor.u32 v5, v9  }
0x168: {  	v26 =	vor.u32 v4, v13;
	[tilespmem:s30+$0x40] =	vst v16;
	v16 =	vld.idx.msk [tilespmem:v21+s19+$0x0], $0xffff  }
0x169: {  	v17 =	vld.idx.msk [tilespmem:v20+s19+$0x0], $0xffff;
	v20 =	vor.u32 v4, v14;
	[tilespmem:s8+$0x20] =	vst v24  }
0x16a: {  	v21 =	vor.u32 v4, v12;
	[tilespmem:s3+$0x60] =	vst v19;
	v22 =	vld.idx.msk [tilespmem:v22+s19+$0x0], $0xffff  }
0x16b: {  	v10 =	vld.idx.msk [tilespmem:v10+s19+$0x0], $0xffff;
	[tilespmem:s0+$0xFFFFFFF0] =	vst v23  }
0x16c: {  	v19 =	vor.u32 v5, v11;
	[tilespmem:s14+$0x30] =	vst v25;
	v23 =	vld.idx.msk [tilespmem:v27+s19+$0x0], $0xffff  }
0x16d: {  	[tilespmem:s13+$0x30] =	vst v16;
	v25 =	vor.u32 v6, v9;
	v24 =	vld.idx.msk [tilespmem:v26+s19+$0x0], $0xffff  }
0x16e: {  	[tilespmem:s9+$0x20] =	vst v17;
	v16 =	vor.u32 v5, v13;
	v17 =	vld.idx.msk [tilespmem:v20+s19+$0x0], $0xffff  }
0x16f: {  	v20 =	vld.idx.msk [tilespmem:v21+s19+$0x0], $0xffff;
	v21 =	vor.u32 v5, v14;
	[tilespmem:s8+$0x30] =	vst v22  }
0x170: {  	[tilespmem:s3+$0x70] =	vst v10;
	v22 =	vor.u32 v5, v12;
	v18 =	vld.idx.msk [tilespmem:v18+s19+$0x0], $0xffff  }
0x171: {  	v19 =	vld.idx.msk [tilespmem:v19+s19+$0x0], $0xffff;
	[tilespmem:s12+$0x50] =	vst v23;
	v23 =	vor.u32 v5, v15  }
0x172: {  	v10 =	vor.u32 v6, v11;
	[tilespmem:s14+$0x40] =	vst v24;
	v24 =	vld.idx.msk [tilespmem:v25+s19+$0x0], $0xffff  }
0x173: {  	v9 =	vor.u32 v7, v9;
	[tilespmem:s13+$0x40] =	vst v17;
	v16 =	vld.idx.msk [tilespmem:v16+s19+$0x0], $0xffff  }
0x174: {  	v17 =	vor.u32 v6, v13;
	[tilespmem:s0+$0x0] =	vst v20;
	v20 =	vld.idx.msk [tilespmem:v21+s19+$0x0], $0xffff  }
0x175: {  	v21 =	vld.idx.msk [tilespmem:v22+s19+$0x0], $0xffff;
	[tilespmem:s8+$0x40] =	vst v18;
	v18 =	vor.u32 v6, v14  }
0x176: {  	[tilespmem:s30+$0x50] =	vst v19;
	v19 =	vor.u32 v6, v12;
	v22 =	vld.idx.msk [tilespmem:v23+s19+$0x0], $0xffff  }
0x177: {  	v10 =	vld.idx.msk [tilespmem:v10+s19+$0x0], $0xffff;
	[tilespmem:s12+$0x60] =	vst v24;
	v23 =	vor.u32 v6, v15  }
0x178: {  	v8 =	vor.u32 v7, v8;
	v9 =	vld.idx.msk [tilespmem:v9+s19+$0x0], $0xffff;
	[tilespmem:s14+$0x50] =	vst v16  }
0x179: {  	v11 =	vor.u32 v7, v11;
	[tilespmem:s13+$0x50] =	vst v20;
	v16 =	vld.idx.msk [tilespmem:v17+s19+$0x0], $0xffff  }
0x17a: {  	v13 =	vor.u32 v7, v13;
	[tilespmem:s0+$0x10] =	vst v21;
	v17 =	vld.idx.msk [tilespmem:v18+s19+$0x0], $0xffff  }
0x17b: {  	v14 =	vor.u32 v7, v14;
	v18 =	vld.idx.msk [tilespmem:v19+s19+$0x0], $0xffff;
	[tilespmem:s8+$0x50] =	vst v22  }
0x17c: {  	[tilespmem:s30+$0x60] =	vst v10;
	v10 =	vor.u32 v7, v12;
	v12 =	vld.idx.msk [tilespmem:v23+s19+$0x0], $0xffff  }
0x17d: {  	v8 =	vld.idx.msk [tilespmem:v8+s19+$0x0], $0xffff;
	[tilespmem:s12+$0x70] =	vst v9;
	v9 =	vor.u32 v7, v15  }
0x17e: {  	v11 =	vld.idx.msk [tilespmem:v11+s19+$0x0], $0xffff;
	[tilespmem:s14+$0x60] =	vst v16  }
0x17f: {  	v13 =	vld.idx.msk [tilespmem:v13+s19+$0x0], $0xffff;
	[tilespmem:s13+$0x60] =	vst v17  }
0x180: {  	s6 =	smulhi.u32 $0x51EB851F, s15;
	[tilespmem:s0+$0x20] =	vst v18;
	v14 =	vld.idx.msk [tilespmem:v14+s19+$0x0], $0xffff  }
0x181: {  	v10 =	vld.idx.msk [tilespmem:v10+s19+$0x0], $0xffff;
	[tilespmem:s8+$0x60] =	vst v12  }
0x182: {  	s1 =	sshrl.u32 s6, $0x4;
	[tilespmem:s9+$0x30] =	vst v8;
	v8 =	vld.idx.msk [tilespmem:v9+s19+$0x0], $0xffff  }
0x183: {  	s1 =	smul.u32 $0x32, s1;
	[tilespmem:s30+$0x70] =	vst v11  }
0x184: {  	[tilespmem:s14+$0x70] =	vst v13  }
0x185: {  	s1 =	ssub.s32 s15, s1;
	[tilespmem:s13+$0x70] =	vst v14  }
0x186: {  	s10 =	sadd.s32 s2, s20;
	s9 =	sshll.u32 s1, $0x11;
	[tilespmem:s0+$0x30] =	vst v10  }
0x187: {  	s12 =	simm.s32 $0xA200;
	s0 =	sadd.s32 s9, s10;
	[tilespmem:s8+$0x70] =	vst v8  }
0x188: {  	[hbm4b:s0+s25] =	stream.strided.scatter [tilespmem:s12], [sflag:$0xA], $0x2000, s26, s25, $0x38;
	[tilespmem:$0x10200] =	vst v63  }
0x189: {  	s1 =	sadd.s32 @!p0 $0x6, s18;
	s0 =	simm.s32 @!p0 $0x2  }
0x18a: {  	s3 =	smulhi.u32 @!p0 $0x51EB851F, s1;
	_ =	swait.ge @!p0 [sflag:s0], $0x80  }
0x18b: {  	[sflag:s0] =	ssyncset.done @!p0 $0x0  }
0x18c: {  	[sflag:s0] =	ssyncadd.s32 @!p0 $0xFFFFFF80;
	s0 =	sshrl.u32 @!p0 s3, $0x4  }
0x18d: {  	s6 =	simm.s32 @!p0 $0x2200;
	s3 =	simm.s32 @!p0 $0x80;
	s8 =	smul.u32 @!p0 $0x32, s0  }
0x18e: {  	[tilespmem:s6], [sflag:$0x6] =	stream.indirect.gather @!p0 [hbm4b:s5+s3], $0x40, s3, s3, $0xb8;
	[tilespmem:$0x10200] =	vst v63  }
0x18f: {  	s1 =	ssub.s32 @!p0 s1, s8  }
0x190: {  	s15 =	simm.s32 $0x1;
	s14 =	simm.s32 $0x0;
	s1 =	sshll.u32 @!p0 s1, $0xE  }
0x191: {  	s13 =	simm.s32 $0x7;
	v8 =	vmov s14;
	s0 =	sshll.u32 @!p0 s0, $0x7;
	s1 =	sor.u32 @!p0 s7, s1  }
0x192: {  	v9 =	vmov s15;
	v8 =	vand.u32 $0x3C, v8;
	_ =	swait.ge [sflag:s13], $0x2000;
	s0 =	sadd.s32 @!p0 s0, s1  }
0x193: {  	v15 =	vbroadcast v8, $0x0;
	v8 =	vand.u32 $0x3D, v9;
	s3 =	simm.s32 @!p0 $0x100;
	[sflag:s13] =	ssyncset.done $0x0;
	s0 =	sshrl.u32 @!p0 s0, $0x3  }
0x194: {  	v17 =	vbroadcast v8, $0x0;
	[sflag:s13] =	ssyncadd.s32 $0xFFFFE000;
	s1 =	simm.s32 @!p0 $0x0;
	s0 =	sadd.s32 @!p0 s4, s0  }
0x195: {  	v8 =	vor.u32 v0, v15;
	[tilespmem:s3], [sflag:$0x3] =	stream.linear.gather @!p0 [hbm4b:s0+s1], $0x80, $0x38;
	[tilespmem:$0x10200] =	vst v63  }
0x196: {  	v9 =	vor.u32 v0, v17;
	s0 =	simm.s32 @!p1 $0xB  }
0x197: {  	_ =	swait.ge @!p1 [sflag:s0], $0x2000  }
0x198: {  	[sflag:s0] =	ssyncset.done @!p1 $0x0  }
0x199: {  	[sflag:s0] =	ssyncadd.s32 @!p1 $0xFFFFE000  }
0x19a: {  	v8 =	vld.idx.msk [tilespmem:v8+s21+$0x0], $0xffff  }
0x19b: {  	s20 =	simm.s32 $0x2;
	v10 =	vor.u32 v1, v15;
	v9 =	vld.idx.msk [tilespmem:v9+s21+$0x0], $0xffff  }
0x19c: {  	s22 =	simm.s32 $0x0;
	v11 =	vmov s20;
	v12 =	vor.u32 v1, v17  }
0x19d: {  	s24 =	simm.s32 $0x80;
	v11 =	vand.u32 $0x3E, v11;
	s0 =	sand.u32 $0x1C00, s22  }
0x19e: {  	v16 =	vbroadcast v11, $0x0;
	s9 =	simm.s32 $0xC240;
	s1 =	sand.u32 $0x280, s24;
	s0 =	sor.u32 $0xC200, s0  }
0x19f: {  	s29 =	simm.s32 $0x3;
	s13 =	sadd.s32 s1, s0;
	[tilespmem:s9+$0xFFFFFFC0] =	vst v8  }
0x1a0: {  	v8 =	vor.u32 v0, v16;
	[tilespmem:s13+$0x0] =	vst v9;
	v9 =	vld.idx.msk [tilespmem:v10+s21+$0x0], $0xffff;
	v10 =	vmov s29  }
0x1a1: {  	v11 =	vld.idx.msk [tilespmem:v12+s21+$0x0], $0xffff;
	v12 =	vor.u32 v2, v15;
	v10 =	vand.u32 $0x3F, v10  }
0x1a2: {  	v13 =	vor.u32 v2, v17;
	v18 =	vbroadcast v10, $0x0;
	_ =	sdelay $0x1  }
0x1a3: {  	s31 =	simm.s32 $0x4;
	v14 =	vor.u32 v0, v18  }
0x1a4: {  	v19 =	vld.idx.msk [tilespmem:v8+s21+$0x0], $0xffff;
	v8 =	vmov s31;
	[tilespmem:s9+$0xFFFFFFD0] =	vst v9  }
0x1a5: {  	v20 =	vor.u32 v1, v16;
	s3 =	simm.s32 $0x5;
	[tilespmem:s13+$0x10] =	vst v11;
	v8 =	vand.u32 $0x3C, v8;
	v11 =	vld.idx.msk [tilespmem:v12+s21+$0x0], $0xffff  }
0x1a6: {  	s6 =	simm.s32 $0x100;
	s8 =	simm.s32 $0x6;
	v9 =	vmov s3;
	v12 =	vld.idx.msk [tilespmem:v13+s21+$0x0], $0xffff;
	v8 =	vbroadcast v8, $0x0;
	v13 =	vor.u32 v3, v15  }
0x1a7: {  	v21 =	vor.u32 v3, v17;
	v22 =	vmov s8;
	s3 =	sand.u32 $0x300, s6;
	v9 =	vand.u32 $0x3D, v9  }
0x1a8: {  	s12 =	sadd.s32 s3, s0;
	v10 =	vbroadcast v9, $0x0;
	v9 =	vand.u32 $0x3E, v22;
	v22 =	vor.u32 v0, v8;
	v14 =	vld.idx.msk [tilespmem:v14+s21+$0x0], $0xffff  }
0x1a9: {  	v9 =	vbroadcast v9, $0x0;
	[tilespmem:s12+$0x0] =	vst v19;
	v19 =	vor.u32 v1, v18  }
0x1aa: {  	s10 =	simm.s32 $0x180;
	v23 =	vor.u32 v0, v10;
	v20 =	vld.idx.msk [tilespmem:v20+s21+$0x0], $0xffff;
	[tilespmem:s9+$0xFFFFFFE0] =	vst v11  }
0x1ab: {  	s1 =	sand.u32 $0x380, s10;
	[tilespmem:s13+$0x20] =	vst v12;
	v11 =	vor.u32 v0, v9;
	v12 =	vld.idx.msk [tilespmem:v13+s21+$0x0], $0xffff  }
0x1ac: {  	s6 =	sadd.s32 s1, s0;
	v13 =	vld.idx.msk [tilespmem:v21+s21+$0x0], $0xffff;
	v21 =	vor.u32 v4, v15  }
0x1ad: {  	v24 =	vor.u32 v4, v17;
	v22 =	vld.idx.msk [tilespmem:v22+s21+$0x0], $0xffff;
	[tilespmem:s6+$0x0] =	vst v14  }
0x1ae: {  	v14 =	vor.u32 v2, v16;
	v19 =	vld.idx.msk [tilespmem:v19+s21+$0x0], $0xffff  }
0x1af: {  	v25 =	vor.u32 v2, v18;
	v23 =	vld.idx.msk [tilespmem:v23+s21+$0x0], $0xffff;
	[tilespmem:s12+$0x10] =	vst v20  }
0x1b0: {  	s14 =	simm.s32 $0x200;
	v26 =	vor.u32 v1, v8;
	v11 =	vld.idx.msk [tilespmem:v11+s21+$0x0], $0xffff;
	[tilespmem:s9+$0xFFFFFFF0] =	vst v12  }
0x1b1: {  	s20 =	simm.s32 $0xC440;
	s15 =	simm.s32 $0x280;
	s0 =	sand.u32 $0x1C00, s14;
	v12 =	vor.u32 v1, v10;
	[tilespmem:s13+$0x30] =	vst v13;
	v13 =	vld.idx.msk [tilespmem:v21+s21+$0x0], $0xffff  }
0x1b2: {  	s22 =	simm.s32 $0x300;
	s1 =	sand.u32 $0x280, s15;
	s0 =	sor.u32 $0xC200, s0;
	v20 =	vld.idx.msk [tilespmem:v24+s21+$0x0], $0xffff;
	v24 =	vor.u32 v1, v9;
	[tilespmem:s20+$0xFFFFFFC0] =	vst v22  }
0x1b3: {  	s24 =	sand.u32 $0x300, s22;
	s3 =	sadd.s32 s1, s0;
	v21 =	vor.u32 v5, v15;
	v14 =	vld.idx.msk [tilespmem:v14+s21+$0x0], $0xffff;
	[tilespmem:s6+$0x10] =	vst v19  }
0x1b4: {  	s10 =	sadd.s32 s24, s0;
	[tilespmem:s3+$0x0] =	vst v23;
	v19 =	vor.u32 v3, v16;
	v22 =	vld.idx.msk [tilespmem:v25+s21+$0x0], $0xffff  }
0x1b5: {  	v23 =	vld.idx.msk [tilespmem:v26+s21+$0x0], $0xffff;
	v25 =	vor.u32 v3, v18;
	[tilespmem:s10+$0x0] =	vst v11  }
0x1b6: {  	s29 =	simm.s32 $0x7;
	v12 =	vld.idx.msk [tilespmem:v12+s21+$0x0], $0xffff;
	[tilespmem:s9+$0x0] =	vst v13;
	v13 =	vor.u32 v5, v17  }
0x1b7: {  	v27 =	vor.u32 v2, v10;
	v26 =	vmov s29;
	v24 =	vld.idx.msk [tilespmem:v24+s21+$0x0], $0xffff  }
0x1b8: {  	v11 =	vand.u32 $0x3F, v26;
	v21 =	vld.idx.msk [tilespmem:v21+s21+$0x0], $0xffff;
	[tilespmem:s12+$0x20] =	vst v14;
	v14 =	vor.u32 v2, v8  }
0x1b9: {  	v11 =	vbroadcast v11, $0x0;
	v19 =	vld.idx.msk [tilespmem:v19+s21+$0x0], $0xffff;
	[tilespmem:s6+$0x20] =	vst v22;
	v22 =	vor.u32 v6, v15  }
0x1ba: {  	v28 =	vor.u32 v4, v16;
	[tilespmem:s13+$0x40] =	vst v20;
	v20 =	vld.idx.msk [tilespmem:v25+s21+$0x0], $0xffff  }
0x1bb: {  	s31 =	simm.s32 $0x8;
	v25 =	vor.u32 v0, v11;
	[tilespmem:s3+$0x10] =	vst v12;
	v26 =	vld.idx.msk [tilespmem:v13+s21+$0x0], $0xffff  }
0x1bc: {  	s8 =	simm.s32 $0x9;
	v29 =	vor.u32 v4, v18;
	[tilespmem:s20+$0xFFFFFFD0] =	vst v23;
	v12 =	vmov s31;
	v23 =	vld.idx.msk [tilespmem:v27+s21+$0x0], $0xffff  }
0x1bd: {  	v12 =	vand.u32 $0x3C, v12;
	v13 =	vmov s8;
	v27 =	vor.u32 v3, v10;
	[tilespmem:s9+$0x10] =	vst v21;
	v21 =	vld.idx.msk [tilespmem:v14+s21+$0x0], $0xffff  }
0x1be: {  	v30 =	vor.u32 v6, v17;
	s14 =	simm.s32 $0xA;
	v12 =	vbroadcast v12, $0x0;
	v13 =	vand.u32 $0x3D, v13;
	[tilespmem:s12+$0x30] =	vst v19;
	v22 =	vld.idx.msk [tilespmem:v22+s21+$0x0], $0xffff  }
0x1bf: {  	v14 =	vmov s14;
	v13 =	vbroadcast v13, $0x0;
	v19 =	vor.u32 v3, v8;
	v28 =	vld.idx.msk [tilespmem:v28+s21+$0x0], $0xffff  }
0x1c0: {  	v14 =	vand.u32 $0x3E, v14;
	v25 =	vld.idx.msk [tilespmem:v25+s21+$0x0], $0xffff;
	[tilespmem:s6+$0x30] =	vst v20;
	v20 =	vor.u32 v0, v12  }
0x1c1: {  	v14 =	vbroadcast v14, $0x0;
	v31 =	vor.u32 v0, v13;
	[tilespmem:s3+$0x20] =	vst v23;
	v23 =	vld.idx.msk [tilespmem:v29+s21+$0x0], $0xffff  }
0x1c2: {  	v29 =	vor.u32 v1, v11;
	[tilespmem:s13+$0x50] =	vst v26;
	v27 =	vld.idx.msk [tilespmem:v27+s21+$0x0], $0xffff  }
0x1c3: {  	s15 =	simm.s32 $0x380;
	v26 =	vor.u32 v0, v14;
	[tilespmem:s20+$0xFFFFFFE0] =	vst v21;
	v21 =	vld.idx.msk [tilespmem:v30+s21+$0x0], $0xffff  }
0x1c4: {  	s1 =	sand.u32 $0x380, s15;
	[tilespmem:s10+$0x10] =	vst v24;
	v24 =	vor.u32 v4, v10;
	v19 =	vld.idx.msk [tilespmem:v19+s21+$0x0], $0xffff  }
0x1c5: {  	s28 =	sadd.s32 s1, s0;
	v17 =	vor.u32 v7, v17;
	[tilespmem:s12+$0x40] =	vst v28;
	v20 =	vld.idx.msk [tilespmem:v20+s21+$0x0], $0xffff  }
0x1c6: {  	v28 =	vor.u32 v5, v16;
	[tilespmem:s28+$0x0] =	vst v25;
	v25 =	vld.idx.msk [tilespmem:v31+s21+$0x0], $0xffff  }
0x1c7: {  	v30 =	vor.u32 v5, v18;
	v29 =	vld.idx.msk [tilespmem:v29+s21+$0x0], $0xffff;
	[tilespmem:s6+$0x40] =	vst v23  }
0x1c8: {  	v23 =	vld.idx.msk [tilespmem:v26+s21+$0x0], $0xffff;
	v26 =	vor.u32 v4, v8;
	[tilespmem:s3+$0x30] =	vst v27  }
0x1c9: {  	s22 =	simm.s32 $0x400;
	v27 =	vor.u32 v1, v12;
	[tilespmem:s13+$0x60] =	vst v21;
	v24 =	vld.idx.msk [tilespmem:v24+s21+$0x0], $0xffff  }
0x1ca: {  	s30 =	simm.s32 $0xC640;
	s24 =	simm.s32 $0x480;
	s0 =	sand.u32 $0x1C00, s22;
	v21 =	vor.u32 v2, v9;
	[tilespmem:s20+$0xFFFFFFF0] =	vst v19;
	v17 =	vld.idx.msk [tilespmem:v17+s21+$0x0], $0xffff  }
0x1cb: {  	s1 =	sand.u32 $0x280, s24;
	s8 =	sor.u32 $0xC200, s0;
	v19 =	vor.u32 v1, v13;
	[tilespmem:s30+$0xFFFFFFC0] =	vst v20;
	v20 =	vld.idx.msk [tilespmem:v28+s21+$0x0], $0xffff  }
0x1cc: {  	s29 =	simm.s32 $0x500;
	v15 =	vor.u32 v7, v15;
	s0 =	sadd.s32 s1, s8;
	[tilespmem:s9+$0x20] =	vst v22;
	v28 =	vld.idx.msk [tilespmem:v30+s21+$0x0], $0xffff  }
0x1cd: {  	s1 =	sand.u32 $0x300, s29;
	[tilespmem:s0+$0x0] =	vst v25;
	v25 =	vor.u32 v2, v11;
	v26 =	vld.idx.msk [tilespmem:v26+s21+$0x0], $0xffff  }
0x1ce: {  	s15 =	sadd.s32 s1, s8;
	v22 =	vor.u32 v6, v16;
	[tilespmem:s28+$0x10] =	vst v29;
	v30 =	vld.idx.msk [tilespmem:v27+s21+$0x0], $0xffff  }
0x1cf: {  	[tilespmem:s15+$0x0] =	vst v23;
	v27 =	vor.u32 v5, v8;
	v21 =	vld.idx.msk [tilespmem:v21+s21+$0x0], $0xffff  }
0x1d0: {  	v32 =	vor.u32 v5, v10;
	[tilespmem:s3+$0x40] =	vst v24;
	v29 =	vld.idx.msk [tilespmem:v19+s21+$0x0], $0xffff  }
0x1d1: {  	v24 =	vor.u32 v1, v14;
	[tilespmem:s13+$0x70] =	vst v17;
	v19 =	vld.idx.msk [tilespmem:v15+s21+$0x0], $0xffff  }
0x1d2: {  	v17 =	vor.u32 v3, v9;
	v25 =	vld.idx.msk [tilespmem:v25+s21+$0x0], $0xffff;
	[tilespmem:s12+$0x50] =	vst v20  }
0x1d3: {  	v20 =	vor.u32 v6, v18;
	v22 =	vld.idx.msk [tilespmem:v22+s21+$0x0], $0xffff;
	[tilespmem:s20+$0x0] =	vst v26  }
0x1d4: {  	s31 =	simm.s32 $0xB;
	[tilespmem:s6+$0x50] =	vst v28;
	v26 =	vor.u32 v3, v11;
	v23 =	vld.idx.msk [tilespmem:v27+s21+$0x0], $0xffff  }
0x1d5: {  	v15 =	vmov s31;
	v28 =	vor.u32 v7, v16;
	[tilespmem:s10+$0x20] =	vst v21;
	v21 =	vld.idx.msk [tilespmem:v32+s21+$0x0], $0xffff  }
0x1d6: {  	v33 =	vor.u32 v2, v13;
	v15 =	vand.u32 $0x3F, v15;
	[tilespmem:s30+$0xFFFFFFD0] =	vst v30;
	v31 =	vld.idx.msk [tilespmem:v24+s21+$0x0], $0xffff  }
0x1d7: {  	v15 =	vbroadcast v15, $0x0;
	[tilespmem:s0+$0x10] =	vst v29;
	v27 =	vld.idx.msk [tilespmem:v17+s21+$0x0], $0xffff  }
0x1d8: {  	v16 =	vor.u32 v4, v11;
	v29 =	vor.u32 v2, v12;
	[tilespmem:s28+$0x20] =	vst v25;
	v25 =	vld.idx.msk [tilespmem:v20+s21+$0x0], $0xffff  }
0x1d9: {  	v30 =	vor.u32 v0, v15;
	v20 =	vor.u32 v6, v8;
	v26 =	vld.idx.msk [tilespmem:v26+s21+$0x0], $0xffff;
	[tilespmem:s12+$0x60] =	vst v22  }
0x1da: {  	v17 =	vor.u32 v2, v14;
	v22 =	vor.u32 v7, v18;
	v24 =	vld.idx.msk [tilespmem:v28+s21+$0x0], $0xffff;
	[tilespmem:s20+$0x10] =	vst v23  }
0x1db: {  	s22 =	simm.s32 $0xC;
	s14 =	sor.u32 $0x2, s18;
	s13 =	simm.s32 $0x580;
	v18 =	vor.u32 v4, v15;
	v23 =	vld.idx.msk [tilespmem:v33+s21+$0x0], $0xffff;
	v28 =	vor.u32 v4, v9;
	[tilespmem:s15+$0x10] =	vst v31  }
.LBB2_10:
0x1dc: {  	s1 =	sadd.s32 $0x1, s22  }
0x1dd: {  	v31 =	vmov s22;
	p2 =	slt.u32 s22, $0x3C;
	v29 =	vld.idx.msk [tilespmem:v29+s21+$0x0], $0xffff;
	v32 =	vor.u32 v6, v10;
	[tilespmem:s10+$0x30] =	vst v27;
	s24 =	smov.u32 s22;
	s22 =	sadd.s32 $0x4, s22  }
0x1de: {  	v33 =	vor.u32 v3, v13;
	v27 =	vand.u32 $0x3C, v31;
	v31 =	vmov s1;
	s1 =	sadd.s32 $0x2, s24;
	v20 =	vld.idx.msk [tilespmem:v20+s21+$0x0], $0xffff;
	[tilespmem:s6+$0x60] =	vst v25  }
0x1df: {  	v25 =	vbroadcast v27, $0x0;
	v27 =	vand.u32 $0x3D, v31;
	v31 =	vmov s1;
	[tilespmem:s28+$0x30] =	vst v26;
	v22 =	vld.idx.msk [tilespmem:v22+s21+$0x0], $0xffff  }
0x1e0: {  	v26 =	vbroadcast v27, $0x0;
	v27 =	vand.u32 $0x3E, v31;
	v31 =	vor.u32 v3, v12;
	v30 =	vld.idx.msk [tilespmem:v30+s21+$0x0], $0xffff;
	[tilespmem:s12+$0x70] =	vst v24;
	s12 =	smov.u32 s10;
	s10 =	smov.u32 s15  }
0x1e1: {  	v24 =	vor.u32 v0, v25;
	v27 =	vbroadcast v27, $0x0;
	v28 =	vld.idx.msk [tilespmem:v28+s21+$0x0], $0xffff;
	[tilespmem:s9+$0x30] =	vst v19;
	s9 =	smov.u32 s20;
	s20 =	smov.u32 s30  }
0x1e2: {  	v19 =	vor.u32 v0, v26;
	[tilespmem:s0+$0x20] =	vst v23;
	v23 =	vld.idx.msk [tilespmem:v16+s21+$0x0], $0xffff;
	v16 =	vmov v18  }
0x1e3: {  	v34 =	vor.u32 v1, v15;
	v18 =	vor.u32 v0, v27;
	v33 =	vld.idx.msk [tilespmem:v33+s21+$0x0], $0xffff;
	[tilespmem:s3+$0x50] =	vst v21  }
0x1e4: {  	s1 =	sand.u32 $0x380, s13;
	[tilespmem:s30+$0xFFFFFFE0] =	vst v29;
	v21 =	vld.idx.msk [tilespmem:v32+s21+$0x0], $0xffff  }
0x1e5: {  	v29 =	vld.idx.msk [tilespmem:v31+s21+$0x0], $0xffff;
	v31 =	vor.u32 v4, v13;
	[tilespmem:s6+$0x70] =	vst v22;
	s6 =	smov.u32 s28;
	s28 =	sadd.s32 s1, s8  }
0x1e6: {  	v22 =	vld.idx.msk [tilespmem:v24+s21+$0x0], $0xffff;
	[tilespmem:s28+$0x0] =	vst v30;
	v24 =	vor.u32 v7, v10;
	v10 =	vmov v13;
	v13 =	vmov v26  }
0x1e7: {  	v26 =	vor.u32 v5, v9;
	v19 =	vld.idx.msk [tilespmem:v19+s21+$0x0], $0xffff;
	[tilespmem:s12+$0x40] =	vst v28;
	v28 =	vor.u32 v5, v11  }
0x1e8: {  	s13 =	sadd.s32 $0x200, s13;
	v30 =	vor.u32 v1, v25;
	v32 =	vld.idx.msk [tilespmem:v34+s21+$0x0], $0xffff;
	[tilespmem:s6+$0x40] =	vst v23  }
0x1e9: {  	s1 =	sadd.s32 $0xFFFFFE80, s13;
	v23 =	vor.u32 v1, v13;
	v34 =	vor.u32 v4, v12;
	v18 =	vld.idx.msk [tilespmem:v18+s21+$0x0], $0xffff;
	[tilespmem:s0+$0x30] =	vst v33  }
0x1ea: {  	s30 =	sadd.s32 $0x200, s30;
	s8 =	sadd.s32 $0xFFFFFF00, s13;
	s1 =	sand.u32 $0x1C00, s1;
	v33 =	vor.u32 v1, v27;
	v31 =	vld.idx.msk [tilespmem:v31+s21+$0x0], $0xffff;
	[tilespmem:s3+$0x60] =	vst v21  }
0x1eb: {  	s15 =	sand.u32 $0x280, s8;
	s8 =	sor.u32 $0xC200, s1;
	s1 =	sadd.s32 $0xFFFFFF80, s13;
	[tilespmem:s20+$0xFFFFFFF0] =	vst v29;
	v21 =	vld.idx.msk [tilespmem:v24+s21+$0x0], $0xffff  }
0x1ec: {  	s29 =	sadd.s32 s15, s8;
	s1 =	sand.u32 $0x300, s1;
	[tilespmem:s30+$0xFFFFFFC0] =	vst v22;
	v22 =	vld.idx.msk [tilespmem:v26+s21+$0x0], $0xffff  }
0x1ed: {  	s15 =	sadd.s32 s1, s8;
	[tilespmem:s29+$0x0] =	vst v19;
	v19 =	vor.u32 v2, v15;
	v24 =	vld.idx.msk [tilespmem:v28+s21+$0x0], $0xffff  }
0x1ee: {  	v26 =	vld.idx.msk [tilespmem:v34+s21+$0x0], $0xffff;
	[tilespmem:s9+$0x20] =	vst v20;
	v20 =	vor.u32 v6, v9  }
0x1ef: {  	v29 =	vor.u32 v7, v8;
	v8 =	vmov v12;
	v12 =	vmov v25;
	v28 =	vld.idx.msk [tilespmem:v30+s21+$0x0], $0xffff;
	[tilespmem:s28+$0x10] =	vst v32  }
0x1f0: {  	v25 =	vor.u32 v5, v8;
	v32 =	vor.u32 v2, v13;
	[tilespmem:s0+$0x40] =	vst v31;
	v30 =	vld.idx.msk [tilespmem:v17+s21+$0x0], $0xffff  }
0x1f1: {  	v17 =	vor.u32 v2, v27;
	v23 =	vld.idx.msk [tilespmem:v23+s21+$0x0], $0xffff;
	[tilespmem:s3+$0x70] =	vst v21;
	s3 =	smov.u32 s0;
	s0 =	smov.u32 s29  }
0x1f2: {  	v34 =	vor.u32 v6, v11;
	v21 =	vor.u32 v3, v14;
	v31 =	vld.idx.msk [tilespmem:v19+s21+$0x0], $0xffff;
	[tilespmem:s12+$0x50] =	vst v22  }
0x1f3: {  	v35 =	vld.idx.msk [tilespmem:v20+s21+$0x0], $0xffff;
	[tilespmem:s6+$0x50] =	vst v24  }
0x1f4: {  	v24 =	vor.u32 v3, v15;
	[tilespmem:s20+$0x0] =	vst v26;
	v19 =	vld.idx.msk [tilespmem:v29+s21+$0x0], $0xffff  }
0x1f5: {  	[tilespmem:s15+$0x0] =	vst v18;
	v36 =	vld.idx.msk [tilespmem:v25+s21+$0x0], $0xffff;
	v18 =	vor.u32 v7, v9;
	v9 =	vmov v14;
	v14 =	vmov v27  }
0x1f6: {  	v37 =	vor.u32 v5, v10;
	s1 =	sadd.s32 $0x3, s24;
	v33 =	vld.idx.msk [tilespmem:v33+s21+$0x0], $0xffff;
	[tilespmem:s10+$0x20] =	vst v30  }
0x1f7: {  	v22 =	vor.u32 v7, v11;
	v11 =	vmov v15;
	v20 =	vmov s1;
	[tilespmem:s0+$0x10] =	vst v23;
	v27 =	vld.idx.msk [tilespmem:v21+s21+$0x0], $0xffff  }
.Ltmp6:
0x1f8: {  	v29 =	vor.u32 v2, v12;
	v15 =	vand.u32 $0x3F, v20;
	[tilespmem:s28+$0x20] =	vst v31;
	v25 =	vld.idx.msk [tilespmem:v34+s21+$0x0], $0xffff;
	(pc) =	sbr.rel @p2 .LBB2_10-.Ltmp6, $4  }
0x1f9: {  	v20 =	vor.u32 v6, v8;
	v15 =	vbroadcast v15, $0x0;
	v26 =	vld.idx.msk [tilespmem:v24+s21+$0x0], $0xffff;
	[tilespmem:s12+$0x60] =	vst v35  }
0x1fa: {  	[tilespmem:s30+$0xFFFFFFD0] =	vst v28;
	v24 =	vld.idx.msk [tilespmem:v18+s21+$0x0], $0xffff  }
0x1fb: {  	v30 =	vor.u32 v0, v15;
	v18 =	vor.u32 v4, v15;
	[tilespmem:s20+$0x10] =	vst v36;
	v21 =	vld.idx.msk [tilespmem:v37+s21+$0x0], $0xffff  }
0x1fc: {  	v28 =	vor.u32 v4, v9;
	v23 =	vld.idx.msk [tilespmem:v32+s21+$0x0], $0xffff;
	[tilespmem:s15+$0x10] =	vst v33  }
0x1fd: {  	_ =	sdelay $0x3  }
0x1fe: {  	v30 =	vld.idx.msk [tilespmem:v30+s21+$0x0], $0xffff  }
0x1ff: {  	v31 =	vor.u32 v1, v15;
	_ =	sdelay $0x1  }
0x200: {  	[tilespmem:s10+$0x30] =	vst v27;
	s1 =	sand.u32 $0x380, s13  }
0x201: {  	[tilespmem:s6+$0x60] =	vst v25;
	s8 =	sadd.s32 s1, s8  }
0x202: {  	[tilespmem:s8+$0x0] =	vst v30  }
0x203: {  	[tilespmem:s28+$0x30] =	vst v26;
	v25 =	vld.idx.msk [tilespmem:v31+s21+$0x0], $0xffff  }
0x204: {  	v26 =	vld.idx.msk [tilespmem:v29+s21+$0x0], $0xffff;
	[tilespmem:s12+$0x70] =	vst v24;
	v24 =	vor.u32 v2, v15  }
0x205: {  	[tilespmem:s9+$0x30] =	vst v19;
	v19 =	vor.u32 v6, v10;
	v22 =	vld.idx.msk [tilespmem:v22+s21+$0x0], $0xffff  }
0x206: {  	v17 =	vld.idx.msk [tilespmem:v17+s21+$0x0], $0xffff;
	[tilespmem:s0+$0x20] =	vst v23;
	v23 =	vor.u32 v3, v12  }
0x207: {  	v27 =	vor.u32 v3, v13;
	v28 =	vld.idx.msk [tilespmem:v28+s21+$0x0], $0xffff;
	[tilespmem:s3+$0x50] =	vst v21  }
0x208: {  	v16 =	vld.idx.msk [tilespmem:v16+s21+$0x0], $0xffff;
	v21 =	vor.u32 v3, v14;
	[tilespmem:s8+$0x10] =	vst v25  }
0x209: {  	[tilespmem:s30+$0xFFFFFFE0] =	vst v26;
	v24 =	vld.idx.msk [tilespmem:v24+s21+$0x0], $0xffff  }
0x20a: {  	v19 =	vld.idx.msk [tilespmem:v19+s21+$0x0], $0xffff;
	[tilespmem:s6+$0x70] =	vst v22;
	v22 =	vor.u32 v3, v15  }
0x20b: {  	v10 =	vor.u32 v7, v10;
	[tilespmem:s15+$0x20] =	vst v17;
	v23 =	vld.idx.msk [tilespmem:v23+s21+$0x0], $0xffff  }
0x20c: {  	[tilespmem:s10+$0x40] =	vst v28;
	v25 =	vld.idx.msk [tilespmem:v27+s21+$0x0], $0xffff;
	v27 =	vor.u32 v5, v9  }
0x20d: {  	v26 =	vor.u32 v4, v13;
	[tilespmem:s28+$0x40] =	vst v16;
	v16 =	vld.idx.msk [tilespmem:v21+s21+$0x0], $0xffff  }
0x20e: {  	v17 =	vld.idx.msk [tilespmem:v20+s21+$0x0], $0xffff;
	v20 =	vor.u32 v4, v14;
	[tilespmem:s8+$0x20] =	vst v24  }
0x20f: {  	v21 =	vor.u32 v4, v12;
	[tilespmem:s3+$0x60] =	vst v19;
	v22 =	vld.idx.msk [tilespmem:v22+s21+$0x0], $0xffff  }
0x210: {  	v10 =	vld.idx.msk [tilespmem:v10+s21+$0x0], $0xffff;
	[tilespmem:s30+$0xFFFFFFF0] =	vst v23  }
0x211: {  	v19 =	vor.u32 v5, v11;
	[tilespmem:s0+$0x30] =	vst v25;
	v23 =	vld.idx.msk [tilespmem:v27+s21+$0x0], $0xffff  }
0x212: {  	[tilespmem:s15+$0x30] =	vst v16;
	v25 =	vor.u32 v6, v9;
	v24 =	vld.idx.msk [tilespmem:v26+s21+$0x0], $0xffff  }
0x213: {  	[tilespmem:s20+$0x20] =	vst v17;
	v16 =	vor.u32 v5, v13;
	v17 =	vld.idx.msk [tilespmem:v20+s21+$0x0], $0xffff  }
0x214: {  	v20 =	vld.idx.msk [tilespmem:v21+s21+$0x0], $0xffff;
	v21 =	vor.u32 v5, v14;
	[tilespmem:s8+$0x30] =	vst v22  }
0x215: {  	[tilespmem:s3+$0x70] =	vst v10;
	v22 =	vor.u32 v5, v12;
	v18 =	vld.idx.msk [tilespmem:v18+s21+$0x0], $0xffff  }
0x216: {  	v19 =	vld.idx.msk [tilespmem:v19+s21+$0x0], $0xffff;
	[tilespmem:s10+$0x50] =	vst v23;
	v23 =	vor.u32 v5, v15  }
0x217: {  	v10 =	vor.u32 v6, v11;
	[tilespmem:s0+$0x40] =	vst v24;
	v24 =	vld.idx.msk [tilespmem:v25+s21+$0x0], $0xffff  }
0x218: {  	v9 =	vor.u32 v7, v9;
	[tilespmem:s15+$0x40] =	vst v17;
	v16 =	vld.idx.msk [tilespmem:v16+s21+$0x0], $0xffff  }
0x219: {  	v17 =	vor.u32 v6, v13;
	[tilespmem:s30+$0x0] =	vst v20;
	v20 =	vld.idx.msk [tilespmem:v21+s21+$0x0], $0xffff  }
0x21a: {  	v21 =	vld.idx.msk [tilespmem:v22+s21+$0x0], $0xffff;
	[tilespmem:s8+$0x40] =	vst v18;
	v18 =	vor.u32 v6, v14  }
0x21b: {  	[tilespmem:s28+$0x50] =	vst v19;
	v19 =	vor.u32 v6, v12;
	v22 =	vld.idx.msk [tilespmem:v23+s21+$0x0], $0xffff  }
0x21c: {  	v10 =	vld.idx.msk [tilespmem:v10+s21+$0x0], $0xffff;
	[tilespmem:s10+$0x60] =	vst v24;
	v23 =	vor.u32 v6, v15  }
0x21d: {  	v8 =	vor.u32 v7, v8;
	v9 =	vld.idx.msk [tilespmem:v9+s21+$0x0], $0xffff;
	[tilespmem:s0+$0x50] =	vst v16  }
0x21e: {  	v11 =	vor.u32 v7, v11;
	[tilespmem:s15+$0x50] =	vst v20;
	v16 =	vld.idx.msk [tilespmem:v17+s21+$0x0], $0xffff  }
0x21f: {  	v13 =	vor.u32 v7, v13;
	[tilespmem:s30+$0x10] =	vst v21;
	v17 =	vld.idx.msk [tilespmem:v18+s21+$0x0], $0xffff  }
0x220: {  	v14 =	vor.u32 v7, v14;
	v18 =	vld.idx.msk [tilespmem:v19+s21+$0x0], $0xffff;
	[tilespmem:s8+$0x50] =	vst v22  }
0x221: {  	[tilespmem:s28+$0x60] =	vst v10;
	v10 =	vor.u32 v7, v12;
	v12 =	vld.idx.msk [tilespmem:v23+s21+$0x0], $0xffff  }
0x222: {  	v8 =	vld.idx.msk [tilespmem:v8+s21+$0x0], $0xffff;
	[tilespmem:s10+$0x70] =	vst v9;
	v9 =	vor.u32 v7, v15  }
0x223: {  	s6 =	smulhi.u32 $0x51EB851F, s14;
	v11 =	vld.idx.msk [tilespmem:v11+s21+$0x0], $0xffff;
	[tilespmem:s0+$0x60] =	vst v16  }
0x224: {  	v13 =	vld.idx.msk [tilespmem:v13+s21+$0x0], $0xffff;
	[tilespmem:s15+$0x60] =	vst v17  }
0x225: {  	s1 =	sshrl.u32 s6, $0x4;
	[tilespmem:s30+$0x20] =	vst v18;
	v14 =	vld.idx.msk [tilespmem:v14+s21+$0x0], $0xffff  }
0x226: {  	s9 =	smul.u32 $0x32, s1;
	v10 =	vld.idx.msk [tilespmem:v10+s21+$0x0], $0xffff;
	[tilespmem:s8+$0x60] =	vst v12  }
0x227: {  	[tilespmem:s20+$0x30] =	vst v8;
	v8 =	vld.idx.msk [tilespmem:v9+s21+$0x0], $0xffff  }
0x228: {  	[tilespmem:s28+$0x70] =	vst v11;
	s10 =	ssub.s32 s14, s9  }
0x229: {  	s1 =	sadd.s32 s11, s1;
	[tilespmem:s0+$0x70] =	vst v13;
	s0 =	sshll.u32 s10, $0x11  }
0x22a: {  	s1 =	sshll.u32 s1, $0x7;
	s0 =	sadd.s32 s2, s0;
	[tilespmem:s15+$0x70] =	vst v14  }
0x22b: {  	s0 =	sadd.s32 s1, s0;
	s1 =	sadd.s32 @!p0 $0x7, s18;
	[tilespmem:s30+$0x30] =	vst v10  }
0x22c: {  	s12 =	simm.s32 $0xC200;
	s3 =	smulhi.u32 @!p0 $0x51EB851F, s1;
	[tilespmem:s8+$0x70] =	vst v8  }
0x22d: {  	[hbm4b:s0+s25] =	stream.strided.scatter [tilespmem:s12], [sflag:$0xB], $0x2000, s26, s25, $0x38;
	[tilespmem:$0x10200] =	vst v63  }
0x22e: {  	s0 =	simm.s32 @!p0 $0x3  }
0x22f: {  	s3 =	sshrl.u32 @!p0 s3, $0x4;
	_ =	swait.ge @!p0 [sflag:s0], $0x80  }
0x230: {  	s6 =	simm.s32 @!p0 $0x100;
	s9 =	smul.u32 @!p0 $0x32, s3;
	[sflag:s0] =	ssyncset.done @!p0 $0x0  }
0x231: {  	s8 =	simm.s32 @!p0 $0x4200;
	[sflag:s0] =	ssyncadd.s32 @!p0 $0xFFFFFF80;
	s0 =	simm.s32 @!p0 $0x80  }
0x232: {  	[tilespmem:s8], [sflag:$0x7] =	stream.indirect.gather @!p0 [hbm4b:s5+s0], $0x40, s6, s0, $0xb8;
	[tilespmem:$0x10200] =	vst v63  }
0x233: {  	s0 =	ssub.s32 @!p0 s1, s9  }
0x234: {  	s13 =	simm.s32 $0x8;
	s14 =	simm.s32 $0x0;
	s0 =	sshll.u32 @!p0 s0, $0xE  }
0x235: {  	s15 =	simm.s32 $0x1;
	s3 =	sshll.u32 @!p0 s3, $0x7;
	v8 =	vmov s14;
	s0 =	sor.u32 @!p0 s7, s0  }
0x236: {  	v9 =	vmov s15;
	v8 =	vand.u32 $0x3C, v8;
	_ =	swait.ge [sflag:s13], $0x2000;
	s0 =	sadd.s32 @!p0 s3, s0  }
0x237: {  	v15 =	vbroadcast v8, $0x0;
	v8 =	vand.u32 $0x3D, v9;
	s1 =	simm.s32 @!p0 $0x0;
	[sflag:s13] =	ssyncset.done $0x0;
	s0 =	sshrl.u32 @!p0 s0, $0x3  }
0x238: {  	v17 =	vbroadcast v8, $0x0;
	[sflag:s13] =	ssyncadd.s32 $0xFFFFE000;
	s3 =	simm.s32 @!p0 $0x180;
	s0 =	sadd.s32 @!p0 s4, s0  }
0x239: {  	v8 =	vor.u32 v0, v15;
	[tilespmem:s3], [sflag:$0x4] =	stream.linear.gather @!p0 [hbm4b:s0+s1], $0x80, $0x38;
	[tilespmem:$0x10200] =	vst v63  }
0x23a: {  	v9 =	vor.u32 v0, v17;
	s0 =	simm.s32 @!p1 $0xC  }
0x23b: {  	_ =	swait.ge @!p1 [sflag:s0], $0x2000  }
0x23c: {  	[sflag:s0] =	ssyncset.done @!p1 $0x0  }
0x23d: {  	[sflag:s0] =	ssyncadd.s32 @!p1 $0xFFFFE000  }
0x23e: {  	v8 =	vld.idx.msk [tilespmem:v8+s23+$0x0], $0xffff  }
0x23f: {  	s20 =	simm.s32 $0x2;
	v10 =	vor.u32 v1, v15;
	v9 =	vld.idx.msk [tilespmem:v9+s23+$0x0], $0xffff  }
0x240: {  	s22 =	simm.s32 $0x0;
	v11 =	vmov s20;
	v12 =	vor.u32 v1, v17  }
0x241: {  	s24 =	simm.s32 $0x80;
	v11 =	vand.u32 $0x3E, v11;
	s0 =	sand.u32 $0x1C00, s22  }
0x242: {  	v16 =	vbroadcast v11, $0x0;
	s9 =	simm.s32 $0xE240;
	s1 =	sand.u32 $0x280, s24;
	s0 =	sor.u32 $0xE200, s0  }
0x243: {  	s29 =	simm.s32 $0x3;
	s13 =	sadd.s32 s1, s0;
	[tilespmem:s9+$0xFFFFFFC0] =	vst v8  }
0x244: {  	v8 =	vor.u32 v0, v16;
	[tilespmem:s13+$0x0] =	vst v9;
	v9 =	vld.idx.msk [tilespmem:v10+s23+$0x0], $0xffff;
	v10 =	vmov s29  }
0x245: {  	v11 =	vld.idx.msk [tilespmem:v12+s23+$0x0], $0xffff;
	v12 =	vor.u32 v2, v15;
	v10 =	vand.u32 $0x3F, v10  }
0x246: {  	v13 =	vor.u32 v2, v17;
	v18 =	vbroadcast v10, $0x0;
	_ =	sdelay $0x1  }
0x247: {  	s31 =	simm.s32 $0x4;
	v14 =	vor.u32 v0, v18  }
0x248: {  	v19 =	vld.idx.msk [tilespmem:v8+s23+$0x0], $0xffff;
	v8 =	vmov s31;
	[tilespmem:s9+$0xFFFFFFD0] =	vst v9  }
0x249: {  	v20 =	vor.u32 v1, v16;
	s3 =	simm.s32 $0x5;
	[tilespmem:s13+$0x10] =	vst v11;
	v8 =	vand.u32 $0x3C, v8;
	v11 =	vld.idx.msk [tilespmem:v12+s23+$0x0], $0xffff  }
0x24a: {  	s6 =	simm.s32 $0x100;
	s8 =	simm.s32 $0x6;
	v9 =	vmov s3;
	v12 =	vld.idx.msk [tilespmem:v13+s23+$0x0], $0xffff;
	v8 =	vbroadcast v8, $0x0;
	v13 =	vor.u32 v3, v15  }
0x24b: {  	v21 =	vor.u32 v3, v17;
	v22 =	vmov s8;
	s3 =	sand.u32 $0x300, s6;
	v9 =	vand.u32 $0x3D, v9  }
0x24c: {  	s12 =	sadd.s32 s3, s0;
	v10 =	vbroadcast v9, $0x0;
	v9 =	vand.u32 $0x3E, v22;
	v22 =	vor.u32 v0, v8;
	v14 =	vld.idx.msk [tilespmem:v14+s23+$0x0], $0xffff  }
0x24d: {  	v9 =	vbroadcast v9, $0x0;
	[tilespmem:s12+$0x0] =	vst v19;
	v19 =	vor.u32 v1, v18  }
0x24e: {  	s10 =	simm.s32 $0x180;
	v23 =	vor.u32 v0, v10;
	v20 =	vld.idx.msk [tilespmem:v20+s23+$0x0], $0xffff;
	[tilespmem:s9+$0xFFFFFFE0] =	vst v11  }
0x24f: {  	s1 =	sand.u32 $0x380, s10;
	[tilespmem:s13+$0x20] =	vst v12;
	v11 =	vor.u32 v0, v9;
	v12 =	vld.idx.msk [tilespmem:v13+s23+$0x0], $0xffff  }
0x250: {  	s6 =	sadd.s32 s1, s0;
	v13 =	vld.idx.msk [tilespmem:v21+s23+$0x0], $0xffff;
	v21 =	vor.u32 v4, v15  }
0x251: {  	v24 =	vor.u32 v4, v17;
	v22 =	vld.idx.msk [tilespmem:v22+s23+$0x0], $0xffff;
	[tilespmem:s6+$0x0] =	vst v14  }
0x252: {  	v14 =	vor.u32 v2, v16;
	v19 =	vld.idx.msk [tilespmem:v19+s23+$0x0], $0xffff  }
0x253: {  	v25 =	vor.u32 v2, v18;
	v23 =	vld.idx.msk [tilespmem:v23+s23+$0x0], $0xffff;
	[tilespmem:s12+$0x10] =	vst v20  }
0x254: {  	s14 =	simm.s32 $0x200;
	v26 =	vor.u32 v1, v8;
	v11 =	vld.idx.msk [tilespmem:v11+s23+$0x0], $0xffff;
	[tilespmem:s9+$0xFFFFFFF0] =	vst v12  }
0x255: {  	s20 =	simm.s32 $0xE440;
	s15 =	simm.s32 $0x280;
	s0 =	sand.u32 $0x1C00, s14;
	v12 =	vor.u32 v1, v10;
	[tilespmem:s13+$0x30] =	vst v13;
	v13 =	vld.idx.msk [tilespmem:v21+s23+$0x0], $0xffff  }
0x256: {  	s22 =	simm.s32 $0x300;
	s1 =	sand.u32 $0x280, s15;
	s0 =	sor.u32 $0xE200, s0;
	v20 =	vld.idx.msk [tilespmem:v24+s23+$0x0], $0xffff;
	v24 =	vor.u32 v1, v9;
	[tilespmem:s20+$0xFFFFFFC0] =	vst v22  }
0x257: {  	s24 =	sand.u32 $0x300, s22;
	s3 =	sadd.s32 s1, s0;
	v21 =	vor.u32 v5, v15;
	v14 =	vld.idx.msk [tilespmem:v14+s23+$0x0], $0xffff;
	[tilespmem:s6+$0x10] =	vst v19  }
0x258: {  	s10 =	sadd.s32 s24, s0;
	[tilespmem:s3+$0x0] =	vst v23;
	v19 =	vor.u32 v3, v16;
	v22 =	vld.idx.msk [tilespmem:v25+s23+$0x0], $0xffff  }
0x259: {  	v23 =	vld.idx.msk [tilespmem:v26+s23+$0x0], $0xffff;
	v25 =	vor.u32 v3, v18;
	[tilespmem:s10+$0x0] =	vst v11  }
0x25a: {  	s29 =	simm.s32 $0x7;
	v12 =	vld.idx.msk [tilespmem:v12+s23+$0x0], $0xffff;
	[tilespmem:s9+$0x0] =	vst v13;
	v13 =	vor.u32 v5, v17  }
0x25b: {  	v27 =	vor.u32 v2, v10;
	v26 =	vmov s29;
	v24 =	vld.idx.msk [tilespmem:v24+s23+$0x0], $0xffff  }
0x25c: {  	v11 =	vand.u32 $0x3F, v26;
	v21 =	vld.idx.msk [tilespmem:v21+s23+$0x0], $0xffff;
	[tilespmem:s12+$0x20] =	vst v14;
	v14 =	vor.u32 v2, v8  }
0x25d: {  	v11 =	vbroadcast v11, $0x0;
	v19 =	vld.idx.msk [tilespmem:v19+s23+$0x0], $0xffff;
	[tilespmem:s6+$0x20] =	vst v22;
	v22 =	vor.u32 v6, v15  }
0x25e: {  	v28 =	vor.u32 v4, v16;
	[tilespmem:s13+$0x40] =	vst v20;
	v20 =	vld.idx.msk [tilespmem:v25+s23+$0x0], $0xffff  }
0x25f: {  	s31 =	simm.s32 $0x8;
	v25 =	vor.u32 v0, v11;
	[tilespmem:s3+$0x10] =	vst v12;
	v26 =	vld.idx.msk [tilespmem:v13+s23+$0x0], $0xffff  }
0x260: {  	s8 =	simm.s32 $0x9;
	v29 =	vor.u32 v4, v18;
	[tilespmem:s20+$0xFFFFFFD0] =	vst v23;
	v12 =	vmov s31;
	v23 =	vld.idx.msk [tilespmem:v27+s23+$0x0], $0xffff  }
0x261: {  	v12 =	vand.u32 $0x3C, v12;
	v13 =	vmov s8;
	v27 =	vor.u32 v3, v10;
	[tilespmem:s9+$0x10] =	vst v21;
	v21 =	vld.idx.msk [tilespmem:v14+s23+$0x0], $0xffff  }
0x262: {  	v30 =	vor.u32 v6, v17;
	s14 =	simm.s32 $0xA;
	v12 =	vbroadcast v12, $0x0;
	v13 =	vand.u32 $0x3D, v13;
	[tilespmem:s12+$0x30] =	vst v19;
	v22 =	vld.idx.msk [tilespmem:v22+s23+$0x0], $0xffff  }
0x263: {  	v14 =	vmov s14;
	v13 =	vbroadcast v13, $0x0;
	v19 =	vor.u32 v3, v8;
	v28 =	vld.idx.msk [tilespmem:v28+s23+$0x0], $0xffff  }
0x264: {  	v14 =	vand.u32 $0x3E, v14;
	v25 =	vld.idx.msk [tilespmem:v25+s23+$0x0], $0xffff;
	[tilespmem:s6+$0x30] =	vst v20;
	v20 =	vor.u32 v0, v12  }
0x265: {  	v14 =	vbroadcast v14, $0x0;
	v31 =	vor.u32 v0, v13;
	[tilespmem:s3+$0x20] =	vst v23;
	v23 =	vld.idx.msk [tilespmem:v29+s23+$0x0], $0xffff  }
0x266: {  	v29 =	vor.u32 v1, v11;
	[tilespmem:s13+$0x50] =	vst v26;
	v27 =	vld.idx.msk [tilespmem:v27+s23+$0x0], $0xffff  }
0x267: {  	s15 =	simm.s32 $0x380;
	v26 =	vor.u32 v0, v14;
	[tilespmem:s20+$0xFFFFFFE0] =	vst v21;
	v21 =	vld.idx.msk [tilespmem:v30+s23+$0x0], $0xffff  }
0x268: {  	s1 =	sand.u32 $0x380, s15;
	[tilespmem:s10+$0x10] =	vst v24;
	v24 =	vor.u32 v4, v10;
	v19 =	vld.idx.msk [tilespmem:v19+s23+$0x0], $0xffff  }
0x269: {  	s28 =	sadd.s32 s1, s0;
	v17 =	vor.u32 v7, v17;
	[tilespmem:s12+$0x40] =	vst v28;
	v20 =	vld.idx.msk [tilespmem:v20+s23+$0x0], $0xffff  }
0x26a: {  	v28 =	vor.u32 v5, v16;
	[tilespmem:s28+$0x0] =	vst v25;
	v25 =	vld.idx.msk [tilespmem:v31+s23+$0x0], $0xffff  }
0x26b: {  	v30 =	vor.u32 v5, v18;
	v29 =	vld.idx.msk [tilespmem:v29+s23+$0x0], $0xffff;
	[tilespmem:s6+$0x40] =	vst v23  }
0x26c: {  	v23 =	vld.idx.msk [tilespmem:v26+s23+$0x0], $0xffff;
	v26 =	vor.u32 v4, v8;
	[tilespmem:s3+$0x30] =	vst v27  }
0x26d: {  	s22 =	simm.s32 $0x400;
	v27 =	vor.u32 v1, v12;
	[tilespmem:s13+$0x60] =	vst v21;
	v24 =	vld.idx.msk [tilespmem:v24+s23+$0x0], $0xffff  }
0x26e: {  	s30 =	simm.s32 $0xE640;
	s24 =	simm.s32 $0x480;
	s0 =	sand.u32 $0x1C00, s22;
	v21 =	vor.u32 v2, v9;
	[tilespmem:s20+$0xFFFFFFF0] =	vst v19;
	v17 =	vld.idx.msk [tilespmem:v17+s23+$0x0], $0xffff  }
0x26f: {  	s1 =	sand.u32 $0x280, s24;
	s8 =	sor.u32 $0xE200, s0;
	v19 =	vor.u32 v1, v13;
	[tilespmem:s30+$0xFFFFFFC0] =	vst v20;
	v20 =	vld.idx.msk [tilespmem:v28+s23+$0x0], $0xffff  }
0x270: {  	s29 =	simm.s32 $0x500;
	v15 =	vor.u32 v7, v15;
	s0 =	sadd.s32 s1, s8;
	[tilespmem:s9+$0x20] =	vst v22;
	v28 =	vld.idx.msk [tilespmem:v30+s23+$0x0], $0xffff  }
0x271: {  	s1 =	sand.u32 $0x300, s29;
	[tilespmem:s0+$0x0] =	vst v25;
	v25 =	vor.u32 v2, v11;
	v26 =	vld.idx.msk [tilespmem:v26+s23+$0x0], $0xffff  }
0x272: {  	s15 =	sadd.s32 s1, s8;
	v22 =	vor.u32 v6, v16;
	[tilespmem:s28+$0x10] =	vst v29;
	v30 =	vld.idx.msk [tilespmem:v27+s23+$0x0], $0xffff  }
0x273: {  	[tilespmem:s15+$0x0] =	vst v23;
	v27 =	vor.u32 v5, v8;
	v21 =	vld.idx.msk [tilespmem:v21+s23+$0x0], $0xffff  }
0x274: {  	v32 =	vor.u32 v5, v10;
	[tilespmem:s3+$0x40] =	vst v24;
	v29 =	vld.idx.msk [tilespmem:v19+s23+$0x0], $0xffff  }
0x275: {  	v24 =	vor.u32 v1, v14;
	[tilespmem:s13+$0x70] =	vst v17;
	v19 =	vld.idx.msk [tilespmem:v15+s23+$0x0], $0xffff  }
0x276: {  	v17 =	vor.u32 v3, v9;
	v25 =	vld.idx.msk [tilespmem:v25+s23+$0x0], $0xffff;
	[tilespmem:s12+$0x50] =	vst v20  }
0x277: {  	v20 =	vor.u32 v6, v18;
	v22 =	vld.idx.msk [tilespmem:v22+s23+$0x0], $0xffff;
	[tilespmem:s20+$0x0] =	vst v26  }
0x278: {  	s31 =	simm.s32 $0xB;
	[tilespmem:s6+$0x50] =	vst v28;
	v26 =	vor.u32 v3, v11;
	v23 =	vld.idx.msk [tilespmem:v27+s23+$0x0], $0xffff  }
0x279: {  	v15 =	vmov s31;
	v28 =	vor.u32 v7, v16;
	[tilespmem:s10+$0x20] =	vst v21;
	v21 =	vld.idx.msk [tilespmem:v32+s23+$0x0], $0xffff  }
0x27a: {  	v33 =	vor.u32 v2, v13;
	v15 =	vand.u32 $0x3F, v15;
	[tilespmem:s30+$0xFFFFFFD0] =	vst v30;
	v31 =	vld.idx.msk [tilespmem:v24+s23+$0x0], $0xffff  }
0x27b: {  	v15 =	vbroadcast v15, $0x0;
	[tilespmem:s0+$0x10] =	vst v29;
	v27 =	vld.idx.msk [tilespmem:v17+s23+$0x0], $0xffff  }
0x27c: {  	v16 =	vor.u32 v4, v11;
	v29 =	vor.u32 v2, v12;
	[tilespmem:s28+$0x20] =	vst v25;
	v25 =	vld.idx.msk [tilespmem:v20+s23+$0x0], $0xffff  }
0x27d: {  	v30 =	vor.u32 v0, v15;
	v20 =	vor.u32 v6, v8;
	v26 =	vld.idx.msk [tilespmem:v26+s23+$0x0], $0xffff;
	[tilespmem:s12+$0x60] =	vst v22  }
0x27e: {  	v17 =	vor.u32 v2, v14;
	v22 =	vor.u32 v7, v18;
	v24 =	vld.idx.msk [tilespmem:v28+s23+$0x0], $0xffff;
	[tilespmem:s20+$0x10] =	vst v23  }
0x27f: {  	s14 =	sor.u32 $0x3, s18;
	s18 =	simm.s32 $0xC;
	s13 =	simm.s32 $0x580;
	v18 =	vor.u32 v4, v15;
	v23 =	vld.idx.msk [tilespmem:v33+s23+$0x0], $0xffff;
	v28 =	vor.u32 v4, v9;
	[tilespmem:s15+$0x10] =	vst v31  }
.LBB2_12:
0x280: {  	s1 =	sadd.s32 $0x1, s18  }
0x281: {  	v31 =	vmov s18;
	p1 =	slt.u32 s18, $0x3C;
	v29 =	vld.idx.msk [tilespmem:v29+s23+$0x0], $0xffff;
	v32 =	vor.u32 v6, v10;
	[tilespmem:s10+$0x30] =	vst v27;
	s22 =	smov.u32 s18;
	s18 =	sadd.s32 $0x4, s18  }
0x282: {  	v33 =	vor.u32 v3, v13;
	v27 =	vand.u32 $0x3C, v31;
	v31 =	vmov s1;
	s1 =	sadd.s32 $0x2, s22;
	v20 =	vld.idx.msk [tilespmem:v20+s23+$0x0], $0xffff;
	[tilespmem:s6+$0x60] =	vst v25  }
0x283: {  	v25 =	vbroadcast v27, $0x0;
	v27 =	vand.u32 $0x3D, v31;
	v31 =	vmov s1;
	[tilespmem:s28+$0x30] =	vst v26;
	v22 =	vld.idx.msk [tilespmem:v22+s23+$0x0], $0xffff  }
0x284: {  	v26 =	vbroadcast v27, $0x0;
	v27 =	vand.u32 $0x3E, v31;
	v31 =	vor.u32 v3, v12;
	v30 =	vld.idx.msk [tilespmem:v30+s23+$0x0], $0xffff;
	[tilespmem:s12+$0x70] =	vst v24;
	s12 =	smov.u32 s10;
	s10 =	smov.u32 s15  }
0x285: {  	v24 =	vor.u32 v0, v25;
	v27 =	vbroadcast v27, $0x0;
	v28 =	vld.idx.msk [tilespmem:v28+s23+$0x0], $0xffff;
	[tilespmem:s9+$0x30] =	vst v19;
	s9 =	smov.u32 s20;
	s20 =	smov.u32 s30  }
0x286: {  	v19 =	vor.u32 v0, v26;
	[tilespmem:s0+$0x20] =	vst v23;
	v23 =	vld.idx.msk [tilespmem:v16+s23+$0x0], $0xffff;
	v16 =	vmov v18  }
0x287: {  	v34 =	vor.u32 v1, v15;
	v18 =	vor.u32 v0, v27;
	v33 =	vld.idx.msk [tilespmem:v33+s23+$0x0], $0xffff;
	[tilespmem:s3+$0x50] =	vst v21  }
0x288: {  	s1 =	sand.u32 $0x380, s13;
	[tilespmem:s30+$0xFFFFFFE0] =	vst v29;
	v21 =	vld.idx.msk [tilespmem:v32+s23+$0x0], $0xffff  }
0x289: {  	v29 =	vld.idx.msk [tilespmem:v31+s23+$0x0], $0xffff;
	v31 =	vor.u32 v4, v13;
	[tilespmem:s6+$0x70] =	vst v22;
	s6 =	smov.u32 s28;
	s28 =	sadd.s32 s1, s8  }
0x28a: {  	v22 =	vld.idx.msk [tilespmem:v24+s23+$0x0], $0xffff;
	[tilespmem:s28+$0x0] =	vst v30;
	v24 =	vor.u32 v7, v10;
	v10 =	vmov v13;
	v13 =	vmov v26  }
0x28b: {  	v26 =	vor.u32 v5, v9;
	v19 =	vld.idx.msk [tilespmem:v19+s23+$0x0], $0xffff;
	[tilespmem:s12+$0x40] =	vst v28;
	v28 =	vor.u32 v5, v11  }
0x28c: {  	s13 =	sadd.s32 $0x200, s13;
	v30 =	vor.u32 v1, v25;
	v32 =	vld.idx.msk [tilespmem:v34+s23+$0x0], $0xffff;
	[tilespmem:s6+$0x40] =	vst v23  }
0x28d: {  	s1 =	sadd.s32 $0xFFFFFE80, s13;
	v23 =	vor.u32 v1, v13;
	v34 =	vor.u32 v4, v12;
	v18 =	vld.idx.msk [tilespmem:v18+s23+$0x0], $0xffff;
	[tilespmem:s0+$0x30] =	vst v33  }
0x28e: {  	s30 =	sadd.s32 $0x200, s30;
	s8 =	sadd.s32 $0xFFFFFF00, s13;
	s1 =	sand.u32 $0x1C00, s1;
	v33 =	vor.u32 v1, v27;
	v31 =	vld.idx.msk [tilespmem:v31+s23+$0x0], $0xffff;
	[tilespmem:s3+$0x60] =	vst v21  }
0x28f: {  	s15 =	sand.u32 $0x280, s8;
	s8 =	sor.u32 $0xE200, s1;
	s1 =	sadd.s32 $0xFFFFFF80, s13;
	[tilespmem:s20+$0xFFFFFFF0] =	vst v29;
	v21 =	vld.idx.msk [tilespmem:v24+s23+$0x0], $0xffff  }
0x290: {  	s24 =	sadd.s32 s15, s8;
	s1 =	sand.u32 $0x300, s1;
	[tilespmem:s30+$0xFFFFFFC0] =	vst v22;
	v22 =	vld.idx.msk [tilespmem:v26+s23+$0x0], $0xffff  }
0x291: {  	s15 =	sadd.s32 s1, s8;
	[tilespmem:s24+$0x0] =	vst v19;
	v19 =	vor.u32 v2, v15;
	v24 =	vld.idx.msk [tilespmem:v28+s23+$0x0], $0xffff  }
0x292: {  	v26 =	vld.idx.msk [tilespmem:v34+s23+$0x0], $0xffff;
	[tilespmem:s9+$0x20] =	vst v20;
	v20 =	vor.u32 v6, v9  }
0x293: {  	v29 =	vor.u32 v7, v8;
	v8 =	vmov v12;
	v12 =	vmov v25;
	v28 =	vld.idx.msk [tilespmem:v30+s23+$0x0], $0xffff;
	[tilespmem:s28+$0x10] =	vst v32  }
0x294: {  	v25 =	vor.u32 v5, v8;
	v32 =	vor.u32 v2, v13;
	[tilespmem:s0+$0x40] =	vst v31;
	v30 =	vld.idx.msk [tilespmem:v17+s23+$0x0], $0xffff  }
0x295: {  	v17 =	vor.u32 v2, v27;
	v23 =	vld.idx.msk [tilespmem:v23+s23+$0x0], $0xffff;
	[tilespmem:s3+$0x70] =	vst v21;
	s3 =	smov.u32 s0;
	s0 =	smov.u32 s24  }
0x296: {  	v34 =	vor.u32 v6, v11;
	v21 =	vor.u32 v3, v14;
	v31 =	vld.idx.msk [tilespmem:v19+s23+$0x0], $0xffff;
	[tilespmem:s12+$0x50] =	vst v22  }
0x297: {  	v35 =	vld.idx.msk [tilespmem:v20+s23+$0x0], $0xffff;
	[tilespmem:s6+$0x50] =	vst v24  }
0x298: {  	v24 =	vor.u32 v3, v15;
	[tilespmem:s20+$0x0] =	vst v26;
	v19 =	vld.idx.msk [tilespmem:v29+s23+$0x0], $0xffff  }
0x299: {  	[tilespmem:s15+$0x0] =	vst v18;
	v36 =	vld.idx.msk [tilespmem:v25+s23+$0x0], $0xffff;
	v18 =	vor.u32 v7, v9;
	v9 =	vmov v14;
	v14 =	vmov v27  }
0x29a: {  	v37 =	vor.u32 v5, v10;
	s1 =	sadd.s32 $0x3, s22;
	v33 =	vld.idx.msk [tilespmem:v33+s23+$0x0], $0xffff;
	[tilespmem:s10+$0x20] =	vst v30  }
0x29b: {  	v22 =	vor.u32 v7, v11;
	v11 =	vmov v15;
	v20 =	vmov s1;
	[tilespmem:s0+$0x10] =	vst v23;
	v27 =	vld.idx.msk [tilespmem:v21+s23+$0x0], $0xffff  }
.Ltmp7:
0x29c: {  	v29 =	vor.u32 v2, v12;
	v15 =	vand.u32 $0x3F, v20;
	[tilespmem:s28+$0x20] =	vst v31;
	v25 =	vld.idx.msk [tilespmem:v34+s23+$0x0], $0xffff;
	(pc) =	sbr.rel @p1 .LBB2_12-.Ltmp7, $4  }
0x29d: {  	v20 =	vor.u32 v6, v8;
	v15 =	vbroadcast v15, $0x0;
	v26 =	vld.idx.msk [tilespmem:v24+s23+$0x0], $0xffff;
	[tilespmem:s12+$0x60] =	vst v35  }
0x29e: {  	[tilespmem:s30+$0xFFFFFFD0] =	vst v28;
	v24 =	vld.idx.msk [tilespmem:v18+s23+$0x0], $0xffff  }
0x29f: {  	v30 =	vor.u32 v0, v15;
	v18 =	vor.u32 v4, v15;
	[tilespmem:s20+$0x10] =	vst v36;
	v21 =	vld.idx.msk [tilespmem:v37+s23+$0x0], $0xffff  }
0x2a0: {  	v28 =	vor.u32 v4, v9;
	v23 =	vld.idx.msk [tilespmem:v32+s23+$0x0], $0xffff;
	[tilespmem:s15+$0x10] =	vst v33  }
0x2a1: {  	_ =	sdelay $0x3  }
0x2a2: {  	v30 =	vld.idx.msk [tilespmem:v30+s23+$0x0], $0xffff  }
0x2a3: {  	v31 =	vor.u32 v1, v15;
	_ =	sdelay $0x1  }
0x2a4: {  	[tilespmem:s10+$0x30] =	vst v27;
	s1 =	sand.u32 $0x380, s13  }
0x2a5: {  	[tilespmem:s6+$0x60] =	vst v25;
	s8 =	sadd.s32 s1, s8  }
0x2a6: {  	[tilespmem:s8+$0x0] =	vst v30  }
0x2a7: {  	[tilespmem:s9+$0x30] =	vst v19;
	v54 =	vld.idx.msk [tilespmem:v31+s23+$0x0], $0xffff  }
0x2a8: {  	v55 =	vld.idx.msk [tilespmem:v29+s23+$0x0], $0xffff;
	v56 =	vor.u32 v2, v15;
	[tilespmem:s28+$0x30] =	vst v26  }
0x2a9: {  	v17 =	vld.idx.msk [tilespmem:v17+s23+$0x0], $0xffff;
	[tilespmem:s12+$0x70] =	vst v24  }
0x2aa: {  	v57 =	vor.u32 v3, v13;
	v33 =	vld.idx.msk [tilespmem:v20+s23+$0x0], $0xffff;
	[tilespmem:s3+$0x50] =	vst v21  }
0x2ab: {  	v58 =	vor.u32 v6, v10;
	v22 =	vld.idx.msk [tilespmem:v22+s23+$0x0], $0xffff;
	[tilespmem:s0+$0x20] =	vst v23  }
0x2ac: {  	v60 =	vor.u32 v3, v14;
	v28 =	vld.idx.msk [tilespmem:v28+s23+$0x0], $0xffff;
	[tilespmem:s8+$0x10] =	vst v54  }
0x2ad: {  	v59 =	vor.u32 v3, v12;
	[tilespmem:s30+$0xFFFFFFE0] =	vst v55;
	v24 =	vld.idx.msk [tilespmem:v56+s23+$0x0], $0xffff  }
0x2ae: {  	v62 =	vor.u32 v3, v15;
	v16 =	vld.idx.msk [tilespmem:v16+s23+$0x0], $0xffff;
	[tilespmem:s15+$0x20] =	vst v17  }
0x2af: {  	v8 =	vor.u32 v7, v8;
	v61 =	vld.idx.msk [tilespmem:v57+s23+$0x0], $0xffff;
	[tilespmem:s20+$0x20] =	vst v33  }
0x2b0: {  	v19 =	vld.idx.msk [tilespmem:v58+s23+$0x0], $0xffff;
	v30 =	vor.u32 v5, v9;
	[tilespmem:s6+$0x70] =	vst v22  }
0x2b1: {  	v63 =	vor.u32 v4, v13;
	[tilespmem:s10+$0x40] =	vst v28;
	v32 =	vld.idx.msk [tilespmem:v60+s23+$0x0], $0xffff  }
0x2b2: {  	v34 =	vor.u32 v4, v14;
	v23 =	vld.idx.msk [tilespmem:v59+s23+$0x0], $0xffff;
	[tilespmem:s8+$0x20] =	vst v24  }
0x2b3: {  	v35 =	vor.u32 v4, v12;
	[tilespmem:s28+$0x40] =	vst v16;
	v22 =	vld.idx.msk [tilespmem:v62+s23+$0x0], $0xffff  }
0x2b4: {  	v8 =	vld.idx.msk [tilespmem:v8+s23+$0x0], $0xffff;
	[tilespmem:s0+$0x30] =	vst v61  }
0x2b5: {  	v37 =	vor.u32 v5, v11;
	[tilespmem:s3+$0x60] =	vst v19;
	v38 =	vld.idx.msk [tilespmem:v30+s23+$0x0], $0xffff  }
0x2b6: {  	v31 =	vor.u32 v7, v10;
	v36 =	vld.idx.msk [tilespmem:v63+s23+$0x0], $0xffff;
	[tilespmem:s15+$0x30] =	vst v32  }
0x2b7: {  	v40 =	vor.u32 v5, v13;
	[tilespmem:s30+$0xFFFFFFF0] =	vst v23;
	v41 =	vld.idx.msk [tilespmem:v34+s23+$0x0], $0xffff  }
0x2b8: {  	v43 =	vor.u32 v5, v14;
	v42 =	vld.idx.msk [tilespmem:v35+s23+$0x0], $0xffff;
	[tilespmem:s8+$0x30] =	vst v22  }
0x2b9: {  	v44 =	vor.u32 v5, v12;
	[tilespmem:s20+$0x30] =	vst v8;
	v18 =	vld.idx.msk [tilespmem:v18+s23+$0x0], $0xffff  }
0x2ba: {  	v45 =	vor.u32 v5, v15;
	v19 =	vld.idx.msk [tilespmem:v37+s23+$0x0], $0xffff;
	[tilespmem:s10+$0x50] =	vst v38  }
0x2bb: {  	v39 =	vor.u32 v6, v9;
	v10 =	vld.idx.msk [tilespmem:v31+s23+$0x0], $0xffff;
	[tilespmem:s0+$0x40] =	vst v36  }
0x2bc: {  	v46 =	vor.u32 v6, v11;
	v16 =	vld.idx.msk [tilespmem:v40+s23+$0x0], $0xffff;
	[tilespmem:s15+$0x40] =	vst v41  }
0x2bd: {  	v49 =	vor.u32 v6, v13;
	[tilespmem:s30+$0x0] =	vst v42;
	v50 =	vld.idx.msk [tilespmem:v43+s23+$0x0], $0xffff  }
0x2be: {  	v52 =	vor.u32 v6, v14;
	v51 =	vld.idx.msk [tilespmem:v44+s23+$0x0], $0xffff;
	[tilespmem:s8+$0x40] =	vst v18  }
0x2bf: {  	v53 =	vor.u32 v6, v12;
	[tilespmem:s28+$0x50] =	vst v19;
	v54 =	vld.idx.msk [tilespmem:v45+s23+$0x0], $0xffff  }
0x2c0: {  	v55 =	vor.u32 v6, v15;
	[tilespmem:s3+$0x70] =	vst v10;
	v47 =	vld.idx.msk [tilespmem:v39+s23+$0x0], $0xffff  }
0x2c1: {  	v48 =	vor.u32 v7, v9;
	v10 =	vld.idx.msk [tilespmem:v46+s23+$0x0], $0xffff;
	[tilespmem:s0+$0x50] =	vst v16  }
0x2c2: {  	v56 =	vor.u32 v7, v11;
	v16 =	vld.idx.msk [tilespmem:v49+s23+$0x0], $0xffff;
	[tilespmem:s15+$0x50] =	vst v50  }
0x2c3: {  	v57 =	vor.u32 v7, v13;
	[tilespmem:s30+$0x10] =	vst v51;
	v58 =	vld.idx.msk [tilespmem:v52+s23+$0x0], $0xffff  }
0x2c4: {  	v60 =	vor.u32 v7, v14;
	v59 =	vld.idx.msk [tilespmem:v53+s23+$0x0], $0xffff;
	[tilespmem:s8+$0x50] =	vst v54  }
0x2c5: {  	v61 =	vor.u32 v7, v12;
	[tilespmem:s10+$0x60] =	vst v47;
	v62 =	vld.idx.msk [tilespmem:v55+s23+$0x0], $0xffff  }
0x2c6: {  	v63 =	vor.u32 v7, v15;
	[tilespmem:s28+$0x60] =	vst v10;
	v9 =	vld.idx.msk [tilespmem:v48+s23+$0x0], $0xffff  }
0x2c7: {  	v11 =	vld.idx.msk [tilespmem:v56+s23+$0x0], $0xffff;
	[tilespmem:s0+$0x60] =	vst v16  }
0x2c8: {  	s22 =	smulhi.u32 $0x51EB851F, s14;
	v13 =	vld.idx.msk [tilespmem:v57+s23+$0x0], $0xffff;
	[tilespmem:s15+$0x60] =	vst v58  }
0x2c9: {  	[tilespmem:s30+$0x20] =	vst v59;
	v14 =	vld.idx.msk [tilespmem:v60+s23+$0x0], $0xffff  }
0x2ca: {  	s1 =	sshrl.u32 s22, $0x4;
	v10 =	vld.idx.msk [tilespmem:v61+s23+$0x0], $0xffff;
	[tilespmem:s8+$0x60] =	vst v62  }
0x2cb: {  	s24 =	smul.u32 $0x32, s1;
	[tilespmem:s10+$0x70] =	vst v9;
	v8 =	vld.idx.msk [tilespmem:v63+s23+$0x0], $0xffff  }
0x2cc: {  	[tilespmem:s28+$0x70] =	vst v11  }
.Ltmp8:
0x2cd: {  	s29 =	ssub.s32 s14, s24;
	[tilespmem:s0+$0x70] =	vst v13;
	(pc) =	sbr.rel @p0 .LBB2_15-.Ltmp8, $4  }
0x2ce: {  	s1 =	sadd.s32 s11, s1;
	s0 =	sshll.u32 s29, $0x11;
	[tilespmem:s15+$0x70] =	vst v14  }
0x2cf: {  	s1 =	sshll.u32 s1, $0x7;
	[tilespmem:s30+$0x30] =	vst v10;
	s0 =	sadd.s32 s2, s0  }
0x2d0: {  	s31 =	simm.s32 $0xE200;
	s0 =	sadd.s32 s1, s0;
	[tilespmem:s8+$0x70] =	vst v8  }
0x2d1: {  	[hbm4b:s0+s25] =	stream.strided.scatter [tilespmem:s31], [sflag:$0xC], $0x2000, s26, s25, $0x38;
	[tilespmem:$0x10200] =	vst v63  }
.Ltmp9:
0x2d2: {  	s0 =	simm.s32 $0x4;
	(pc) =	sbr.rel .LBB2_2-.Ltmp9, $4  }
0x2d3: {  	_ =	swait.ge [sflag:s0], $0x80  }
0x2d4: {  	s31 =	simm.s32 $0x80;
	[sflag:s0] =	ssyncset.done $0x0  }
0x2d5: {  	s1 =	simm.s32 $0x180;
	s16 =	sadd.s32 $0x1, s16;
	[sflag:s0] =	ssyncadd.s32 $0xFFFFFF80  }
0x2d6: {  	[tilespmem:s23], [sflag:$0x8] =	stream.indirect.gather [hbm4b:s5+s31], $0x40, s1, s31, $0xb8;
	[tilespmem:$0x10200] =	vst v63  }
.LBB2_16:
0x2d7: {  	_ =	sfence.sel $0x180000  }
0x2d8: {  	[bflag:$0x0] =	sbarrier.arrive $0xFFFF  }
0x2d9: {  	_ =	strace $0x90000047  }
0x2da: {  	s0 =	stileid.u32;
	[bflag:$0x2] =	sbarrier.arrive $0xFFFF  }
0x2db: {  	p0 =	sne.s32 s0, $0x0;
	s0 =	rddreg [dreg:$0x2]  }
0x2dc: {  	s0 =	sadd.s32 @!p0 $0x100000, s0  }
0x2dd: {  	[sflag:s0] =	ssyncadd.tile.s32 @!p0 $0x1;
	_ =	shalt  }
.Lfunc_end2:
_tile_overlayer_lowered:
.L_overlay_start_2:
0x2de: {  	(tag) =	ssettag $0x2  }
0x2df: {  	s0 =	rddreg [dreg:$0x0];
	s2 =	stileid.u32  }
0x2e0: {  	s1 =	rddreg [dreg:$0x1];
	p0 =	sne.s32 s2, $0x0  }
0x2e1: {  	s3 =	rddreg [dreg:$0x2];
	[bflag:$0x3] =	sbarrier.arrive $0xFFFF;
	s2 =	simm.s32 @!p0 $0x1C0D  }
0x2e2: {  	[timem:s3], [sflag:s2] =	dma.local @!p0 [hbm:s0], s1  }
0x2e3: {  	s0 =	simm.s32 @!p0 $0xD  }
0x2e4: {  	_ =	swait.ge @!p0 [sflag:s0], s1  }
0x2e5: {  	s1 =	ssub.s32 @!p0 $0x0, s1;
	[sflag:s0] =	ssyncset.done @!p0 $0x0  }
0x2e6: {  	[sflag:s0] =	ssyncadd.s32 @!p0 s1  }
0x2e7: {  	[bflag:$0x3] =	sbarrier.arrive $0xFFFF  }
0x2e8: {  	_ =	shalt  }

</sc_bundles>
